<compile_context>
chip_gen: v7x
topology: tpu7x:2x2x1
jax: 0.10.2.dev20260603
libtpu: 0.0.44.dev20260713+nightly
codegen_flags: <defaults>
</compile_context>

<pallas_src>
import functools

import jax
import jax.numpy as jnp
from jax import lax
from jax.experimental import pallas as pl
from jax.experimental.pallas import tpu as pltpu
from jax.experimental.pallas import tpu_sc as plsc

GRID = (512, 512, 32)
TOTAL = GRID[0] * GRID[1] * GRID[2]
NWORD = TOTAL // 32
VMAX = 30000
ROWS = VMAX + 80
FEAT = 64
B = 2
N = 80000
NC = 4
SUB = 640
NSUB = N // SUB
_MESH = dict(core_axis_name="c", subcore_axis_name="s")


def _k1a_body(p_ref, cp_ref, wsum_ref, w3n_ref, beta_ref, a0_ref, a1_ref, a2_ref, a3_ref):
    p = p_ref[0]
    cp = cp_ref[...]
    lo, hi, rmin, vox, half = (cp[i : i + 1, :] for i in range(5))
    ptc = jnp.clip(p, lo, hi)
    q = (ptc - rmin) / vox
    cf = jnp.floor(q)
    vc = cf * vox + rmin + half
    a = jnp.dot(ptc, wsum_ref[...], preferred_element_type=jnp.float32)
    a = a + jnp.dot(vc, w3n_ref[...], preferred_element_type=jnp.float32)
    a = a + beta_ref[...]
    a0_ref[0] = a[:, 0:16]
    a1_ref[0] = a[:, 16:32]
    a2_ref[0] = a[:, 32:48]
    a3_ref[0] = a[:, 48:64]


def _k1a(pc_all, cparams, wsum, w3n, beta2d):
    blk = 4000
    return pl.pallas_call(
        _k1a_body,
        grid=(NC, N // blk),
        in_specs=[
            pl.BlockSpec((1, blk, 3), lambda c, i: (c, i, 0)),
            pl.BlockSpec((5, 3), lambda c, i: (0, 0)),
            pl.BlockSpec((3, FEAT), lambda c, i: (0, 0)),
            pl.BlockSpec((3, FEAT), lambda c, i: (0, 0)),
            pl.BlockSpec((1, FEAT), lambda c, i: (0, 0)),
        ],
        out_specs=[pl.BlockSpec((1, blk, 16), lambda c, i: (c, i, 0))] * 4,
        out_shape=[jax.ShapeDtypeStruct((NC, N, 16), jnp.float32)] * 4,
    )(pc_all, cparams, wsum, w3n, beta2d)


def _k1b_body(pt_ref, cpt_ref, flat_ref, xsc_ref):
    p = pt_ref[0]
    cpt = cpt_ref[...]
    lo, hi, rmin, vox = (cpt[:, i : i + 1] for i in range(4))
    ptc = jnp.clip(p, lo, hi)
    q = (ptc - rmin) / vox
    ci = jnp.floor(q).astype(jnp.int32)
    cx = ci[0:1, :]
    cy = ci[1:2, :]
    cz = ci[2:3, :]
    flat_ref[0] = (cz * GRID[1] + cy) * GRID[0] + cx
    xsc_ref[0] = ptc


def _k1b(pts_t, cparamsT):
    blkL = 16000
    nb = N // blkL
    flat, xsc = pl.pallas_call(
        _k1b_body,
        grid=(NC, nb),
        in_specs=[
            pl.BlockSpec((1, 3, blkL), lambda c, i: (c, 0, i)),
            pl.BlockSpec((3, 5), lambda c, i: (0, 0)),
        ],
        out_specs=[
            pl.BlockSpec((1, 1, blkL), lambda c, i: (c * nb + i, 0, 0)),
            pl.BlockSpec((1, 3, blkL), lambda c, i: (c, 0, i)),
        ],
        out_shape=[
            jax.ShapeDtypeStruct((NC * nb, 1, blkL), jnp.int32),
            jax.ShapeDtypeStruct((NC, 3, N), jnp.float32),
        ],
    )(pts_t, cparamsT)
    return flat.reshape(NC, N), xsc


def _k2_body(flat_hbm, o_ref, flv, posv, onesv, pidx):
    cid = lax.axis_index("c")
    sid = lax.axis_index("s")
    wid = cid * 16 + sid
    npt = (NC * N) // 32
    base = wid * npt
    cloud = wid >> 3
    pltpu.sync_copy(flat_hbm.at[pl.ds(base, npt)], flv)
    lanes = lax.iota(jnp.int32, 16)

    def step(i, _):
        f = flv[pl.ds(i * 16, 16)]
        pos = ((f & 31) << 18) + (f >> 5) + cloud * TOTAL
        posv[pl.ds(i * 16, 16)] = pos
        onesv[pl.ds(i * 16, 16)] = lanes * 0 + 1
        return 0

    lax.fori_loop(0, npt // 16, step, 0)

    def sc(j, _):
        def cpy(i, _):
            pidx[pl.ds(i * 16, 16)] = posv[pl.ds(j * 128 + i * 16, 16)]
            return 0

        lax.fori_loop(0, 8, cpy, 0)
        pltpu.sync_copy(onesv.at[pl.ds(0, 128)], o_ref.at[pidx])
        return 0

    lax.fori_loop(0, npt // 128, sc, 0)

    def cpy_t(i, _):
        pidx[pl.ds(i * 16, 16)] = posv[pl.ds(9984 + i * 16, 16)]
        return 0

    lax.fori_loop(0, 1, cpy_t, 0)
    pltpu.sync_copy(onesv.at[pl.ds(0, 128)],
                    o_ref.at[pidx.at[pl.ds(0, 128)]])


def _k2(flat1d, o_ref):
    npt = (NC * N) // 32
    fn = pl.kernel(
        _k2_body,
        out_type=(),
        mesh=plsc.VectorSubcoreMesh(**_MESH),
        scratch_types=[
            pltpu.VMEM((npt,), jnp.int32),
            pltpu.VMEM((npt,), jnp.int32),
            pltpu.VMEM((npt,), jnp.int32),
            pltpu.VMEM((128,), jnp.int32),
        ],
    )
    return fn(flat1d, o_ref)


def _k3_body(o_ref, u128_ref, l16_ref, m_ref, rw_ref, carry):
    j = pl.program_id(1)
    occ = (o_ref[0, :, 0] != 0).astype(jnp.int32)
    bit = lax.broadcasted_iota(jnp.int32, (32, 16, 128), 0)
    m_ref[0] = jnp.sum(occ << bit, axis=0)

    @pl.when(j == 0)
    def _():
        carry[0] = 0

    c16 = jnp.sum(occ, axis=0).astype(jnp.float32)
    lc = jnp.dot(c16, u128_ref[...], preferred_element_type=jnp.float32)
    rs = lc[:, 127:128]
    rcum = jnp.dot(l16_ref[...], rs, preferred_element_type=jnp.float32)
    excl = lc - c16 + (rcum - rs)
    base = carry[0]
    rw_ref[0] = excl.astype(jnp.int32) + base
    carry[0] = base + jnp.sum(c16).astype(jnp.int32)


def _k3(o_perm, u128, l16):
    nb = NWORD // 2048
    m, rw = pl.pallas_call(
        _k3_body,
        grid=(NC, nb),
        in_specs=[
            pl.BlockSpec((1, 32, 1, 16, 128), lambda c, j: (c, 0, j, 0, 0)),
            pl.BlockSpec((128, 128), lambda c, j: (0, 0)),
            pl.BlockSpec((16, 16), lambda c, j: (0, 0)),
        ],
        out_specs=[
            pl.BlockSpec((1, 16, 128), lambda c, j: (c * nb + j, 0, 0)),
            pl.BlockSpec((1, 16, 128), lambda c, j: (c * nb + j, 0, 0)),
        ],
        out_shape=[
            jax.ShapeDtypeStruct((NC * nb, 16, 128), jnp.int32),
            jax.ShapeDtypeStruct((NC * nb, 16, 128), jnp.int32),
        ],
        scratch_shapes=[pltpu.SMEM((1,), jnp.int32)],
    )(o_perm, u128, l16)
    return m.reshape(NC, NWORD), rw.reshape(NC, NWORD)


def _popcount(v):
    v = v - ((v >> 1) & 0x55555555)
    v = (v & 0x33333333) + ((v >> 2) & 0x33333333)
    v = (v + (v >> 4)) & 0x0F0F0F0F
    return (v * 0x01010101) >> 24



def kernel(pc0s_all, pc1s_all, W, gamma, beta):
    f32 = jnp.float32
    pc_all = jnp.concatenate([pc0s_all, pc1s_all], axis=0)

    voxel = jnp.array([0.2, 0.2, 0.2], f32)
    rmin = jnp.array([-51.2, -51.2, -3.2], f32)
    gridf = jnp.array(GRID, f32)
    rmax = rmin + voxel * gridf
    lo = rmin + 1e-4
    hi = rmax - 1e-4
    half = voxel * 0.5
    cparams = jnp.stack([lo, hi, rmin, voxel, half])

    wg = W * gamma[None, :]
    wsum = wg[0:3] + wg[3:6] + wg[6:9]
    w3n = -wg[6:9]
    w2 = wg[3:6]
    beta2d = beta.reshape(1, FEAT)

    a0, a1, a2, a3 = _k1a(pc_all, cparams, wsum, w3n, beta2d)

    ptsc = jnp.clip(pc_all, rmin + 1e-4, rmax - 1e-4)
    coords = jnp.floor((ptsc - rmin) / voxel).astype(jnp.int32)
    flat = (coords[..., 2] * GRID[1] + coords[..., 1]) * GRID[0] + coords[..., 0]

    o_ref = jax.new_ref(jnp.zeros((NC * TOTAL,), jnp.int32))
    _k2(flat.reshape(NC * N), o_ref)
    o_perm = o_ref[...].reshape(NC, 32, NWORD // 2048, 16, 128)
    iota128 = lax.broadcasted_iota(jnp.int32, (128, 128), 0)
    u128 = (iota128 <= iota128.T).astype(f32)
    iota16 = lax.broadcasted_iota(jnp.int32, (16, 16), 0)
    l16 = (iota16 >= iota16.T).astype(f32)
    m, rw = _k3(o_perm, u128, l16)

    flatf = flat.reshape(NC * N)
    cloud_ids = jnp.arange(NC * N, dtype=jnp.int32) // N
    w_idx = (flatf >> 5) + cloud_ids * NWORD
    mw = m.reshape(NC * NWORD)[w_idx]
    rww = rw.reshape(NC * NWORD)[w_idx]
    below = (jnp.int32(1) << (flatf & 31)) - 1
    inv = rww + _popcount(mw & below)

    seg = jnp.where(inv < VMAX, inv + cloud_ids * VMAX, NC * VMAX)
    segp = jnp.concatenate([seg, jnp.full((8,), NC * VMAX, jnp.int32)])
    ones = jnp.ones((NC * N + 8,), f32)
    counts = jax.ops.segment_sum(ones, segp, num_segments=NC * VMAX + 1)[: NC * VMAX]
    denom = jnp.maximum(counts, 1.0)
    pts_p = jnp.concatenate([ptsc.reshape(NC * N, 3), jnp.zeros((8, 3), f32)])
    sums = jax.ops.segment_sum(pts_p, segp, num_segments=NC * VMAX + 1)[: NC * VMAX]
    means = sums / denom[:, None]
    mpt = means[jnp.minimum(seg, NC * VMAX - 1)]
    a_full = jnp.concatenate(
        [a0.reshape(NC * N, 16), a1.reshape(NC * N, 16),
         a2.reshape(NC * N, 16), a3.reshape(NC * N, 16)], axis=1)
    pf = jnp.maximum(a_full - mpt @ w2, 0.0)
    pf_p = jnp.concatenate([pf, jnp.zeros((8, FEAT), f32)])
    vsum = jax.ops.segment_sum(pf_p, segp, num_segments=NC * VMAX + 1)[: NC * VMAX]
    valid = counts > 0.0
    feats = jnp.where(valid[:, None], vsum / denom[:, None], 0.0)

    flat_p = jnp.concatenate([flatf, jnp.zeros((8,), jnp.int32)])
    uflat = jax.ops.segment_max(flat_p, segp, num_segments=NC * VMAX + 1)[: NC * VMAX]
    ux = uflat & 511
    uy = (uflat >> 9) & 511
    uz = uflat >> 18
    bcol = (jnp.arange(NC, dtype=jnp.int32) & 1).repeat(VMAX)
    tcol = (jnp.arange(NC, dtype=jnp.int32) >> 1).repeat(VMAX)
    c5 = jnp.stack([bcol, ux, uy, uz, tcol], axis=1)
    lane5 = jnp.arange(5, dtype=jnp.int32)[None, :]
    default = jnp.where(lane5 == 0, bcol[:, None],
                        jnp.where(lane5 == 4, tcol[:, None], -1))
    coors = jnp.where(valid[:, None], c5, default)
    return feats, coors

# --- scband reference (transcript-rebuilt; emitter-appended) ---
"""Pipeline reference for scband-dynamic-embedder-4-d-less-to-more-2087354106086 (READ-ONLY COPY).

The authoritative reference and input builder live on the scoring server;
editing this copy changes nothing except your own understanding.
"""

import jax, jax.numpy as jnp
import numpy as np

VOXEL = jnp.array([0.2, 0.2, 0.2], dtype=jnp.float32)
RMIN = jnp.array([-51.2, -51.2, -3.2], dtype=jnp.float32)
GRID = (512, 512, 32)  # (x, y, z) cells
VMAX = 30000           # max occupied voxels per point cloud (padding for jnp.unique)
FEAT = 64
B = 2
N = 80000


def setup_inputs(seed: int = 0) -> dict:
    key = jax.random.key(seed)
    k1, k2, k3 = jax.random.split(key, 3)
    scale = jnp.array([15.0, 15.0, 1.0], dtype=jnp.float32)
    pc0 = jax.random.normal(k1, (B, N, 3), dtype=jnp.float32) * scale
    pc1 = jax.random.normal(k2, (B, N, 3), dtype=jnp.float32) * scale
    # learned params: PFN linear (9 -> FEAT, no bias) + BatchNorm (eval mode, running stats 0/1)
    W = jax.random.normal(k3, (9, FEAT), dtype=jnp.float32) * (1.0 / np.sqrt(9.0))
    gamma = jnp.ones((FEAT,), dtype=jnp.float32)
    beta = jnp.zeros((FEAT,), dtype=jnp.float32)
    return {"pc0s_all": pc0, "pc1s_all": pc1, "W": W, "gamma": gamma, "beta": beta}


def _embed_one(points, W, gamma, beta):
    # DynamicVoxelizer: map points to voxel coords, keep in-range (here: clip into range)
    rmax = RMIN + VOXEL * jnp.array(GRID, dtype=jnp.float32)
    pts = jnp.clip(points, RMIN + 1e-4, rmax - 1e-4)
    coords = jnp.floor((pts - RMIN) / VOXEL).astype(jnp.int32)  # (x, y, z) indices
    cx, cy, cz = coords[:, 0], coords[:, 1], coords[:, 2]
    flat = (cz * GRID[1] + cy) * GRID[0] + cx
    total = GRID[0] * GRID[1] * GRID[2]
    uniq, inv = jnp.unique(flat, size=VMAX, fill_value=total, return_inverse=True)
    inv = inv.reshape(-1)
    ones = jnp.ones((pts.shape[0],), dtype=jnp.float32)
    counts = jax.ops.segment_sum(ones, inv, num_segments=VMAX)
    denom = jnp.maximum(counts, 1.0)
    # DynamicPillarFeatureNet_flow4D: cluster-center and voxel-center offsets
    sums = jax.ops.segment_sum(pts, inv, num_segments=VMAX)
    means = sums / denom[:, None]
    f_cluster = pts - means[inv]
    vox_center = coords.astype(jnp.float32) * VOXEL + RMIN + VOXEL * 0.5
    f_center = pts - vox_center
    feats = jnp.concatenate([pts, f_cluster, f_center], axis=1)  # [N, 9]
    pf = feats @ W
    pf = pf * gamma + beta  # BN eval with running stats (0, 1)
    pf = jax.nn.relu(pf)
    # mode='avg': per-voxel mean scatter-reduce
    vsum = jax.ops.segment_sum(pf, inv, num_segments=VMAX)
    vfeat = vsum / denom[:, None]
    valid = counts > 0
    vfeat = jnp.where(valid[:, None], vfeat, 0.0)
    ux = uniq % GRID[0]
    uy = (uniq // GRID[0]) % GRID[1]
    uz = uniq // (GRID[0] * GRID[1])
    vcoords = jnp.stack([uz, uy, ux], axis=1).astype(jnp.int32)  # (z, y, x)
    vcoords = jnp.where(valid[:, None], vcoords, -1)
    return vfeat, vcoords


def reference(pc0s_all, pc1s_all, W, gamma, beta):
    frames = [pc0s_all, pc1s_all]  # frame_keys = ['pc0s_all', 'pc1s_all']
    voxel_feats_list = []
    voxel_coors_list = []
    for time_index, pc in enumerate(frames):
        ff = []
        cc = []
        for batch_index in range(pc.shape[0]):
            vfeat, vcoords = _embed_one(pc[batch_index], W, gamma, beta)
            bcol = jnp.full((vcoords.shape[0], 1), batch_index, dtype=jnp.int32)
            # voxel_coors[:, [2,1,0]] : (z,y,x) -> (x,y,z); prepend batch index
            vc_b = jnp.concatenate([bcol, vcoords[:, ::-1]], axis=1)
            ff.append(vfeat)
            cc.append(vc_b)
        feats_sp = jnp.concatenate(ff, axis=0)
        coors_sp = jnp.concatenate(cc, axis=0)
        tcol = jnp.full((coors_sp.shape[0], 1), time_index, dtype=jnp.int32)
        coors_sp_4d = jnp.concatenate([coors_sp, tcol], axis=1)  # [b, x, y, z, t]
        voxel_feats_list.append(feats_sp)
        voxel_coors_list.append(coors_sp_4d)
    all_voxel_feats = jnp.concatenate(voxel_feats_list, axis=0)
    all_coors_4d = jnp.concatenate(voxel_coors_list, axis=0)
    return all_voxel_feats, all_coors_4d

if __name__ == "__main__":
    import jax
    _d = setup_inputs()
    print(jax.jit(kernel)(*tuple(_d.values())))

</pallas_src>

<mosaic_0001>
#map = affine_map<(d0, d1) -> (0)>
module attributes {stable_mosaic.version = 14 : i64} {
  func.func @new_body(%arg0: i32, %arg1: i32, %arg2: memref<320000xi32, #tpu.memory_space<hbm>>, %arg3: memref<33554432xi32, #tpu.memory_space<hbm>>, %arg4: memref<33554432xi32, #tpu.memory_space<hbm>>, %arg5: memref<10000xi32, #tpu.memory_space<vmem>>, %arg6: memref<10000xi32, #tpu.memory_space<vmem>>, %arg7: memref<10000xi32, #tpu.memory_space<vmem>>, %arg8: memref<128xi32, #tpu.memory_space<vmem>>) attributes {dimension_semantics = [#tpu.dimension_semantics<core_parallel>, #tpu.dimension_semantics<subcore_parallel>], iteration_bounds = array<i64: 2, 16>, scalar_prefetch = 0 : i64, scratch_operands = 4 : i64, tpu.core_type = #tpu.core_type<sc_vector_subcore>, window_params = [{transform_indices = #map}, {transform_indices = #map}, {transform_indices = #map}]} {
    %mul3A = arith.constant 16 : i32
    %mul3A_0 = arith.muli %arg0, %mul3A : i32
    %add3A = arith.addi %mul3A_0, %arg1 : i32
    %mul3A_1 = arith.constant 10000 : i32
    %mul3A_2 = arith.muli %add3A, %mul3A_1 : i32
    %shift_right_arithmetic3A = arith.constant 3 : i32
    %shift_right_arithmetic3A_3 = arith.shrsi %add3A, %shift_right_arithmetic3A : i32
    "tpu.region"() ({
      %run_scoped3A = tpu.sem_alloc : memref<!tpu.dma_semaphore, #tpu.memory_space<semaphore_mem>>
      %dma_start3A = tpu.memref_slice %arg2[%mul3A_2] : memref<320000xi32, #tpu.memory_space<hbm>> -> memref<10000xi32, #tpu.memory_space<hbm>>
      %dma_start3A_32 = tpu.memref_slice %arg2[%mul3A_2] : memref<320000xi32, #tpu.memory_space<hbm>> -> memref<10000xi32, #tpu.memory_space<hbm>>
      tpu.enqueue_dma source(%dma_start3A_32 : memref<10000xi32, #tpu.memory_space<hbm>>) target(%arg5 : memref<10000xi32, #tpu.memory_space<vmem>>) target_semaphore(%run_scoped3A : memref<!tpu.dma_semaphore, #tpu.memory_space<semaphore_mem>>)
      %dma_wait3A = tpu.memref_slice %arg2[%mul3A_2] : memref<320000xi32, #tpu.memory_space<hbm>> -> memref<10000xi32, #tpu.memory_space<hbm>>
      %dma_wait3A_33 = tpu.memref_slice %arg2[%mul3A_2] : memref<320000xi32, #tpu.memory_space<hbm>> -> memref<10000xi32, #tpu.memory_space<hbm>>
      tpu.wait_dma2 semaphore(%run_scoped3A : memref<!tpu.dma_semaphore, #tpu.memory_space<semaphore_mem>>) src(%dma_wait3A_33 : memref<10000xi32, #tpu.memory_space<hbm>>) dst(%arg5 : memref<10000xi32, #tpu.memory_space<vmem>>)
      tpu.yield
    }) : () -> ()
    %iota3A = tpu.iota {dimensions = array<i32: 0>} : vector<16xi32>
    %scan3A = arith.constant 0 : i32
    %scan3A_4 = arith.constant 0 : i32
    %scan3A_5 = arith.constant 625 : i32
    %scan3A_6 = arith.addi %scan3A_4, %scan3A_5 : i32
    %scan3A_7 = arith.constant 1 : i32
    %scan3A_8 = scf.for %scan3A_32 = %scan3A_4 to %scan3A_6 step %scan3A_7 iter_args(%scan3A_33 = %scan3A) -> (i32)  : i32 {
      %mul3A_34 = arith.constant 16 : i32
      %mul3A_35 = arith.muli %scan3A_32, %mul3A_34 : i32
      %get3A_36 = arith.index_cast %mul3A_35 : i32 to index
      %get3A_37 = tpu.vector_load %arg5[%get3A_36] {strides = array<i32>} : memref<10000xi32, #tpu.memory_space<vmem>>, vector<16xi32>,
      %get3A_38 = vector.shape_cast %get3A_37 : vector<16xi32> to vector<16xi32>
      %and3A = arith.constant 31 : i32
      %and3A_39 = vector.broadcast %and3A : i32 to vector<16xi32>
      %and3A_40 = arith.andi %get3A_38, %and3A_39 : vector<16xi32>
      %shift_left3A = arith.constant 18 : i32
      %shift_left3A_41 = vector.broadcast %shift_left3A : i32 to vector<16xi32>
      %shift_left3A_42 = arith.shli %and3A_40, %shift_left3A_41 : vector<16xi32>
      %shift_right_arithmetic3A_43 = arith.constant 5 : i32
      %shift_right_arithmetic3A_44 = vector.broadcast %shift_right_arithmetic3A_43 : i32 to vector<16xi32>
      %shift_right_arithmetic3A_45 = arith.shrsi %get3A_38, %shift_right_arithmetic3A_44 : vector<16xi32>
      %add3A_46 = arith.addi %shift_left3A_42, %shift_right_arithmetic3A_45 : vector<16xi32>
      %mul3A_47 = arith.constant 8388608 : i32
      %mul3A_48 = arith.muli %shift_right_arithmetic3A_3, %mul3A_47 : i32
      %add3A_49 = vector.broadcast %mul3A_48 : i32 to vector<16xi32>
      %add3A_50 = arith.addi %add3A_46, %add3A_49 : vector<16xi32>
      %mul3A_51 = arith.constant 16 : i32
      %mul3A_52 = arith.muli %scan3A_32, %mul3A_51 : i32
      %swap3A_53 = arith.index_cast %mul3A_52 : i32 to index
      %swap3A_54 = tpu.vector_load %arg6[%swap3A_53] {strides = array<i32>} : memref<10000xi32, #tpu.memory_space<vmem>>, vector<16xi32>,
      %swap3A_55 = vector.shape_cast %swap3A_54 : vector<16xi32> to vector<16xi32>
      %swap3A_56 = vector.shape_cast %add3A_50 : vector<16xi32> to vector<16xi32>
      tpu.vector_store %arg6[%swap3A_53], %swap3A_56 {strides = array<i32>} : memref<10000xi32, #tpu.memory_space<vmem>>, vector<16xi32>,
      %mul3A_57 = arith.constant 0 : i32
      %mul3A_58 = vector.broadcast %mul3A_57 : i32 to vector<16xi32>
      %mul3A_59 = arith.muli %iota3A, %mul3A_58 : vector<16xi32>
      %add3A_60 = arith.constant 1 : i32
      %add3A_61 = vector.broadcast %add3A_60 : i32 to vector<16xi32>
      %add3A_62 = arith.addi %mul3A_59, %add3A_61 : vector<16xi32>
      %mul3A_63 = arith.constant 16 : i32
      %mul3A_64 = arith.muli %scan3A_32, %mul3A_63 : i32
      %swap3A_65 = arith.index_cast %mul3A_64 : i32 to index
      %swap3A_66 = tpu.vector_load %arg7[%swap3A_65] {strides = array<i32>} : memref<10000xi32, #tpu.memory_space<vmem>>, vector<16xi32>,
      %swap3A_67 = vector.shape_cast %swap3A_66 : vector<16xi32> to vector<16xi32>
      %swap3A_68 = vector.shape_cast %add3A_62 : vector<16xi32> to vector<16xi32>
      tpu.vector_store %arg7[%swap3A_65], %swap3A_68 {strides = array<i32>} : memref<10000xi32, #tpu.memory_space<vmem>>, vector<16xi32>,
      %scan3A_69 = arith.constant 0 : i32
      scf.yield %scan3A_69 : i32
    }
    %scan3A_9 = arith.constant 625 : i32
    %scan3A_10 = arith.constant 0 : i32
    %scan3A_11 = arith.constant 0 : i32
    %scan3A_12 = arith.constant 78 : i32
    %scan3A_13 = arith.addi %scan3A_11, %scan3A_12 : i32
    %scan3A_14 = arith.constant 1 : i32
    %scan3A_15 = scf.for %scan3A_32 = %scan3A_11 to %scan3A_13 step %scan3A_14 iter_args(%scan3A_33 = %scan3A_10) -> (i32)  : i32 {
      %scan3A_34 = arith.constant 0 : i32
      %scan3A_35 = arith.constant 0 : i32
      %scan3A_36 = arith.constant 8 : i32
      %scan3A_37 = arith.addi %scan3A_35, %scan3A_36 : i32
      %scan3A_38 = arith.constant 1 : i32
      %scan3A_39 = scf.for %scan3A_42 = %scan3A_35 to %scan3A_37 step %scan3A_38 iter_args(%scan3A_43 = %scan3A_34) -> (i32)  : i32 {
        %mul3A_44 = arith.constant 128 : i32
        %mul3A_45 = arith.muli %scan3A_32, %mul3A_44 : i32
        %mul3A_46 = arith.constant 16 : i32
        %mul3A_47 = arith.muli %scan3A_42, %mul3A_46 : i32
        %add3A_48 = arith.addi %mul3A_45, %mul3A_47 : i32
        %get3A_49 = arith.index_cast %add3A_48 : i32 to index
        %get3A_50 = tpu.vector_load %arg6[%get3A_49] {strides = array<i32>} : memref<10000xi32, #tpu.memory_space<vmem>>, vector<16xi32>,
        %get3A_51 = vector.shape_cast %get3A_50 : vector<16xi32> to vector<16xi32>
        %mul3A_52 = arith.constant 16 : i32
        %mul3A_53 = arith.muli %scan3A_42, %mul3A_52 : i32
        %swap3A_54 = arith.index_cast %mul3A_53 : i32 to index
        %swap3A_55 = tpu.vector_load %arg8[%swap3A_54] {strides = array<i32>} : memref<128xi32, #tpu.memory_space<vmem>>, vector<16xi32>,
        %swap3A_56 = vector.shape_cast %swap3A_55 : vector<16xi32> to vector<16xi32>
        %swap3A_57 = vector.shape_cast %get3A_51 : vector<16xi32> to vector<16xi32>
        tpu.vector_store %arg8[%swap3A_54], %swap3A_57 {strides = array<i32>} : memref<128xi32, #tpu.memory_space<vmem>>, vector<16xi32>,
        %scan3A_58 = arith.constant 0 : i32
        scf.yield %scan3A_58 : i32
      }
      %scan3A_40 = arith.constant 8 : i32
      "tpu.region"() ({
        %run_scoped3A = tpu.sem_alloc : memref<!tpu.dma_semaphore, #tpu.memory_space<semaphore_mem>>
        %dma_start3A = arith.constant 0 : i32
        %dma_start3A_42 = tpu.memref_slice %arg7[%dma_start3A] : memref<10000xi32, #tpu.memory_space<vmem>> -> memref<128xi32, #tpu.memory_space<vmem>>
        %dma_start3A_43 = arith.constant 0 : i32
        %dma_start3A_44 = tpu.memref_slice %arg3[%dma_start3A_43] : memref<33554432xi32, #tpu.memory_space<hbm>> -> memref<33554432xi32, #tpu.memory_space<hbm>>
        tpu.enqueue_indirect_dma source(%dma_start3A_42 : memref<128xi32, #tpu.memory_space<vmem>>) target(%dma_start3A_44 : memref<33554432xi32, #tpu.memory_space<hbm>>) offsets(%arg8 : memref<128xi32, #tpu.memory_space<vmem>>) semaphore(%run_scoped3A : memref<!tpu.dma_semaphore, #tpu.memory_space<semaphore_mem>>)
        %dma_wait3A = arith.constant 0 : i32
        %dma_wait3A_45 = tpu.memref_slice %arg7[%dma_wait3A] : memref<10000xi32, #tpu.memory_space<vmem>> -> memref<128xi32, #tpu.memory_space<vmem>>
        %dma_wait3A_46 = arith.constant 0 : i32
        %dma_wait3A_47 = tpu.memref_slice %arg3[%dma_wait3A_46] : memref<33554432xi32, #tpu.memory_space<hbm>> -> memref<33554432xi32, #tpu.memory_space<hbm>>
        tpu.wait_indirect_dma semaphore(%run_scoped3A : memref<!tpu.dma_semaphore, #tpu.memory_space<semaphore_mem>>) src(%dma_wait3A_45 : memref<128xi32, #tpu.memory_space<vmem>>) dst(%dma_wait3A_47 : memref<33554432xi32, #tpu.memory_space<hbm>>)
        tpu.yield
      }) : () -> ()
      %scan3A_41 = arith.constant 0 : i32
      scf.yield %scan3A_41 : i32
    }
    %scan3A_16 = arith.constant 78 : i32
    %scan3A_17 = arith.constant 0 : i32
    %scan3A_18 = arith.constant 0 : i32
    %mul3A_19 = arith.constant 16 : i32
    %mul3A_20 = arith.muli %scan3A_18, %mul3A_19 : i32
    %add3A_21 = arith.constant 9984 : i32
    %add3A_22 = arith.addi %add3A_21, %mul3A_20 : i32
    %get3A = arith.index_cast %add3A_22 : i32 to index
    %get3A_23 = tpu.vector_load %arg6[%get3A] {strides = array<i32>} : memref<10000xi32, #tpu.memory_space<vmem>>, vector<16xi32>,
    %get3A_24 = vector.shape_cast %get3A_23 : vector<16xi32> to vector<16xi32>
    %mul3A_25 = arith.constant 16 : i32
    %mul3A_26 = arith.muli %scan3A_18, %mul3A_25 : i32
    %swap3A = arith.index_cast %mul3A_26 : i32 to index
    %swap3A_27 = tpu.vector_load %arg8[%swap3A] {strides = array<i32>} : memref<128xi32, #tpu.memory_space<vmem>>, vector<16xi32>,
    %swap3A_28 = vector.shape_cast %swap3A_27 : vector<16xi32> to vector<16xi32>
    %swap3A_29 = vector.shape_cast %get3A_24 : vector<16xi32> to vector<16xi32>
    tpu.vector_store %arg8[%swap3A], %swap3A_29 {strides = array<i32>} : memref<128xi32, #tpu.memory_space<vmem>>, vector<16xi32>,
    %scan3A_30 = arith.constant 0 : i32
    %scan3A_31 = arith.constant 1 : i32
    "tpu.region"() ({
      %run_scoped3A = tpu.sem_alloc : memref<!tpu.dma_semaphore, #tpu.memory_space<semaphore_mem>>
      %dma_start3A = arith.constant 0 : i32
      %dma_start3A_32 = tpu.memref_slice %arg7[%dma_start3A] : memref<10000xi32, #tpu.memory_space<vmem>> -> memref<128xi32, #tpu.memory_space<vmem>>
      %dma_start3A_33 = arith.constant 0 : i32
      %dma_start3A_34 = tpu.memref_slice %arg8[%dma_start3A_33] : memref<128xi32, #tpu.memory_space<vmem>> -> memref<128xi32, #tpu.memory_space<vmem>>
      %dma_start3A_35 = arith.constant 0 : i32
      %dma_start3A_36 = tpu.memref_slice %arg3[%dma_start3A_35] : memref<33554432xi32, #tpu.memory_space<hbm>> -> memref<33554432xi32, #tpu.memory_space<hbm>>
      tpu.enqueue_indirect_dma source(%dma_start3A_32 : memref<128xi32, #tpu.memory_space<vmem>>) target(%dma_start3A_36 : memref<33554432xi32, #tpu.memory_space<hbm>>) offsets(%dma_start3A_34 : memref<128xi32, #tpu.memory_space<vmem>>) semaphore(%run_scoped3A : memref<!tpu.dma_semaphore, #tpu.memory_space<semaphore_mem>>)
      %dma_wait3A = arith.constant 0 : i32
      %dma_wait3A_37 = tpu.memref_slice %arg7[%dma_wait3A] : memref<10000xi32, #tpu.memory_space<vmem>> -> memref<128xi32, #tpu.memory_space<vmem>>
      %dma_wait3A_38 = arith.constant 0 : i32
      %dma_wait3A_39 = tpu.memref_slice %arg8[%dma_wait3A_38] : memref<128xi32, #tpu.memory_space<vmem>> -> memref<128xi32, #tpu.memory_space<vmem>>
      %dma_wait3A_40 = arith.constant 0 : i32
      %dma_wait3A_41 = tpu.memref_slice %arg3[%dma_wait3A_40] : memref<33554432xi32, #tpu.memory_space<hbm>> -> memref<33554432xi32, #tpu.memory_space<hbm>>
      tpu.wait_indirect_dma semaphore(%run_scoped3A : memref<!tpu.dma_semaphore, #tpu.memory_space<semaphore_mem>>) src(%dma_wait3A_37 : memref<128xi32, #tpu.memory_space<vmem>>) dst(%dma_wait3A_41 : memref<33554432xi32, #tpu.memory_space<hbm>>)
      tpu.yield
    }) : () -> ()
    return
  }
}

module attributes {stable_mosaic.version = 14 : i64} {
  func.func @_k3_body(%arg0: i32, %arg1: i32, %arg2: memref<1x32x1x16x128xi32, #tpu.memory_space<vmem>>, %arg3: memref<128x128xf32, #tpu.memory_space<vmem>>, %arg4: memref<16x16xf32, #tpu.memory_space<vmem>>, %arg5: memref<1x16x128xi32, #tpu.memory_space<vmem>>, %arg6: memref<1x16x128xi32, #tpu.memory_space<vmem>>, %arg7: memref<1xi32, #tpu.memory_space<smem>>) attributes {dimension_semantics = [#tpu.dimension_semantics<arbitrary>, #tpu.dimension_semantics<arbitrary>], iteration_bounds = array<i64: 4, 128>, scalar_prefetch = 0 : i64, scratch_operands = 1 : i64, tpu.core_type = #tpu.core_type<tc>, window_params = [{transform_indices = @transform_0, window_bounds = array<i64: 1, 32, 1, 16, 128>}, {pipeline_mode = #tpu.pipeline_mode<synchronous>, transform_indices = @transform_1, window_bounds = array<i64: 128, 128>}, {pipeline_mode = #tpu.pipeline_mode<synchronous>, transform_indices = @transform_2, window_bounds = array<i64: 16, 16>}, {transform_indices = @transform_3, window_bounds = array<i64: 1, 16, 128>}, {transform_indices = @transform_4, window_bounds = array<i64: 1, 16, 128>}]} {
    %get3A = arith.constant 0 : index
    %get3A_0 = arith.constant 0 : index
    %get3A_1 = arith.constant 0 : index
    %get3A_2 = arith.constant 0 : index
    %get3A_3 = arith.constant 0 : index
    %get3A_4 = vector.load %arg2[%get3A, %get3A_0, %get3A_1, %get3A_2, %get3A_3] : memref<1x32x1x16x128xi32, #tpu.memory_space<vmem>>, vector<1x32x1x16x128xi32>
    %get3A_5 = vector.shape_cast %get3A_4 : vector<1x32x1x16x128xi32> to vector<32x16x128xi32>
    %ne3A = arith.constant 0 : i32
    %ne3A_6 = vector.broadcast %ne3A : i32 to vector<32x16x128xi32>
    %ne3A_7 = arith.cmpi ne, %get3A_5, %ne3A_6 : vector<32x16x128xi32>
    %convert_element_type3A = arith.extui %ne3A_7 : vector<32x16x128xi1> to vector<32x16x128xi32>
    %iota3A = tpu.iota {dimensions = array<i32: 0>} : vector<32x16x128xi32>
    %shift_left3A = arith.shli %convert_element_type3A, %iota3A : vector<32x16x128xi32>
    %reduce_sum3A = arith.constant dense<0> : vector<16x128xi32>
    %reduce_sum3A_8 = vector.multi_reduction <add>, %shift_left3A, %reduce_sum3A [0] : vector<32x16x128xi32> to vector<16x128xi32>
    %swap3A = arith.constant 0 : index
    %swap3A_9 = arith.constant 0 : index
    %swap3A_10 = arith.constant 0 : index
    %swap3A_11 = vector.load %arg5[%swap3A, %swap3A_9, %swap3A_10] : memref<1x16x128xi32, #tpu.memory_space<vmem>>, vector<1x16x128xi32>
    %swap3A_12 = vector.shape_cast %swap3A_11 : vector<1x16x128xi32> to vector<16x128xi32>
    %swap3A_13 = vector.shape_cast %reduce_sum3A_8 : vector<16x128xi32> to vector<1x16x128xi32>
    tpu.vector_store %arg5[%swap3A, %swap3A_9, %swap3A_10], %swap3A_13 {strides = array<i32>} : memref<1x16x128xi32, #tpu.memory_space<vmem>>, vector<1x16x128xi32>,
    %eq3A = arith.constant 0 : i32
    %eq3A_14 = arith.cmpi eq, %arg1, %eq3A : i32
    %convert_element_type3A_15 = arith.extui %eq3A_14 : i1 to i32
    %cond3A = arith.constant 0 : i32
    %cond3A_16 = arith.cmpi ne, %convert_element_type3A_15, %cond3A : i32
    scf.if %cond3A_16 {
      %swap3A_51 = arith.constant 0 : i32
      %swap3A_52 = arith.constant 0 : index
      %swap3A_53 = memref.load %arg7[%swap3A_52] : memref<1xi32, #tpu.memory_space<smem>>
      memref.store %swap3A_51, %arg7[%swap3A_52] : memref<1xi32, #tpu.memory_space<smem>>
    } else {
    }
    %reduce_sum3A_17 = arith.constant dense<0> : vector<16x128xi32>
    %reduce_sum3A_18 = vector.multi_reduction <add>, %convert_element_type3A, %reduce_sum3A_17 [0] : vector<32x16x128xi32> to vector<16x128xi32>
    %convert_element_type3A_19 = arith.sitofp %reduce_sum3A_18 : vector<16x128xi32> to vector<16x128xf32>
    %get3A_20 = arith.constant 0 : index
    %get3A_21 = arith.constant 0 : index
    %get3A_22 = vector.load %arg3[%get3A_20, %get3A_21] : memref<128x128xf32, #tpu.memory_space<vmem>>, vector<128x128xf32>
    %dot_general3A = arith.constant dense<0.000000e+00> : vector<16x128xf32>
    %dot_general3A_23 = tpu.matmul %convert_element_type3A_19, %get3A_22, %dot_general3A {dimension_numbers = #tpu.dot_dimension_numbers<[1], [0], [0], [1], [0, 0, 1, 1], [], []>, transpose_lhs_hint = false} : vector<16x128xf32>, vector<128x128xf32>, vector<16x128xf32> -> vector<16x128xf32>
    %slice3A = vector.extract_strided_slice %dot_general3A_23 {offsets = [0, 127], sizes = [16, 1], strides = [1, 1]} : vector<16x128xf32> to vector<16x1xf32>
    %get3A_24 = arith.constant 0 : index
    %get3A_25 = arith.constant 0 : index
    %get3A_26 = vector.load %arg4[%get3A_24, %get3A_25] : memref<16x16xf32, #tpu.memory_space<vmem>>, vector<16x16xf32>
    %dot_general3A_27 = arith.constant dense<0.000000e+00> : vector<16x1xf32>
    %dot_general3A_28 = tpu.matmul %get3A_26, %slice3A, %dot_general3A_27 {dimension_numbers = #tpu.dot_dimension_numbers<[1], [0], [0], [1], [0, 0, 1, 1], [], []>, transpose_lhs_hint = false} : vector<16x16xf32>, vector<16x1xf32>, vector<16x1xf32> -> vector<16x1xf32>
    %sub3A = arith.subf %dot_general3A_23, %convert_element_type3A_19 : vector<16x128xf32>
    %sub3A_29 = arith.subf %dot_general3A_28, %slice3A : vector<16x1xf32>
    %add3A = vector.broadcast %sub3A_29 : vector<16x1xf32> to vector<16x128xf32>
    %add3A_30 = arith.addf %sub3A, %add3A : vector<16x128xf32>
    %get3A_31 = arith.constant 0 : index
    %get3A_32 = memref.load %arg7[%get3A_31] : memref<1xi32, #tpu.memory_space<smem>>
    %convert_element_type3A_33 = arith.fptosi %add3A_30 : vector<16x128xf32> to vector<16x128xi32>
    %add3A_34 = vector.broadcast %get3A_32 : i32 to vector<16x128xi32>
    %add3A_35 = arith.addi %convert_element_type3A_33, %add3A_34 : vector<16x128xi32>
    %swap3A_36 = arith.constant 0 : index
    %swap3A_37 = arith.constant 0 : index
    %swap3A_38 = arith.constant 0 : index
    %swap3A_39 = vector.load %arg6[%swap3A_36, %swap3A_37, %swap3A_38] : memref<1x16x128xi32, #tpu.memory_space<vmem>>, vector<1x16x128xi32>
    %swap3A_40 = vector.shape_cast %swap3A_39 : vector<1x16x128xi32> to vector<16x128xi32>
    %swap3A_41 = vector.shape_cast %add3A_35 : vector<16x128xi32> to vector<1x16x128xi32>
    tpu.vector_store %arg6[%swap3A_36, %swap3A_37, %swap3A_38], %swap3A_41 {strides = array<i32>} : memref<1x16x128xi32, #tpu.memory_space<vmem>>, vector<1x16x128xi32>,
    %reduce_sum3A_42 = vector.shape_cast %convert_element_type3A_19 : vector<16x128xf32> to vector<1x16x128xf32>
    %reduce_sum3A_43 = arith.constant dense<0.000000e+00> : vector<1xf32>
    %reduce_sum3A_44 = vector.multi_reduction <add>, %reduce_sum3A_42, %reduce_sum3A_43 [1, 2] : vector<1x16x128xf32> to vector<1xf32>
    %reduce_sum3A_45 = vector.shape_cast %reduce_sum3A_44 : vector<1xf32> to vector<1x1x1xf32>
    %reduce_sum3A_46 = vector.extract %reduce_sum3A_45[0, 0, 0] : f32 from vector<1x1x1xf32>
    %convert_element_type3A_47 = arith.fptosi %reduce_sum3A_46 : f32 to i32
    %add3A_48 = arith.addi %get3A_32, %convert_element_type3A_47 : i32
    %swap3A_49 = arith.constant 0 : index
    %swap3A_50 = memref.load %arg7[%swap3A_49] : memref<1xi32, #tpu.memory_space<smem>>
    memref.store %add3A_48, %arg7[%swap3A_49] : memref<1xi32, #tpu.memory_space<smem>>
    return
  }
  func.func @transform_0(%arg0: i32, %arg1: i32) -> (i32, i32, i32, i32, i32) {
    %c0_i32 = arith.constant 0 : i32
    %c0_i32_0 = arith.constant 0 : i32
    %c0_i32_1 = arith.constant 0 : i32
    %c0_i32_2 = arith.constant 0 : i32
    return %arg0, %c0_i32, %arg1, %c0_i32_0, %c0_i32_1 : i32, i32, i32, i32, i32
  }
  func.func @transform_1(%arg0: i32, %arg1: i32) -> (i32, i32) {
    %c0_i32 = arith.constant 0 : i32
    %c0_i32_0 = arith.constant 0 : i32
    %c0_i32_1 = arith.constant 0 : i32
    return %c0_i32, %c0_i32_0 : i32, i32
  }
  func.func @transform_2(%arg0: i32, %arg1: i32) -> (i32, i32) {
    %c0_i32 = arith.constant 0 : i32
    %c0_i32_0 = arith.constant 0 : i32
    %c0_i32_1 = arith.constant 0 : i32
    return %c0_i32, %c0_i32_0 : i32, i32
  }
  func.func @transform_3(%arg0: i32, %arg1: i32) -> (i32, i32, i32) {
    %mul3A = arith.constant 128 : i32
    %mul3A_0 = arith.muli %arg0, %mul3A : i32
    %add3A = arith.addi %mul3A_0, %arg1 : i32
    %c0_i32 = arith.constant 0 : i32
    %c0_i32_1 = arith.constant 0 : i32
    %c0_i32_2 = arith.constant 0 : i32
    return %add3A, %c0_i32, %c0_i32_1 : i32, i32, i32
  }
  func.func @transform_4(%arg0: i32, %arg1: i32) -> (i32, i32, i32) {
    %mul3A = arith.constant 128 : i32
    %mul3A_0 = arith.muli %arg0, %mul3A : i32
    %add3A = arith.addi %mul3A_0, %arg1 : i32
    %c0_i32 = arith.constant 0 : i32
    %c0_i32_1 = arith.constant 0 : i32
    %c0_i32_2 = arith.constant 0 : i32
    return %add3A, %c0_i32, %c0_i32_1 : i32, i32, i32
  }
}

module attributes {stable_mosaic.version = 14 : i64} {
  func.func @_k1a_body(%arg0: i32, %arg1: i32, %arg2: memref<1x4000x3xf32, #tpu.memory_space<vmem>>, %arg3: memref<5x3xf32, #tpu.memory_space<vmem>>, %arg4: memref<3x64xf32, #tpu.memory_space<vmem>>, %arg5: memref<3x64xf32, #tpu.memory_space<vmem>>, %arg6: memref<1x64xf32, #tpu.memory_space<vmem>>, %arg7: memref<1x4000x16xf32, #tpu.memory_space<vmem>>, %arg8: memref<1x4000x16xf32, #tpu.memory_space<vmem>>, %arg9: memref<1x4000x16xf32, #tpu.memory_space<vmem>>, %arg10: memref<1x4000x16xf32, #tpu.memory_space<vmem>>) attributes {dimension_semantics = [#tpu.dimension_semantics<arbitrary>, #tpu.dimension_semantics<arbitrary>], iteration_bounds = array<i64: 4, 20>, scalar_prefetch = 0 : i64, scratch_operands = 0 : i64, tpu.core_type = #tpu.core_type<tc>, window_params = [{transform_indices = @transform_0, window_bounds = array<i64: 1, 4000, 3>}, {pipeline_mode = #tpu.pipeline_mode<synchronous>, transform_indices = @transform_1, window_bounds = array<i64: 5, 3>}, {pipeline_mode = #tpu.pipeline_mode<synchronous>, transform_indices = @transform_2, window_bounds = array<i64: 3, 64>}, {pipeline_mode = #tpu.pipeline_mode<synchronous>, transform_indices = @transform_3, window_bounds = array<i64: 3, 64>}, {pipeline_mode = #tpu.pipeline_mode<synchronous>, transform_indices = @transform_4, window_bounds = array<i64: 1, 64>}, {transform_indices = @transform_5, window_bounds = array<i64: 1, 4000, 16>}, {transform_indices = @transform_6, window_bounds = array<i64: 1, 4000, 16>}, {transform_indices = @transform_7, window_bounds = array<i64: 1, 4000, 16>}, {transform_indices = @transform_8, window_bounds = array<i64: 1, 4000, 16>}]} {
    %get3A = arith.constant 0 : index
    %get3A_0 = arith.constant 0 : index
    %get3A_1 = arith.constant 0 : index
    %get3A_2 = vector.load %arg2[%get3A, %get3A_0, %get3A_1] : memref<1x4000x3xf32, #tpu.memory_space<vmem>>, vector<1x4000x3xf32>
    %get3A_3 = vector.shape_cast %get3A_2 : vector<1x4000x3xf32> to vector<4000x3xf32>
    %get3A_4 = arith.constant 0 : index
    %get3A_5 = arith.constant 0 : index
    %get3A_6 = vector.load %arg3[%get3A_4, %get3A_5] : memref<5x3xf32, #tpu.memory_space<vmem>>, vector<5x3xf32>
    %slice3A = vector.extract_strided_slice %get3A_6 {offsets = [0, 0], sizes = [1, 3], strides = [1, 1]} : vector<5x3xf32> to vector<1x3xf32>
    %slice3A_7 = vector.extract_strided_slice %get3A_6 {offsets = [1, 0], sizes = [1, 3], strides = [1, 1]} : vector<5x3xf32> to vector<1x3xf32>
    %slice3A_8 = vector.extract_strided_slice %get3A_6 {offsets = [2, 0], sizes = [1, 3], strides = [1, 1]} : vector<5x3xf32> to vector<1x3xf32>
    %slice3A_9 = vector.extract_strided_slice %get3A_6 {offsets = [3, 0], sizes = [1, 3], strides = [1, 1]} : vector<5x3xf32> to vector<1x3xf32>
    %slice3A_10 = vector.extract_strided_slice %get3A_6 {offsets = [4, 0], sizes = [1, 3], strides = [1, 1]} : vector<5x3xf32> to vector<1x3xf32>
    %max3A = vector.broadcast %slice3A : vector<1x3xf32> to vector<4000x3xf32>
    %max3A_11 = arith.maximumf %max3A, %get3A_3 : vector<4000x3xf32>
    %min3A = vector.broadcast %slice3A_7 : vector<1x3xf32> to vector<4000x3xf32>
    %min3A_12 = arith.minimumf %min3A, %max3A_11 : vector<4000x3xf32>
    %sub3A = vector.broadcast %slice3A_8 : vector<1x3xf32> to vector<4000x3xf32>
    %sub3A_13 = arith.subf %min3A_12, %sub3A : vector<4000x3xf32>
    %div3A = vector.broadcast %slice3A_9 : vector<1x3xf32> to vector<4000x3xf32>
    %div3A_14 = arith.divf %sub3A_13, %div3A : vector<4000x3xf32>
    %floor3A = math.floor %div3A_14 : vector<4000x3xf32>
    %mul3A = vector.broadcast %slice3A_9 : vector<1x3xf32> to vector<4000x3xf32>
    %mul3A_15 = arith.mulf %floor3A, %mul3A : vector<4000x3xf32>
    %add3A = vector.broadcast %slice3A_8 : vector<1x3xf32> to vector<4000x3xf32>
    %add3A_16 = arith.addf %mul3A_15, %add3A : vector<4000x3xf32>
    %add3A_17 = vector.broadcast %slice3A_10 : vector<1x3xf32> to vector<4000x3xf32>
    %add3A_18 = arith.addf %add3A_16, %add3A_17 : vector<4000x3xf32>
    %get3A_19 = arith.constant 0 : index
    %get3A_20 = arith.constant 0 : index
    %get3A_21 = vector.load %arg4[%get3A_19, %get3A_20] : memref<3x64xf32, #tpu.memory_space<vmem>>, vector<3x64xf32>
    %dot_general3A = arith.constant dense<0.000000e+00> : vector<4000x64xf32>
    %dot_general3A_22 = tpu.matmul %min3A_12, %get3A_21, %dot_general3A {dimension_numbers = #tpu.dot_dimension_numbers<[1], [0], [0], [1], [0, 0, 1, 1], [], []>, transpose_lhs_hint = false} : vector<4000x3xf32>, vector<3x64xf32>, vector<4000x64xf32> -> vector<4000x64xf32>
    %get3A_23 = arith.constant 0 : index
    %get3A_24 = arith.constant 0 : index
    %get3A_25 = vector.load %arg5[%get3A_23, %get3A_24] : memref<3x64xf32, #tpu.memory_space<vmem>>, vector<3x64xf32>
    %dot_general3A_26 = arith.constant dense<0.000000e+00> : vector<4000x64xf32>
    %dot_general3A_27 = tpu.matmul %add3A_18, %get3A_25, %dot_general3A_26 {dimension_numbers = #tpu.dot_dimension_numbers<[1], [0], [0], [1], [0, 0, 1, 1], [], []>, transpose_lhs_hint = false} : vector<4000x3xf32>, vector<3x64xf32>, vector<4000x64xf32> -> vector<4000x64xf32>
    %add3A_28 = arith.addf %dot_general3A_22, %dot_general3A_27 : vector<4000x64xf32>
    %get3A_29 = arith.constant 0 : index
    %get3A_30 = arith.constant 0 : index
    %get3A_31 = vector.load %arg6[%get3A_29, %get3A_30] : memref<1x64xf32, #tpu.memory_space<vmem>>, vector<1x64xf32>
    %add3A_32 = vector.broadcast %get3A_31 : vector<1x64xf32> to vector<4000x64xf32>
    %add3A_33 = arith.addf %add3A_28, %add3A_32 : vector<4000x64xf32>
    %slice3A_34 = vector.extract_strided_slice %add3A_33 {offsets = [0, 0], sizes = [4000, 16], strides = [1, 1]} : vector<4000x64xf32> to vector<4000x16xf32>
    %swap3A = arith.constant 0 : index
    %swap3A_35 = arith.constant 0 : index
    %swap3A_36 = arith.constant 0 : index
    %swap3A_37 = vector.load %arg7[%swap3A, %swap3A_35, %swap3A_36] : memref<1x4000x16xf32, #tpu.memory_space<vmem>>, vector<1x4000x16xf32>
    %swap3A_38 = vector.shape_cast %swap3A_37 : vector<1x4000x16xf32> to vector<4000x16xf32>
    %swap3A_39 = vector.shape_cast %slice3A_34 : vector<4000x16xf32> to vector<1x4000x16xf32>
    tpu.vector_store %arg7[%swap3A, %swap3A_35, %swap3A_36], %swap3A_39 {strides = array<i32>} : memref<1x4000x16xf32, #tpu.memory_space<vmem>>, vector<1x4000x16xf32>,
    %slice3A_40 = vector.extract_strided_slice %add3A_33 {offsets = [0, 16], sizes = [4000, 16], strides = [1, 1]} : vector<4000x64xf32> to vector<4000x16xf32>
    %swap3A_41 = arith.constant 0 : index
    %swap3A_42 = arith.constant 0 : index
    %swap3A_43 = arith.constant 0 : index
    %swap3A_44 = vector.load %arg8[%swap3A_41, %swap3A_42, %swap3A_43] : memref<1x4000x16xf32, #tpu.memory_space<vmem>>, vector<1x4000x16xf32>
    %swap3A_45 = vector.shape_cast %swap3A_44 : vector<1x4000x16xf32> to vector<4000x16xf32>
    %swap3A_46 = vector.shape_cast %slice3A_40 : vector<4000x16xf32> to vector<1x4000x16xf32>
    tpu.vector_store %arg8[%swap3A_41, %swap3A_42, %swap3A_43], %swap3A_46 {strides = array<i32>} : memref<1x4000x16xf32, #tpu.memory_space<vmem>>, vector<1x4000x16xf32>,
    %slice3A_47 = vector.extract_strided_slice %add3A_33 {offsets = [0, 32], sizes = [4000, 16], strides = [1, 1]} : vector<4000x64xf32> to vector<4000x16xf32>
    %swap3A_48 = arith.constant 0 : index
    %swap3A_49 = arith.constant 0 : index
    %swap3A_50 = arith.constant 0 : index
    %swap3A_51 = vector.load %arg9[%swap3A_48, %swap3A_49, %swap3A_50] : memref<1x4000x16xf32, #tpu.memory_space<vmem>>, vector<1x4000x16xf32>
    %swap3A_52 = vector.shape_cast %swap3A_51 : vector<1x4000x16xf32> to vector<4000x16xf32>
    %swap3A_53 = vector.shape_cast %slice3A_47 : vector<4000x16xf32> to vector<1x4000x16xf32>
    tpu.vector_store %arg9[%swap3A_48, %swap3A_49, %swap3A_50], %swap3A_53 {strides = array<i32>} : memref<1x4000x16xf32, #tpu.memory_space<vmem>>, vector<1x4000x16xf32>,
    %slice3A_54 = vector.extract_strided_slice %add3A_33 {offsets = [0, 48], sizes = [4000, 16], strides = [1, 1]} : vector<4000x64xf32> to vector<4000x16xf32>
    %swap3A_55 = arith.constant 0 : index
    %swap3A_56 = arith.constant 0 : index
    %swap3A_57 = arith.constant 0 : index
    %swap3A_58 = vector.load %arg10[%swap3A_55, %swap3A_56, %swap3A_57] : memref<1x4000x16xf32, #tpu.memory_space<vmem>>, vector<1x4000x16xf32>
    %swap3A_59 = vector.shape_cast %swap3A_58 : vector<1x4000x16xf32> to vector<4000x16xf32>
    %swap3A_60 = vector.shape_cast %slice3A_54 : vector<4000x16xf32> to vector<1x4000x16xf32>
    tpu.vector_store %arg10[%swap3A_55, %swap3A_56, %swap3A_57], %swap3A_60 {strides = array<i32>} : memref<1x4000x16xf32, #tpu.memory_space<vmem>>, vector<1x4000x16xf32>,
    return
  }
  func.func @transform_0(%arg0: i32, %arg1: i32) -> (i32, i32, i32) {
    %c0_i32 = arith.constant 0 : i32
    %c0_i32_0 = arith.constant 0 : i32
    return %arg0, %arg1, %c0_i32 : i32, i32, i32
  }
  func.func @transform_1(%arg0: i32, %arg1: i32) -> (i32, i32) {
    %c0_i32 = arith.constant 0 : i32
    %c0_i32_0 = arith.constant 0 : i32
    %c0_i32_1 = arith.constant 0 : i32
    return %c0_i32, %c0_i32_0 : i32, i32
  }
  func.func @transform_2(%arg0: i32, %arg1: i32) -> (i32, i32) {
    %c0_i32 = arith.constant 0 : i32
    %c0_i32_0 = arith.constant 0 : i32
    %c0_i32_1 = arith.constant 0 : i32
    return %c0_i32, %c0_i32_0 : i32, i32
  }
  func.func @transform_3(%arg0: i32, %arg1: i32) -> (i32, i32) {
    %c0_i32 = arith.constant 0 : i32
    %c0_i32_0 = arith.constant 0 : i32
    %c0_i32_1 = arith.constant 0 : i32
    return %c0_i32, %c0_i32_0 : i32, i32
  }
  func.func @transform_4(%arg0: i32, %arg1: i32) -> (i32, i32) {
    %c0_i32 = arith.constant 0 : i32
    %c0_i32_0 = arith.constant 0 : i32
    %c0_i32_1 = arith.constant 0 : i32
    return %c0_i32, %c0_i32_0 : i32, i32
  }
  func.func @transform_5(%arg0: i32, %arg1: i32) -> (i32, i32, i32) {
    %c0_i32 = arith.constant 0 : i32
    %c0_i32_0 = arith.constant 0 : i32
    return %arg0, %arg1, %c0_i32 : i32, i32, i32
  }
  func.func @transform_6(%arg0: i32, %arg1: i32) -> (i32, i32, i32) {
    %c0_i32 = arith.constant 0 : i32
    %c0_i32_0 = arith.constant 0 : i32
    return %arg0, %arg1, %c0_i32 : i32, i32, i32
  }
  func.func @transform_7(%arg0: i32, %arg1: i32) -> (i32, i32, i32) {
    %c0_i32 = arith.constant 0 : i32
    %c0_i32_0 = arith.constant 0 : i32
    return %arg0, %arg1, %c0_i32 : i32, i32, i32
  }
  func.func @transform_8(%arg0: i32, %arg1: i32) -> (i32, i32, i32) {
    %c0_i32 = arith.constant 0 : i32
    %c0_i32_0 = arith.constant 0 : i32
    return %arg0, %arg1, %c0_i32 : i32, i32, i32
  }
}

</mosaic_0001>

<sc_bundles>
// kernel: gather_offload_async_start.1
scs
__scs_entry_jumppad:
0x0: {  	(pc) =	sbr.rel $0x88, $3  }
0x1: {  	(tag) =	ssettag $0x0;
	lr =	simm.s32 $0x1  }
0x2: {  	[smem:$0x3F9C] =	sst lr;
	_ =	strace $0xD0000000  }
0x3: {  	_ = 	snop  }
0x4: {  	_ = 	snop  }
0x5: {  	_ = 	snop  }
0x6: {  	_ = 	snop  }
0x7: {  	_ = 	snop  }
__scs_overlays_trampoline_lowered:
0x8: {  	[smem:$0x3FAB] =	sst s0  }
0x9: {  	[smem:$0x3FAC] =	sst s1  }
0xa: {  	[smem:$0x3FAD] =	sst s2  }
0xb: {  	[smem:$0x3FAE] =	sst s3  }
0xc: {  	[smem:$0x3FAF] =	sst s4  }
0xd: {  	[smem:$0x3FB0] =	sst s5  }
0xe: {  	[smem:$0x3FB1] =	sst s6  }
0xf: {  	[smem:$0x3FB2] =	sst s7  }
0x10: {  	[smem:$0x3FB3] =	sst s8  }
0x11: {  	[smem:$0x3FB4] =	sst s9;
	s0 =	simm.s32 @!p0 $0x0  }
0x12: {  	s1 =	sld [smem:$0x3F9A];
	s0 =	simm.s32 @p0 $0x1  }
0x13: {  	[smem:$0x3FB5] =	sst s0;
	s0 =	simm.s32 @!p1 $0x0  }
0x14: {  	s2 =	sld [smem:$0x3F99];
	s0 =	simm.s32 @p1 $0x1  }
0x15: {  	[smem:$0x3FB6] =	sst s0;
	s0 =	simm.s32 @!p2 $0x0  }
0x16: {  	s3 =	sld [smem:$0x3FDB];
	s0 =	simm.s32 @p2 $0x1  }
0x17: {  	s4 =	simm.s32 $0x1BF5;
	[smem:$0x3FB8] =	sst s0  }
0x18: {  	s0 =	sld [smem:$0x3F9B];
	_ =	swait.ge [sflag:s4], $0x0  }
0x19: {  	s7 =	sld [smem:$0x3F9C]  }
0x1a: {  	s8 =	sadd.s32 $0xFFFFE003, lr  }
0x1b: {  	s9 =	sadd.s32 $0xFFFFFEF7, lr;
	s5 =	simm.s32 $0xFFFFFFFF;
	p2 =	slt.u32 s8, $0xFFFFF086  }
0x1c: {  	p1 =	slt.u32 s9, $0xF7A;
	s5 =	simm.s32 @!p2 $0x0  }
0x1d: {  	s5 =	simm.s32 @p1 $0x1;
	p0 =	seq.s32 s7, s2  }
0x1e: {  	s7 =	smul.u32 @!p0 $0xF7A, s2;
	p2 =	seq.s32 @!p0 s5, $0x0  }
0x1f: {  	s9 =	smul.u32 $0xF7A, s1;
	s8 =	simm.s32 @!p0 $0x1BF5;
	p2 =	por !p2, p0  }
0x20: {  	[sflag:s8] =	ssyncset.s32 @!p0 $0xFFFFF086;
	s6 =	sadd.s32 @!p0 s3, s7;
	s7 =	simm.s32 @!p0 $0x108  }
0x21: {  	s3 =	sadd.s32 s3, s9;
	s6 =	sadd.s32 @!p0 $0x88, s6;
	s7 =	simm.s32 @p2 $0x1082  }
0x22: {  	[simem:s7], [sflag:s8] =	dma.local @!p0 [hbm:s6], $0xF7A  }
0x23: {  	s9 =	sor.u32 $0xD0000000, s2;
	s6 =	simm.s32 $0x108;
	_ =	swait.ge @!p0 [sflag:s8], $0x0  }
0x24: {  	s3 =	sadd.s32 $0x88, s3;
	s6 =	simm.s32 @!p1 $0x1082;
	[sflag:s4] =	ssyncset.s32 $0xFFFFF086  }
0x25: {  	[simem:s6], [sflag:s4] =	dma.local [hbm:s3], $0xF7A  }
0x26: {  	[smem:$0x3F9C] =	sst s1;
	(tag) =	ssettag s2;
	_ =	strace s9  }
0x27: {  	s1 =	sld [smem:$0x3FAC]  }
0x28: {  	s2 =	sld [smem:$0x3FAD]  }
0x29: {  	s4 =	sld [smem:$0x3FAF]  }
0x2a: {  	p0 =	seq.s32 s5, $0x0;
	s5 =	sld [smem:$0x3FB0]  }
0x2b: {  	s6 =	sld [smem:$0x3FB1]  }
0x2c: {  	s7 =	sld [smem:$0x3FB2]  }
0x2d: {  	s3 =	simm.s32 $0x108;
	s8 =	sld [smem:$0x3FB3]  }
0x2e: {  	s3 =	simm.s32 @!p0 $0x1082;
	s9 =	sld [smem:$0x3FB4]  }
0x2f: {  	lr =	sadd.s32 s0, s3;
	s0 =	sld [smem:$0x3FAB]  }
0x30: {  	s3 =	sld [smem:$0x3FAE]  }
0x31: {  	[smem:$0x3FB7] =	sst s10  }
0x32: {  	s10 =	sld [smem:$0x3FB5];
	_ =	sdelay $0x3  }
0x33: {  	p0 =	seq.s32 s10, $0x1;
	s10 =	sld [smem:$0x3FB7];
	_ =	sdelay $0x3  }
0x34: {  	[smem:$0x3FB7] =	sst s10  }
0x35: {  	s10 =	sld [smem:$0x3FB6];
	_ =	sdelay $0x3  }
0x36: {  	p1 =	seq.s32 s10, $0x1;
	s10 =	sld [smem:$0x3FB7];
	_ =	sdelay $0x3  }
0x37: {  	[smem:$0x3FB7] =	sst s10  }
0x38: {  	s10 =	sld [smem:$0x3FB8]  }
0x39: {  	_ = 	snop;
	(pc) =	sbr.ind lr, $3  }
0x3a: {  	_ = 	snop  }
0x3b: {  	_ = 	snop  }
0x3c: {  	p2 =	seq.s32 s10, $0x1;
	s10 =	sld [smem:$0x3FB7]  }
0x3d: {  	_ =	shalt  }
0x3e: {  	_ =	shalt  }
0x3f: {  	_ =	shalt  }
0x40: {  	_ =	shalt  }
0x41: {  	_ =	shalt  }
0x42: {  	_ =	shalt  }
0x43: {  	_ =	shalt  }
0x44: {  	_ =	shalt  }
0x45: {  	_ =	shalt  }
0x46: {  	_ =	shalt  }
0x47: {  	_ =	shalt  }
0x48: {  	_ =	shalt  }
0x49: {  	_ =	shalt  }
0x4a: {  	_ =	shalt  }
0x4b: {  	_ =	shalt  }
0x4c: {  	_ =	shalt  }
0x4d: {  	_ =	shalt  }
0x4e: {  	_ =	shalt  }
0x4f: {  	_ =	shalt  }
0x50: {  	_ =	shalt  }
0x51: {  	_ =	shalt  }
0x52: {  	_ =	shalt  }
0x53: {  	_ =	shalt  }
0x54: {  	_ =	shalt  }
0x55: {  	_ =	shalt  }
0x56: {  	_ =	shalt  }
0x57: {  	_ =	shalt  }
0x58: {  	_ =	shalt  }
0x59: {  	_ =	shalt  }
0x5a: {  	_ =	shalt  }
0x5b: {  	_ =	shalt  }
0x5c: {  	_ =	shalt  }
0x5d: {  	_ =	shalt  }
0x5e: {  	_ =	shalt  }
0x5f: {  	_ =	shalt  }
0x60: {  	_ =	shalt  }
0x61: {  	_ =	shalt  }
0x62: {  	_ =	shalt  }
0x63: {  	_ =	shalt  }
0x64: {  	_ =	shalt  }
0x65: {  	_ =	shalt  }
0x66: {  	_ =	shalt  }
0x67: {  	_ =	shalt  }
0x68: {  	_ =	shalt  }
0x69: {  	_ =	shalt  }
0x6a: {  	_ =	shalt  }
0x6b: {  	_ =	shalt  }
0x6c: {  	_ =	shalt  }
0x6d: {  	_ =	shalt  }
0x6e: {  	_ =	shalt  }
0x6f: {  	_ =	shalt  }
0x70: {  	_ =	shalt  }
0x71: {  	_ =	shalt  }
0x72: {  	_ =	shalt  }
0x73: {  	_ =	shalt  }
0x74: {  	_ =	shalt  }
0x75: {  	_ =	shalt  }
0x76: {  	_ =	shalt  }
0x77: {  	_ =	shalt  }
0x78: {  	_ =	shalt  }
0x79: {  	_ =	shalt  }
0x7a: {  	_ =	shalt  }
0x7b: {  	_ =	shalt  }
0x7c: {  	_ =	shalt  }
0x7d: {  	_ =	shalt  }
0x7e: {  	_ =	shalt  }
0x7f: {  	_ =	shalt  }
0x80: {  	_ =	shalt  }
0x81: {  	_ =	shalt  }
0x82: {  	_ =	shalt  }
0x83: {  	_ =	shalt  }
0x84: {  	_ =	shalt  }
0x85: {  	_ =	shalt  }
0x86: {  	_ =	shalt  }
0x87: {  	_ =	shalt  }
.Lfunc_end0:
.L_simem_size_0:
called_computation.4_lowered:
.L_overlay_start_0:
0x88: {  	s2 =	sld [smem:$0x3FD9]  }
0x89: {  	s3 =	sld [smem:$0x3FFE];
	_ =	sdelay $0x1  }
0x8a: {  	s1 =	srdreg.scid  }
0x8b: {  	s0 =	sand.u32 $0x1, s1  }
0x8c: {  	s15 =	sshll.u32 s0, $0xA;
	s2 =	sadd.s32 s3, s2  }
0x8d: {  	s2 =	sadd.s32 s2, s15  }
0x8e: {  	[smem:$0x3FC3] =	sst s2  }
0x8f: {  	_ = 	snop  }
0x90: {  	s2 =	sld [smem:$0x3FD0];
	_ =	sdelay $0x2  }
0x91: {  	s4 =	simm.s32 $0xB;
	s16 =	simm.s32 $0x10  }
0x92: {  	[smem:s16], [sflag:s4] =	dma.local [hbm:s2], $0x1  }
0x93: {  	_ =	swait.eq [sflag:s4], $0x1  }
0x94: {  	[sflag:s4] =	ssyncset.done $0x0  }
0x95: {  	s17 =	sld [smem:$0x10];
	[sflag:s4] =	ssyncadd.s32 $0xFFFFFFFF  }
0x96: {  	s18 =	sld [smem:$0x11];
	(tm) =	ssettm $0x1  }
0x97: {  	s19 =	sld [smem:$0x3FFB];
	_ =	sdelay $0x3  }
0x98: {  	_ =	strace s19  }
0x99: {  	s2 =	sld [smem:$0x3FFC];
	_ =	sdelay $0x3  }
0x9a: {  	_ =	strace s2  }
0x9b: {  	s2 =	sld [smem:$0x3FFD];
	_ =	sdelay $0x3  }
0x9c: {  	_ =	strace s2  }
0x9d: {  	_ =	strace $0x8FFFFFFF  }
0x9e: {  	s20 =	sld [smem:$0x3FDB];
	_ =	sdelay $0x1  }
0x9f: {  	s5 =	simm.s32 $_scs_section_size  }
0xa0: {  	s6 =	simm.s32 $_size__tile_overlayer_lowered;
	s7 =	simm.s32 $_tile_overlayer_lowered  }
0xa1: {  	s8 =	simm.s32 $0x1BFF;
	s21 =	sshll.u32 s7, $0x1;
	s5 =	sadd.s32 s5, s20  }
0xa2: {  	s22 =	simm.s32 $0x0;
	s6 =	sshll.u32 s6, $0x1;
	s7 =	sadd.s32 s21, s5  }
0xa3: {  	[timem:s22], [sflag:s8] =	dma.local [hbm:s7], s6  }
0xa4: {  	_ =	swait.ge [sflag:s8], s6  }
0xa5: {  	s6 =	ssub.s32 $0x0, s6;
	[sflag:s8] =	ssyncset.done $0x0  }
0xa6: {  	[sflag:s8] =	ssyncadd.s32 s6;
	_ =	sdelay $0x1  }
0xa7: {  	s23 =	simm.s32 $0x1B8B  }
0xa8: {  	_ =	swait.ge [sflag:s23], $0x1  }
0xa9: {  	[sflag:s23] =	ssyncset.done $0x0  }
0xaa: {  	[sflag:s23] =	ssyncadd.s32 $0xFFFFFFFF  }
0xab: {  	s6 =	sld [smem:$0x0]  }
0xac: {  	s7 =	sand.u32 $0xFFFFFFFE, s1  }
0xad: {  	p0 =	sne.s32 s1, s7  }
0xae: {  	s7 =	sshll.u32 @p0 s7, $0xE  }
0xaf: {  	s7 =	sadd.s32 @p0 $0x11B8D, s7;
	s8 =	sshll.u32 @p0 s6, $0x11  }
0xb0: {  	s7 =	sor.u32 @p0 s8, s7  }
0xb1: {  	[sflag:s7] =	ssyncadd.remote.s32 @p0 $0x1;
	_ =	sdelay $0x1  }
0xb2: {  	s7 =	simm.s32 @p0 $0x1B8D  }
0xb3: {  	_ =	swait.eq @p0 [sflag:s7], $0x1  }
0xb4: {  	[sflag:s7] =	ssyncadd.s32 @p0 $0xFFFFFFFF  }
0xb5: {  	s8 =	sshll.u32 @!p0 s1, $0xE  }
0xb6: {  	s8 =	sor.u32 @!p0 $0x4000, s8;
	s7 =	simm.s32 @!p0 $0x1B8D  }
0xb7: {  	s6 =	sshll.u32 @!p0 s6, $0x11;
	s8 =	sadd.s32 @!p0 $0x11B8D, s8;
	_ =	swait.eq @!p0 [sflag:s7], $0x1  }
0xb8: {  	s6 =	sor.u32 @!p0 s6, s8;
	[sflag:s7] =	ssyncadd.s32 @!p0 $0xFFFFFFFF  }
0xb9: {  	s25 =	simm.s32 $0x1B8E;
	s24 =	sld [smem:$0x3FFE];
	[sflag:s6] =	ssyncadd.remote.s32 @!p0 $0x1  }
0xba: {  	s26 =	simm.s32 $execute0_lowered;
	[smem:$0x3FD2] =	sst s25  }
0xbb: {  	s7 =	sshll.u32 s26, $0x1;
	_ =	strace $0x8000004C;
	[dreg:$0x1] =	wrdreg $0xFFFFFFFF  }
0xbc: {  	s28 =	simm.s32 $_size_execute0_lowered;
	s5 =	sadd.s32 s5, s7;
	[dreg:$0x0] =	wrdreg $0x0  }
0xbd: {  	s7 =	sshll.u32 s28, $0x1;
	[dreg:$0x2] =	wrdreg s5  }
0xbe: {  	[dreg:$0x3] =	wrdreg s7  }
0xbf: {  	[dreg:$0x4] =	wrdreg $0xC0  }
0xc0: {  	_ =	task [dreg:s22], $0x5FFFF  }
0xc1: {  	[dreg:$0x1] =	wrdreg $0xFFFFFFFF  }
0xc2: {  	[dreg:$0x0] =	wrdreg $0x60  }
0xc3: {  	[dreg:$0x2] =	wrdreg s17  }
0xc4: {  	[dreg:$0x3] =	wrdreg s18  }
0xc5: {  	[dreg:$0x4] =	wrdreg s24  }
0xc6: {  	[dreg:$0x5] =	wrdreg $0xA  }
0xc7: {  	_ =	task.clear_ibuf [dreg:s22], $0x6FFFF;
	_ =	strace $0x9000004C  }
0xc8: {  	s29 =	simm.s32 $0xA;
	_ =	strace $0x8000004E  }
0xc9: {  	_ =	swait.ge [sflag:s29], $0x1  }
0xca: {  	[sflag:s29] =	ssyncadd.s32 $0xFFFFFFFF  }
0xcb: {  	_ =	strace $0x9000004E  }
0xcc: {  	_ =	sfence  }
0xcd: {  	s30 =	sld [smem:$0x0];
	_ =	sdelay $0x2  }
0xce: {  	s31 =	sshll.u32 s1, $0xD;
	s1 =	sshrl.u32 s1, $0x2  }
0xcf: {  	s4 =	sand.u32 $0x4000, s31;
	s1 =	sadd.s32 s1, s30  }
0xd0: {  	s0 =	sor.u32 s4, s0;
	s1 =	sshll.u32 s1, $0x11  }
0xd1: {  	s0 =	sor.u32 s1, s0  }
0xd2: {  	s0 =	sadd.s32 $0x8F2B, s0  }
0xd3: {  	[sflag:s0] =	ssyncadd.remote.s32 $0x1  }
0xd4: {  	_ =	sfence.sel $0xFFFF  }
0xd5: {  	[dreg:$0x0] =	wrdreg $0xFFFFFFFF;
	(pc) =	sbr.abs _section_cstart, $3  }
0xd6: {  	[dreg:$0x1] =	wrdreg $0xFFFFFFFF  }
0xd7: {  	_ =	task.clear_ibuf [dreg:s22], $0x2FFFF;
	_ =	strace $0x9FFFFFFF  }
0xd8: {  	(tm) =	ssettm $0x7FFFFFFF  }
0xd9: {  	_ =	shalt  }
tec
execute0_lowered:
.L_overlay_start_1:
0x0: {  	(tag) =	ssettag $0x1  }
0x1: {  	s2 =	rddreg [dreg:$0x0]  }
0x2: {  	s3 =	rddreg [dreg:$0x1]  }
0x3: {  	s8 =	rddreg [dreg:$0x2];
	s1 =	stileid.u32  }
0x4: {  	s4 =	srdreg.scid;
	s0 =	rddreg [dreg:$0x3];
	_ =	strace $0x8000004D  }
0x5: {  	s7 =	simm.s32 $0x1;
	s9 =	simm.s32 $0x1;
	s10 =	simm.s32 $0x3  }
0x6: {  	s13 =	simm.s32 $0x0;
	s5 =	sand.u32 $0x1, s4;
	s6 =	sshll.u32 s1, $0x1  }
0x7: {  	s12 =	simm.s32 $0x0;
	s4 =	simm.s32 $0x1;
	s5 =	sor.u32 s6, s5  }
.Ltmp0:
0x8: {  	[sflag:s4] =	ssyncpa.u1 $0x0;
	p0 =	slt.u32 s5, $0x9;
	(pc) =	sbr.rel .LBB2_1-.Ltmp0, $4  }
0x9: {  	s6 =	simm.s32 $0x2;
	s7 =	simm.s32 @!p0 $0x0;
	p0 =	sne.s32 s5, $0x8  }
0xa: {  	[sflag:s6] =	ssyncpa.u1 $0x0;
	s5 =	smul.u32 $0x1F40, s5;
	s9 =	simm.s32 @!p0 $0x0  }
0xb: {  	s8 =	sadd.s32 $0x40200, s8;
	[sflag:s10] =	ssyncpa.u1 $0x0;
	s7 =	sadd.s32 s9, s7  }
0xc: {  	vm0 =	vmmov $0xffff;
	s10 =	simm.s32 $0x0;
	s11 =	smov.u32 s5;
	s9 =	sadd.s32 $0x1, s7  }
.LBB2_4:
0xd: {  	v2 =	vnsel vm1, $0x0, v2  }
0xe: {  	vm1 =	vgt.s32 v0, $0x0;
	v2 =	vmin.u32 v2, $0xFFFFF  }
0xf: {  	v0 =	vnsel vm1, $0x0, v0  }
0x10: {  	v0 =	vmin.u32 v0, $0xFFFFF  }
0x11: {  	[tilespmem:s18], [sflag:$0x1] =	stream.indirect_vreg.gather [hbm4b:s2+s10], $0x1, v1, vm0, $0x4038;
	[tilespmem:$0x7D00] =	vst v63  }
0x12: {  	(ifvalue) =	ssetifvalue $0x7FFFFFFF  }
0x13: {  	[tilespmem:s15], [sflag:$0x1] =	stream.indirect_vreg.gather [hbm4b:s2+s10], $0x1, v2, vm0, $0x4038;
	[tilespmem:$0x7D00] =	vst v63  }
0x14: {  	s29 =	sadd.s32 $0x10, s15;
	(ifvalue) =	ssetifvalue $0x7FFFFFFF  }
0x15: {  	[tilespmem:s29], [sflag:$0x1] =	stream.indirect_vreg.gather [hbm4b:s2+s10], $0x1, v0, vm0, $0x4038;
	[tilespmem:$0x7D00] =	vst v63  }
0x16: {  	_ =	swait.ge [sflag:s4], $0x1F40  }
0x17: {  	s30 =	sshrl.u32 s13, $0x3;
	[sflag:s4] =	ssyncset.done $0x0  }
0x18: {  	s31 =	sand.u32 $0x7, s13;
	s15 =	sadd.s32 s8, s30;
	[sflag:s4] =	ssyncadd.s32 $0xFFFFE0C0  }
0x19: {  	[hbm4b:s15+s31] =	stream.linear.scatter [tilespmem:s14], [sflag:$0x3], $0x1F40, $0x38;
	[tilespmem:$0x7D00] =	vst v63  }
.LBB2_5:
0x1a: {  	s15 =	sadd.s32 $0x3E800, s11  }
0x1b: {  	p1 =	sgt.s32 s15, $0x4E1FF  }
0x1c: {  	s15 =	smov.u32 @p1 s5;
	p1 =	sne.s32 s12, s9  }
.Ltmp1:
0x1d: {  	p0 =	slt.u32 s12, $0x2;
	(pc) =	sbr.rel @!p1 .LBB2_6-.Ltmp1, $4  }
0x1e: {  	s14 =	simm.s32 @!p0 $0x3  }
0x1f: {  	_ =	swait.ge @!p0 [sflag:s14], $0x1F40  }
0x20: {  	s16 =	sadd.s32 $0x1, s12;
	s13 =	smov.u32 s11;
	[sflag:s14] =	ssyncset.done @!p0 $0x0  }
0x21: {  	s12 =	smov.u32 s16;
	s11 =	smov.u32 s15;
	[sflag:s14] =	ssyncadd.s32 @!p0 $0xFFFFE0C0  }
.LBB2_1:
0x22: {  	p0 =	sge.u32 s12, s7  }
0x23: {  	s14 =	sxor.u32 @!p0 $0x1, s12  }
0x24: {  	s14 =	smul.u32 @!p0 $0x7D00, s14  }
0x25: {  	s31 =	sadd.s32 $0xFFFFFFFF, s12;
	s15 =	sshrl.u32 @!p0 s11, $0x3  }
0x26: {  	s16 =	sand.u32 @!p0 $0x7, s11;
	s15 =	sadd.s32 @!p0 s3, s15;
	s14 =	sshra.s32 @!p0 s14, $0x2  }
0x27: {  	[tilespmem:s14], [sflag:$0x2] =	stream.linear.gather @!p0 [hbm4b:s15+s16], $0x1F40, $0x38;
	[tilespmem:$0x7D00] =	vst v63  }
0x28: {  	p0 =	sge.u32 s31, s7  }
.Ltmp2:
0x29: {  	_ = 	snop;
	(pc) =	sbr.rel @p0 .LBB2_5-.Ltmp2, $1  }
0x2a: {  	_ =	sdelay $0x3  }
0x2b: {  	s14 =	sand.u32 $0x1, s12  }
0x2c: {  	_ =	swait.ge [sflag:s6], $0x1F40;
	p0 =	seq.s32 s14, $0x1;
	s14 =	simm.s32 $0x1F40  }
0x2d: {  	[sflag:s6] =	ssyncset.done $0x0;
	s14 =	simm.s32 @!p0 $0x0  }
0x2e: {  	[sflag:s6] =	ssyncadd.s32 $0xFFFFE0C0;
	(ifvalue) =	ssetifvalue $0x7FFFFFFF;
	v0 =	vld.msk [tilespmem:s14+$0x0 ss:$0x1], $0xffff;
	_ =	sdelay $0x4  }
0x2f: {  	s15 =	sadd.s32 $0x10, s14;
	vm1 =	vgt.s32 v0, $0x0  }
0x30: {  	v2 =	vld.msk [tilespmem:s15+$0x0 ss:$0x1], $0xffff;
	v1 =	vnsel vm1, $0x0, v0  }
0x31: {  	v1 =	vmin.u32 v1, $0xFFFFF;
	_ =	sdelay $0x2  }
0x32: {  	s17 =	simm.s32 $0x20;
	s14 =	sadd.s32 $0x3E80, s14;
	s16 =	sadd.s32 $0x10, s15  }
0x33: {  	s15 =	sadd.s32 $0x10, s14;
	s18 =	smov.u32 s14;
	v0 =	vld.msk [tilespmem:s16+$0x0 ss:$0x1], $0xffff;
	vm1 =	vgt.s32 v2, $0x0;
	(ifvalue) =	ssetifvalue $0x7FFFFFFF  }
.LBB2_3:
0x34: {  	[tilespmem:s18], [sflag:$0x1] =	stream.indirect_vreg.gather [hbm4b:s2+s10], $0x1, v1, vm0, $0x4038;
	[tilespmem:$0x7D00] =	vst v63  }
0x35: {  	s17 =	sadd.s32 $0x10, s17  }
0x36: {  	v2 =	vnsel vm1, $0x0, v2;
	p0 =	slt.u32 s17, $0x1F30  }
.Ltmp3:
0x37: {  	s18 =	smov.u32 s15;
	v1 =	vmin.u32 v2, $0xFFFFF;
	(pc) =	sbr.rel @p0 .LBB2_3-.Ltmp3, $3  }
0x38: {  	_ =	sdelay $0x1  }
0x39: {  	s16 =	sadd.s32 $0x10, s16  }
0x3a: {  	vm1 =	vgt.s32 v0, $0x0;
	s15 =	sadd.s32 $0x10, s15;
	v2 =	vmov v0;
	(ifvalue) =	ssetifvalue $0x7FFFFFFF;
	v0 =	vld.msk [tilespmem:s16+$0x0 ss:$0x1], $0xffff  }
.Ltmp4:
0x3b: {  	_ = 	snop;
	(pc) =	sbr.rel .LBB2_4-.Ltmp4, $1  }
0x3c: {  	_ =	sdelay $0x3  }
.LBB2_6:
0x3d: {  	_ =	sfence.sel $0x180000  }
0x3e: {  	s2 =	simm.s32 $0x2;
	[bflag:$0x0] =	sbarrier.arrive $0xFFFF  }
0x3f: {  	s30 =	simm.s32 $0x3;
	[sflag:s2] =	ssyncpa.u1 $0x1  }
0x40: {  	s31 =	simm.s32 $0x1;
	[sflag:s30] =	ssyncpa.u1 $0x1  }
0x41: {  	[sflag:s31] =	ssyncpa.u1 $0x1  }
0x42: {  	p0 =	sne.s32 s1, $0x0;
	_ =	strace $0x9000004D  }
0x43: {  	s0 =	sadd.s32 @!p0 $0x100000, s0;
	[bflag:$0x2] =	sbarrier.arrive $0xFFFF  }
0x44: {  	[sflag:s0] =	ssyncadd.tile.s32 @!p0 $0x1;
	_ =	shalt  }
.Lfunc_end2:
_tile_overlayer_lowered:
.L_overlay_start_2:
0x45: {  	(tag) =	ssettag $0x2  }
0x46: {  	s0 =	rddreg [dreg:$0x0];
	s2 =	stileid.u32  }
0x47: {  	s1 =	rddreg [dreg:$0x1];
	p0 =	sne.s32 s2, $0x0  }
0x48: {  	s3 =	rddreg [dreg:$0x2];
	[bflag:$0x3] =	sbarrier.arrive $0xFFFF;
	s2 =	simm.s32 @!p0 $0x1C01  }
0x49: {  	[timem:s3], [sflag:s2] =	dma.local @!p0 [hbm:s0], s1  }
0x4a: {  	s0 =	simm.s32 @!p0 $0x1  }
0x4b: {  	_ =	swait.ge @!p0 [sflag:s0], s1  }
0x4c: {  	s1 =	ssub.s32 @!p0 $0x0, s1;
	[sflag:s0] =	ssyncset.done @!p0 $0x0  }
0x4d: {  	[sflag:s0] =	ssyncadd.s32 @!p0 s1  }
0x4e: {  	[bflag:$0x3] =	sbarrier.arrive $0xFFFF  }
0x4f: {  	_ =	shalt  }

// kernel: gather_offload_async_start
scs
__scs_entry_jumppad:
0x0: {  	(pc) =	sbr.rel $0x88, $3  }
0x1: {  	(tag) =	ssettag $0x0;
	lr =	simm.s32 $0x1  }
0x2: {  	[smem:$0x3F9C] =	sst lr;
	_ =	strace $0xD0000000  }
0x3: {  	_ = 	snop  }
0x4: {  	_ = 	snop  }
0x5: {  	_ = 	snop  }
0x6: {  	_ = 	snop  }
0x7: {  	_ = 	snop  }
__scs_overlays_trampoline_lowered:
0x8: {  	[smem:$0x3FAB] =	sst s0  }
0x9: {  	[smem:$0x3FAC] =	sst s1  }
0xa: {  	[smem:$0x3FAD] =	sst s2  }
0xb: {  	[smem:$0x3FAE] =	sst s3  }
0xc: {  	[smem:$0x3FAF] =	sst s4  }
0xd: {  	[smem:$0x3FB0] =	sst s5  }
0xe: {  	[smem:$0x3FB1] =	sst s6  }
0xf: {  	[smem:$0x3FB2] =	sst s7  }
0x10: {  	[smem:$0x3FB3] =	sst s8  }
0x11: {  	[smem:$0x3FB4] =	sst s9;
	s0 =	simm.s32 @!p0 $0x0  }
0x12: {  	s1 =	sld [smem:$0x3F9A];
	s0 =	simm.s32 @p0 $0x1  }
0x13: {  	[smem:$0x3FB5] =	sst s0;
	s0 =	simm.s32 @!p1 $0x0  }
0x14: {  	s2 =	sld [smem:$0x3F99];
	s0 =	simm.s32 @p1 $0x1  }
0x15: {  	[smem:$0x3FB6] =	sst s0;
	s0 =	simm.s32 @!p2 $0x0  }
0x16: {  	s3 =	sld [smem:$0x3FDB];
	s0 =	simm.s32 @p2 $0x1  }
0x17: {  	s4 =	simm.s32 $0x1BF5;
	[smem:$0x3FB8] =	sst s0  }
0x18: {  	s0 =	sld [smem:$0x3F9B];
	_ =	swait.ge [sflag:s4], $0x0  }
0x19: {  	s7 =	sld [smem:$0x3F9C]  }
0x1a: {  	s8 =	sadd.s32 $0xFFFFE003, lr  }
0x1b: {  	s9 =	sadd.s32 $0xFFFFFEF7, lr;
	s5 =	simm.s32 $0xFFFFFFFF;
	p2 =	slt.u32 s8, $0xFFFFF086  }
0x1c: {  	p1 =	slt.u32 s9, $0xF7A;
	s5 =	simm.s32 @!p2 $0x0  }
0x1d: {  	s5 =	simm.s32 @p1 $0x1;
	p0 =	seq.s32 s7, s2  }
0x1e: {  	s7 =	smul.u32 @!p0 $0xF7A, s2;
	p2 =	seq.s32 @!p0 s5, $0x0  }
0x1f: {  	s9 =	smul.u32 $0xF7A, s1;
	s8 =	simm.s32 @!p0 $0x1BF5;
	p2 =	por !p2, p0  }
0x20: {  	[sflag:s8] =	ssyncset.s32 @!p0 $0xFFFFF086;
	s6 =	sadd.s32 @!p0 s3, s7;
	s7 =	simm.s32 @!p0 $0x108  }
0x21: {  	s3 =	sadd.s32 s3, s9;
	s6 =	sadd.s32 @!p0 $0x88, s6;
	s7 =	simm.s32 @p2 $0x1082  }
0x22: {  	[simem:s7], [sflag:s8] =	dma.local @!p0 [hbm:s6], $0xF7A  }
0x23: {  	s9 =	sor.u32 $0xD0000000, s2;
	s6 =	simm.s32 $0x108;
	_ =	swait.ge @!p0 [sflag:s8], $0x0  }
0x24: {  	s3 =	sadd.s32 $0x88, s3;
	s6 =	simm.s32 @!p1 $0x1082;
	[sflag:s4] =	ssyncset.s32 $0xFFFFF086  }
0x25: {  	[simem:s6], [sflag:s4] =	dma.local [hbm:s3], $0xF7A  }
0x26: {  	[smem:$0x3F9C] =	sst s1;
	(tag) =	ssettag s2;
	_ =	strace s9  }
0x27: {  	s1 =	sld [smem:$0x3FAC]  }
0x28: {  	s2 =	sld [smem:$0x3FAD]  }
0x29: {  	s4 =	sld [smem:$0x3FAF]  }
0x2a: {  	p0 =	seq.s32 s5, $0x0;
	s5 =	sld [smem:$0x3FB0]  }
0x2b: {  	s6 =	sld [smem:$0x3FB1]  }
0x2c: {  	s7 =	sld [smem:$0x3FB2]  }
0x2d: {  	s3 =	simm.s32 $0x108;
	s8 =	sld [smem:$0x3FB3]  }
0x2e: {  	s3 =	simm.s32 @!p0 $0x1082;
	s9 =	sld [smem:$0x3FB4]  }
0x2f: {  	lr =	sadd.s32 s0, s3;
	s0 =	sld [smem:$0x3FAB]  }
0x30: {  	s3 =	sld [smem:$0x3FAE]  }
0x31: {  	[smem:$0x3FB7] =	sst s10  }
0x32: {  	s10 =	sld [smem:$0x3FB5];
	_ =	sdelay $0x3  }
0x33: {  	p0 =	seq.s32 s10, $0x1;
	s10 =	sld [smem:$0x3FB7];
	_ =	sdelay $0x3  }
0x34: {  	[smem:$0x3FB7] =	sst s10  }
0x35: {  	s10 =	sld [smem:$0x3FB6];
	_ =	sdelay $0x3  }
0x36: {  	p1 =	seq.s32 s10, $0x1;
	s10 =	sld [smem:$0x3FB7];
	_ =	sdelay $0x3  }
0x37: {  	[smem:$0x3FB7] =	sst s10  }
0x38: {  	s10 =	sld [smem:$0x3FB8]  }
0x39: {  	_ = 	snop;
	(pc) =	sbr.ind lr, $3  }
0x3a: {  	_ = 	snop  }
0x3b: {  	_ = 	snop  }
0x3c: {  	p2 =	seq.s32 s10, $0x1;
	s10 =	sld [smem:$0x3FB7]  }
0x3d: {  	_ =	shalt  }
0x3e: {  	_ =	shalt  }
0x3f: {  	_ =	shalt  }
0x40: {  	_ =	shalt  }
0x41: {  	_ =	shalt  }
0x42: {  	_ =	shalt  }
0x43: {  	_ =	shalt  }
0x44: {  	_ =	shalt  }
0x45: {  	_ =	shalt  }
0x46: {  	_ =	shalt  }
0x47: {  	_ =	shalt  }
0x48: {  	_ =	shalt  }
0x49: {  	_ =	shalt  }
0x4a: {  	_ =	shalt  }
0x4b: {  	_ =	shalt  }
0x4c: {  	_ =	shalt  }
0x4d: {  	_ =	shalt  }
0x4e: {  	_ =	shalt  }
0x4f: {  	_ =	shalt  }
0x50: {  	_ =	shalt  }
0x51: {  	_ =	shalt  }
0x52: {  	_ =	shalt  }
0x53: {  	_ =	shalt  }
0x54: {  	_ =	shalt  }
0x55: {  	_ =	shalt  }
0x56: {  	_ =	shalt  }
0x57: {  	_ =	shalt  }
0x58: {  	_ =	shalt  }
0x59: {  	_ =	shalt  }
0x5a: {  	_ =	shalt  }
0x5b: {  	_ =	shalt  }
0x5c: {  	_ =	shalt  }
0x5d: {  	_ =	shalt  }
0x5e: {  	_ =	shalt  }
0x5f: {  	_ =	shalt  }
0x60: {  	_ =	shalt  }
0x61: {  	_ =	shalt  }
0x62: {  	_ =	shalt  }
0x63: {  	_ =	shalt  }
0x64: {  	_ =	shalt  }
0x65: {  	_ =	shalt  }
0x66: {  	_ =	shalt  }
0x67: {  	_ =	shalt  }
0x68: {  	_ =	shalt  }
0x69: {  	_ =	shalt  }
0x6a: {  	_ =	shalt  }
0x6b: {  	_ =	shalt  }
0x6c: {  	_ =	shalt  }
0x6d: {  	_ =	shalt  }
0x6e: {  	_ =	shalt  }
0x6f: {  	_ =	shalt  }
0x70: {  	_ =	shalt  }
0x71: {  	_ =	shalt  }
0x72: {  	_ =	shalt  }
0x73: {  	_ =	shalt  }
0x74: {  	_ =	shalt  }
0x75: {  	_ =	shalt  }
0x76: {  	_ =	shalt  }
0x77: {  	_ =	shalt  }
0x78: {  	_ =	shalt  }
0x79: {  	_ =	shalt  }
0x7a: {  	_ =	shalt  }
0x7b: {  	_ =	shalt  }
0x7c: {  	_ =	shalt  }
0x7d: {  	_ =	shalt  }
0x7e: {  	_ =	shalt  }
0x7f: {  	_ =	shalt  }
0x80: {  	_ =	shalt  }
0x81: {  	_ =	shalt  }
0x82: {  	_ =	shalt  }
0x83: {  	_ =	shalt  }
0x84: {  	_ =	shalt  }
0x85: {  	_ =	shalt  }
0x86: {  	_ =	shalt  }
0x87: {  	_ =	shalt  }
.Lfunc_end0:
.L_simem_size_0:
called_computation.3_lowered:
.L_overlay_start_0:
0x88: {  	s2 =	sld [smem:$0x3FD9]  }
0x89: {  	s3 =	sld [smem:$0x3FFE];
	_ =	sdelay $0x1  }
0x8a: {  	s1 =	srdreg.scid  }
0x8b: {  	s0 =	sand.u32 $0x1, s1  }
0x8c: {  	s14 =	sshll.u32 s0, $0xA;
	s2 =	sadd.s32 s3, s2  }
0x8d: {  	s2 =	sadd.s32 s2, s14  }
0x8e: {  	[smem:$0x3FC3] =	sst s2  }
0x8f: {  	_ = 	snop  }
0x90: {  	s2 =	sld [smem:$0x3FD0];
	_ =	sdelay $0x2  }
0x91: {  	s15 =	simm.s32 $0xB;
	s4 =	simm.s32 $0x10  }
0x92: {  	[smem:s4], [sflag:s15] =	dma.local [hbm:s2], $0x1  }
0x93: {  	_ =	swait.eq [sflag:s15], $0x1  }
0x94: {  	[sflag:s15] =	ssyncset.done $0x0  }
0x95: {  	[sflag:s15] =	ssyncadd.s32 $0xFFFFFFFF  }
0x96: {  	s16 =	sld [smem:$0x11];
	(tm) =	ssettm $0x1  }
0x97: {  	s17 =	sld [smem:$0x3FFB];
	_ =	sdelay $0x3  }
0x98: {  	_ =	strace s17  }
0x99: {  	s3 =	sld [smem:$0x3FFC];
	_ =	sdelay $0x3  }
0x9a: {  	_ =	strace s3  }
0x9b: {  	s3 =	sld [smem:$0x3FFD];
	_ =	sdelay $0x3  }
0x9c: {  	_ =	strace s3  }
0x9d: {  	_ =	strace $0x8FFFFFFF  }
0x9e: {  	s18 =	sld [smem:$0x3FDB];
	_ =	sdelay $0x1  }
0x9f: {  	s19 =	simm.s32 $_scs_section_size  }
0xa0: {  	s5 =	simm.s32 $_size__tile_overlayer_lowered;
	s6 =	simm.s32 $_tile_overlayer_lowered  }
0xa1: {  	s22 =	simm.s32 $0x1BFF;
	s21 =	sshll.u32 s6, $0x1;
	s3 =	sadd.s32 s19, s18  }
0xa2: {  	s7 =	simm.s32 $0x0;
	s20 =	sshll.u32 s5, $0x1;
	s5 =	sadd.s32 s21, s3  }
0xa3: {  	[timem:s7], [sflag:s22] =	dma.local [hbm:s5], s20  }
0xa4: {  	_ =	swait.ge [sflag:s22], s20  }
0xa5: {  	s4 =	ssub.s32 $0x0, s20;
	[sflag:s22] =	ssyncset.done $0x0  }
0xa6: {  	[sflag:s22] =	ssyncadd.s32 s4;
	_ =	sdelay $0x1  }
0xa7: {  	s23 =	simm.s32 $0x1B8B  }
0xa8: {  	_ =	swait.ge [sflag:s23], $0x1  }
0xa9: {  	[sflag:s23] =	ssyncset.done $0x0  }
0xaa: {  	s25 =	simm.s32 $0x1B8E;
	s24 =	sld [smem:$0x3FFE];
	[sflag:s23] =	ssyncadd.s32 $0xFFFFFFFF  }
0xab: {  	s26 =	simm.s32 $execute0_lowered;
	[smem:$0x3FD2] =	sst s25  }
0xac: {  	s5 =	sshll.u32 s26, $0x1;
	_ =	strace $0x80000049;
	[dreg:$0x1] =	wrdreg $0xFFFFFFFF  }
0xad: {  	s28 =	simm.s32 $_size_execute0_lowered;
	s3 =	sadd.s32 s3, s5;
	[dreg:$0x0] =	wrdreg $0x0  }
0xae: {  	s5 =	sshll.u32 s28, $0x1;
	[dreg:$0x2] =	wrdreg s3  }
0xaf: {  	[dreg:$0x3] =	wrdreg s5  }
0xb0: {  	[dreg:$0x4] =	wrdreg $0xC0  }
0xb1: {  	_ =	task [dreg:s7], $0x5FFFF  }
0xb2: {  	[dreg:$0x1] =	wrdreg $0xFFFFFFFF  }
0xb3: {  	[dreg:$0x0] =	wrdreg $0x60  }
0xb4: {  	[dreg:$0x2] =	wrdreg s24  }
0xb5: {  	[dreg:$0x3] =	wrdreg s16  }
0xb6: {  	[dreg:$0x4] =	wrdreg $0x9  }
0xb7: {  	_ =	task.clear_ibuf [dreg:s7], $0x5FFFF;
	_ =	strace $0x90000049  }
0xb8: {  	s29 =	simm.s32 $0x9;
	_ =	strace $0x8000004B  }
0xb9: {  	_ =	swait.ge [sflag:s29], $0x1  }
0xba: {  	[sflag:s29] =	ssyncadd.s32 $0xFFFFFFFF  }
0xbb: {  	_ =	strace $0x9000004B  }
0xbc: {  	_ =	sfence  }
0xbd: {  	s30 =	sld [smem:$0x0];
	_ =	sdelay $0x2  }
0xbe: {  	s31 =	sshll.u32 s1, $0xD;
	s1 =	sshrl.u32 s1, $0x2  }
0xbf: {  	s3 =	sand.u32 $0x4000, s31;
	s1 =	sadd.s32 s1, s30  }
0xc0: {  	s0 =	sor.u32 s3, s0;
	s1 =	sshll.u32 s1, $0x11  }
0xc1: {  	s0 =	sor.u32 s1, s0  }
0xc2: {  	s0 =	sadd.s32 $0x8F2B, s0  }
0xc3: {  	[sflag:s0] =	ssyncadd.remote.s32 $0x1  }
0xc4: {  	_ =	sfence.sel $0xFFFF  }
0xc5: {  	[dreg:$0x0] =	wrdreg $0xFFFFFFFF;
	(pc) =	sbr.abs _section_cstart, $3  }
0xc6: {  	[dreg:$0x1] =	wrdreg $0xFFFFFFFF  }
0xc7: {  	_ =	task.clear_ibuf [dreg:s7], $0x2FFFF;
	_ =	strace $0x9FFFFFFF  }
0xc8: {  	(tm) =	ssettm $0x7FFFFFFF  }
0xc9: {  	_ =	shalt  }
tec
execute0_lowered:
.L_overlay_start_1:
0x0: {  	(tag) =	ssettag $0x1  }
0x1: {  	s8 =	rddreg [dreg:$0x0]  }
0x2: {  	s2 =	rddreg [dreg:$0x1]  }
0x3: {  	s0 =	rddreg [dreg:$0x2];
	s1 =	stileid.u32  }
0x4: {  	s3 =	srdreg.scid;
	_ =	strace $0x8000004A;
	s4 =	simm.s32 $0x1  }
0x5: {  	s7 =	simm.s32 $0x1;
	s9 =	simm.s32 $0x1;
	s10 =	simm.s32 $0x3  }
0x6: {  	s13 =	simm.s32 $0x0;
	s5 =	sand.u32 $0x1, s3;
	s6 =	sshll.u32 s1, $0x1  }
0x7: {  	s12 =	simm.s32 $0x0;
	s3 =	sadd.s32 $0x16400, s8;
	s5 =	sor.u32 s6, s5  }
.Ltmp0:
0x8: {  	[sflag:s4] =	ssyncpa.u1 $0x0;
	p0 =	slt.u32 s5, $0x9;
	(pc) =	sbr.rel .LBB2_1-.Ltmp0, $4  }
0x9: {  	s6 =	simm.s32 $0x2;
	s7 =	simm.s32 @!p0 $0x0;
	p0 =	sne.s32 s5, $0x8  }
0xa: {  	[sflag:s6] =	ssyncpa.u1 $0x0;
	s5 =	smul.u32 $0x1F40, s5;
	s9 =	simm.s32 @!p0 $0x0  }
0xb: {  	s8 =	sadd.s32 $0x36400, s8;
	[sflag:s10] =	ssyncpa.u1 $0x0;
	s7 =	sadd.s32 s9, s7  }
0xc: {  	vm0 =	vmmov $0xffff;
	s10 =	simm.s32 $0x0;
	s11 =	smov.u32 s5;
	s9 =	sadd.s32 $0x1, s7  }
.LBB2_4:
0xd: {  	v2 =	vnsel vm1, $0x0, v2  }
0xe: {  	vm1 =	vgt.s32 v0, $0x0;
	v2 =	vmin.u32 v2, $0xFFFFF  }
0xf: {  	v0 =	vnsel vm1, $0x0, v0  }
0x10: {  	v0 =	vmin.u32 v0, $0xFFFFF  }
0x11: {  	[tilespmem:s18], [sflag:$0x1] =	stream.indirect_vreg.gather [hbm4b:s3+s10], $0x1, v1, vm0, $0x4038;
	[tilespmem:$0x7D00] =	vst v63  }
0x12: {  	(ifvalue) =	ssetifvalue $0x7FFFFFFF  }
0x13: {  	[tilespmem:s15], [sflag:$0x1] =	stream.indirect_vreg.gather [hbm4b:s3+s10], $0x1, v2, vm0, $0x4038;
	[tilespmem:$0x7D00] =	vst v63  }
0x14: {  	s29 =	sadd.s32 $0x10, s15;
	(ifvalue) =	ssetifvalue $0x7FFFFFFF  }
0x15: {  	[tilespmem:s29], [sflag:$0x1] =	stream.indirect_vreg.gather [hbm4b:s3+s10], $0x1, v0, vm0, $0x4038;
	[tilespmem:$0x7D00] =	vst v63  }
0x16: {  	_ =	swait.ge [sflag:s4], $0x1F40  }
0x17: {  	s30 =	sshrl.u32 s13, $0x3;
	[sflag:s4] =	ssyncset.done $0x0  }
0x18: {  	s31 =	sand.u32 $0x7, s13;
	s15 =	sadd.s32 s8, s30;
	[sflag:s4] =	ssyncadd.s32 $0xFFFFE0C0  }
0x19: {  	[hbm4b:s15+s31] =	stream.linear.scatter [tilespmem:s14], [sflag:$0x3], $0x1F40, $0x38;
	[tilespmem:$0x7D00] =	vst v63  }
.LBB2_5:
0x1a: {  	s15 =	sadd.s32 $0x3E800, s11  }
0x1b: {  	p1 =	sgt.s32 s15, $0x4E1FF  }
0x1c: {  	s15 =	smov.u32 @p1 s5;
	p1 =	sne.s32 s12, s9  }
.Ltmp1:
0x1d: {  	p0 =	slt.u32 s12, $0x2;
	(pc) =	sbr.rel @!p1 .LBB2_6-.Ltmp1, $4  }
0x1e: {  	s14 =	simm.s32 @!p0 $0x3  }
0x1f: {  	_ =	swait.ge @!p0 [sflag:s14], $0x1F40  }
0x20: {  	s16 =	sadd.s32 $0x1, s12;
	s13 =	smov.u32 s11;
	[sflag:s14] =	ssyncset.done @!p0 $0x0  }
0x21: {  	s12 =	smov.u32 s16;
	s11 =	smov.u32 s15;
	[sflag:s14] =	ssyncadd.s32 @!p0 $0xFFFFE0C0  }
.LBB2_1:
0x22: {  	p0 =	sge.u32 s12, s7  }
0x23: {  	s14 =	sxor.u32 @!p0 $0x1, s12  }
0x24: {  	s14 =	smul.u32 @!p0 $0x7D00, s14  }
0x25: {  	s31 =	sadd.s32 $0xFFFFFFFF, s12;
	s15 =	sshrl.u32 @!p0 s11, $0x3  }
0x26: {  	s16 =	sand.u32 @!p0 $0x7, s11;
	s15 =	sadd.s32 @!p0 s2, s15;
	s14 =	sshra.s32 @!p0 s14, $0x2  }
0x27: {  	[tilespmem:s14], [sflag:$0x2] =	stream.linear.gather @!p0 [hbm4b:s15+s16], $0x1F40, $0x38;
	[tilespmem:$0x7D00] =	vst v63  }
0x28: {  	p0 =	sge.u32 s31, s7  }
.Ltmp2:
0x29: {  	_ = 	snop;
	(pc) =	sbr.rel @p0 .LBB2_5-.Ltmp2, $1  }
0x2a: {  	_ =	sdelay $0x3  }
0x2b: {  	s14 =	sand.u32 $0x1, s12  }
0x2c: {  	_ =	swait.ge [sflag:s6], $0x1F40;
	p0 =	seq.s32 s14, $0x1;
	s14 =	simm.s32 $0x1F40  }
0x2d: {  	[sflag:s6] =	ssyncset.done $0x0;
	s14 =	simm.s32 @!p0 $0x0  }
0x2e: {  	[sflag:s6] =	ssyncadd.s32 $0xFFFFE0C0;
	(ifvalue) =	ssetifvalue $0x7FFFFFFF;
	v0 =	vld.msk [tilespmem:s14+$0x0 ss:$0x1], $0xffff;
	_ =	sdelay $0x4  }
0x2f: {  	s15 =	sadd.s32 $0x10, s14;
	vm1 =	vgt.s32 v0, $0x0  }
0x30: {  	v2 =	vld.msk [tilespmem:s15+$0x0 ss:$0x1], $0xffff;
	v1 =	vnsel vm1, $0x0, v0  }
0x31: {  	v1 =	vmin.u32 v1, $0xFFFFF;
	_ =	sdelay $0x2  }
0x32: {  	s17 =	simm.s32 $0x20;
	s14 =	sadd.s32 $0x3E80, s14;
	s16 =	sadd.s32 $0x10, s15  }
0x33: {  	s15 =	sadd.s32 $0x10, s14;
	s18 =	smov.u32 s14;
	v0 =	vld.msk [tilespmem:s16+$0x0 ss:$0x1], $0xffff;
	vm1 =	vgt.s32 v2, $0x0;
	(ifvalue) =	ssetifvalue $0x7FFFFFFF  }
.LBB2_3:
0x34: {  	[tilespmem:s18], [sflag:$0x1] =	stream.indirect_vreg.gather [hbm4b:s3+s10], $0x1, v1, vm0, $0x4038;
	[tilespmem:$0x7D00] =	vst v63  }
0x35: {  	s17 =	sadd.s32 $0x10, s17  }
0x36: {  	v2 =	vnsel vm1, $0x0, v2;
	p0 =	slt.u32 s17, $0x1F30  }
.Ltmp3:
0x37: {  	s18 =	smov.u32 s15;
	v1 =	vmin.u32 v2, $0xFFFFF;
	(pc) =	sbr.rel @p0 .LBB2_3-.Ltmp3, $3  }
0x38: {  	_ =	sdelay $0x1  }
0x39: {  	s16 =	sadd.s32 $0x10, s16  }
0x3a: {  	vm1 =	vgt.s32 v0, $0x0;
	s15 =	sadd.s32 $0x10, s15;
	v2 =	vmov v0;
	(ifvalue) =	ssetifvalue $0x7FFFFFFF;
	v0 =	vld.msk [tilespmem:s16+$0x0 ss:$0x1], $0xffff  }
.Ltmp4:
0x3b: {  	_ = 	snop;
	(pc) =	sbr.rel .LBB2_4-.Ltmp4, $1  }
0x3c: {  	_ =	sdelay $0x3  }
.LBB2_6:
0x3d: {  	_ =	sfence.sel $0x180000  }
0x3e: {  	s2 =	simm.s32 $0x2;
	[bflag:$0x0] =	sbarrier.arrive $0xFFFF  }
0x3f: {  	s30 =	simm.s32 $0x3;
	[sflag:s2] =	ssyncpa.u1 $0x1  }
0x40: {  	s31 =	simm.s32 $0x1;
	[sflag:s30] =	ssyncpa.u1 $0x1  }
0x41: {  	[sflag:s31] =	ssyncpa.u1 $0x1  }
0x42: {  	p0 =	sne.s32 s1, $0x0;
	_ =	strace $0x9000004A  }
0x43: {  	s0 =	sadd.s32 @!p0 $0x100000, s0;
	[bflag:$0x2] =	sbarrier.arrive $0xFFFF  }
0x44: {  	[sflag:s0] =	ssyncadd.tile.s32 @!p0 $0x1;
	_ =	shalt  }
.Lfunc_end2:
_tile_overlayer_lowered:
.L_overlay_start_2:
0x45: {  	(tag) =	ssettag $0x2  }
0x46: {  	s0 =	rddreg [dreg:$0x0];
	s2 =	stileid.u32  }
0x47: {  	s1 =	rddreg [dreg:$0x1];
	p0 =	sne.s32 s2, $0x0  }
0x48: {  	s3 =	rddreg [dreg:$0x2];
	[bflag:$0x3] =	sbarrier.arrive $0xFFFF;
	s2 =	simm.s32 @!p0 $0x1C01  }
0x49: {  	[timem:s3], [sflag:s2] =	dma.local @!p0 [hbm:s0], s1  }
0x4a: {  	s0 =	simm.s32 @!p0 $0x1  }
0x4b: {  	_ =	swait.ge @!p0 [sflag:s0], s1  }
0x4c: {  	s1 =	ssub.s32 @!p0 $0x0, s1;
	[sflag:s0] =	ssyncset.done @!p0 $0x0  }
0x4d: {  	[sflag:s0] =	ssyncadd.s32 @!p0 s1  }
0x4e: {  	[bflag:$0x3] =	sbarrier.arrive $0xFFFF  }
0x4f: {  	_ =	shalt  }

// kernel: kernel.5.cloned.1.call-start
scs
__scs_entry_jumppad:
0x0: {  	(pc) =	sbr.rel $0x88, $3  }
0x1: {  	(tag) =	ssettag $0x0;
	lr =	simm.s32 $0x1  }
0x2: {  	[smem:$0x3F9C] =	sst lr;
	_ =	strace $0xD0000000  }
0x3: {  	_ = 	snop  }
0x4: {  	_ = 	snop  }
0x5: {  	_ = 	snop  }
0x6: {  	_ = 	snop  }
0x7: {  	_ = 	snop  }
__scs_overlays_trampoline_lowered:
0x8: {  	[smem:$0x3FAB] =	sst s0  }
0x9: {  	[smem:$0x3FAC] =	sst s1  }
0xa: {  	[smem:$0x3FAD] =	sst s2  }
0xb: {  	[smem:$0x3FAE] =	sst s3  }
0xc: {  	[smem:$0x3FAF] =	sst s4  }
0xd: {  	[smem:$0x3FB0] =	sst s5  }
0xe: {  	[smem:$0x3FB1] =	sst s6  }
0xf: {  	[smem:$0x3FB2] =	sst s7  }
0x10: {  	[smem:$0x3FB3] =	sst s8  }
0x11: {  	[smem:$0x3FB4] =	sst s9;
	s0 =	simm.s32 @!p0 $0x0  }
0x12: {  	s1 =	sld [smem:$0x3F9A];
	s0 =	simm.s32 @p0 $0x1  }
0x13: {  	[smem:$0x3FB5] =	sst s0;
	s0 =	simm.s32 @!p1 $0x0  }
0x14: {  	s2 =	sld [smem:$0x3F99];
	s0 =	simm.s32 @p1 $0x1  }
0x15: {  	[smem:$0x3FB6] =	sst s0;
	s0 =	simm.s32 @!p2 $0x0  }
0x16: {  	s3 =	sld [smem:$0x3FDB];
	s0 =	simm.s32 @p2 $0x1  }
0x17: {  	s4 =	simm.s32 $0x1BF5;
	[smem:$0x3FB8] =	sst s0  }
0x18: {  	s0 =	sld [smem:$0x3F9B];
	_ =	swait.ge [sflag:s4], $0x0  }
0x19: {  	s7 =	sld [smem:$0x3F9C]  }
0x1a: {  	s8 =	sadd.s32 $0xFFFFE003, lr  }
0x1b: {  	s9 =	sadd.s32 $0xFFFFFEF7, lr;
	s5 =	simm.s32 $0xFFFFFFFF;
	p2 =	slt.u32 s8, $0xFFFFF086  }
0x1c: {  	p1 =	slt.u32 s9, $0xF7A;
	s5 =	simm.s32 @!p2 $0x0  }
0x1d: {  	s5 =	simm.s32 @p1 $0x1;
	p0 =	seq.s32 s7, s2  }
0x1e: {  	s7 =	smul.u32 @!p0 $0xF7A, s2;
	p2 =	seq.s32 @!p0 s5, $0x0  }
0x1f: {  	s9 =	smul.u32 $0xF7A, s1;
	s8 =	simm.s32 @!p0 $0x1BF5;
	p2 =	por !p2, p0  }
0x20: {  	[sflag:s8] =	ssyncset.s32 @!p0 $0xFFFFF086;
	s6 =	sadd.s32 @!p0 s3, s7;
	s7 =	simm.s32 @!p0 $0x108  }
0x21: {  	s3 =	sadd.s32 s3, s9;
	s6 =	sadd.s32 @!p0 $0x88, s6;
	s7 =	simm.s32 @p2 $0x1082  }
0x22: {  	[simem:s7], [sflag:s8] =	dma.local @!p0 [hbm:s6], $0xF7A  }
0x23: {  	s9 =	sor.u32 $0xD0000000, s2;
	s6 =	simm.s32 $0x108;
	_ =	swait.ge @!p0 [sflag:s8], $0x0  }
0x24: {  	s3 =	sadd.s32 $0x88, s3;
	s6 =	simm.s32 @!p1 $0x1082;
	[sflag:s4] =	ssyncset.s32 $0xFFFFF086  }
0x25: {  	[simem:s6], [sflag:s4] =	dma.local [hbm:s3], $0xF7A  }
0x26: {  	[smem:$0x3F9C] =	sst s1;
	(tag) =	ssettag s2;
	_ =	strace s9  }
0x27: {  	s1 =	sld [smem:$0x3FAC]  }
0x28: {  	s2 =	sld [smem:$0x3FAD]  }
0x29: {  	s4 =	sld [smem:$0x3FAF]  }
0x2a: {  	p0 =	seq.s32 s5, $0x0;
	s5 =	sld [smem:$0x3FB0]  }
0x2b: {  	s6 =	sld [smem:$0x3FB1]  }
0x2c: {  	s7 =	sld [smem:$0x3FB2]  }
0x2d: {  	s3 =	simm.s32 $0x108;
	s8 =	sld [smem:$0x3FB3]  }
0x2e: {  	s3 =	simm.s32 @!p0 $0x1082;
	s9 =	sld [smem:$0x3FB4]  }
0x2f: {  	lr =	sadd.s32 s0, s3;
	s0 =	sld [smem:$0x3FAB]  }
0x30: {  	s3 =	sld [smem:$0x3FAE]  }
0x31: {  	[smem:$0x3FB7] =	sst s10  }
0x32: {  	s10 =	sld [smem:$0x3FB5];
	_ =	sdelay $0x3  }
0x33: {  	p0 =	seq.s32 s10, $0x1;
	s10 =	sld [smem:$0x3FB7];
	_ =	sdelay $0x3  }
0x34: {  	[smem:$0x3FB7] =	sst s10  }
0x35: {  	s10 =	sld [smem:$0x3FB6];
	_ =	sdelay $0x3  }
0x36: {  	p1 =	seq.s32 s10, $0x1;
	s10 =	sld [smem:$0x3FB7];
	_ =	sdelay $0x3  }
0x37: {  	[smem:$0x3FB7] =	sst s10  }
0x38: {  	s10 =	sld [smem:$0x3FB8]  }
0x39: {  	_ = 	snop;
	(pc) =	sbr.ind lr, $3  }
0x3a: {  	_ = 	snop  }
0x3b: {  	_ = 	snop  }
0x3c: {  	p2 =	seq.s32 s10, $0x1;
	s10 =	sld [smem:$0x3FB7]  }
0x3d: {  	_ =	shalt  }
0x3e: {  	_ =	shalt  }
0x3f: {  	_ =	shalt  }
0x40: {  	_ =	shalt  }
0x41: {  	_ =	shalt  }
0x42: {  	_ =	shalt  }
0x43: {  	_ =	shalt  }
0x44: {  	_ =	shalt  }
0x45: {  	_ =	shalt  }
0x46: {  	_ =	shalt  }
0x47: {  	_ =	shalt  }
0x48: {  	_ =	shalt  }
0x49: {  	_ =	shalt  }
0x4a: {  	_ =	shalt  }
0x4b: {  	_ =	shalt  }
0x4c: {  	_ =	shalt  }
0x4d: {  	_ =	shalt  }
0x4e: {  	_ =	shalt  }
0x4f: {  	_ =	shalt  }
0x50: {  	_ =	shalt  }
0x51: {  	_ =	shalt  }
0x52: {  	_ =	shalt  }
0x53: {  	_ =	shalt  }
0x54: {  	_ =	shalt  }
0x55: {  	_ =	shalt  }
0x56: {  	_ =	shalt  }
0x57: {  	_ =	shalt  }
0x58: {  	_ =	shalt  }
0x59: {  	_ =	shalt  }
0x5a: {  	_ =	shalt  }
0x5b: {  	_ =	shalt  }
0x5c: {  	_ =	shalt  }
0x5d: {  	_ =	shalt  }
0x5e: {  	_ =	shalt  }
0x5f: {  	_ =	shalt  }
0x60: {  	_ =	shalt  }
0x61: {  	_ =	shalt  }
0x62: {  	_ =	shalt  }
0x63: {  	_ =	shalt  }
0x64: {  	_ =	shalt  }
0x65: {  	_ =	shalt  }
0x66: {  	_ =	shalt  }
0x67: {  	_ =	shalt  }
0x68: {  	_ =	shalt  }
0x69: {  	_ =	shalt  }
0x6a: {  	_ =	shalt  }
0x6b: {  	_ =	shalt  }
0x6c: {  	_ =	shalt  }
0x6d: {  	_ =	shalt  }
0x6e: {  	_ =	shalt  }
0x6f: {  	_ =	shalt  }
0x70: {  	_ =	shalt  }
0x71: {  	_ =	shalt  }
0x72: {  	_ =	shalt  }
0x73: {  	_ =	shalt  }
0x74: {  	_ =	shalt  }
0x75: {  	_ =	shalt  }
0x76: {  	_ =	shalt  }
0x77: {  	_ =	shalt  }
0x78: {  	_ =	shalt  }
0x79: {  	_ =	shalt  }
0x7a: {  	_ =	shalt  }
0x7b: {  	_ =	shalt  }
0x7c: {  	_ =	shalt  }
0x7d: {  	_ =	shalt  }
0x7e: {  	_ =	shalt  }
0x7f: {  	_ =	shalt  }
0x80: {  	_ =	shalt  }
0x81: {  	_ =	shalt  }
0x82: {  	_ =	shalt  }
0x83: {  	_ =	shalt  }
0x84: {  	_ =	shalt  }
0x85: {  	_ =	shalt  }
0x86: {  	_ =	shalt  }
0x87: {  	_ =	shalt  }
.Lfunc_end0:
.L_simem_size_0:
called_computation.5_lowered:
.L_overlay_start_0:
0x88: {  	s2 =	sld [smem:$0x3FD9]  }
0x89: {  	s3 =	sld [smem:$0x3FFE];
	_ =	sdelay $0x1  }
0x8a: {  	s1 =	srdreg.scid  }
0x8b: {  	s0 =	sand.u32 $0x1, s1  }
0x8c: {  	s16 =	sshll.u32 s0, $0xA;
	s2 =	sadd.s32 s3, s2  }
0x8d: {  	s2 =	sadd.s32 s2, s16  }
0x8e: {  	[smem:$0x3FC3] =	sst s2  }
0x8f: {  	_ = 	snop  }
0x90: {  	(tm) =	ssettm $0x1  }
0x91: {  	s17 =	sld [smem:$0x3FFB];
	_ =	sdelay $0x3  }
0x92: {  	_ =	strace s17  }
0x93: {  	s2 =	sld [smem:$0x3FFC];
	_ =	sdelay $0x3  }
0x94: {  	_ =	strace s2  }
0x95: {  	s2 =	sld [smem:$0x3FFD];
	_ =	sdelay $0x3  }
0x96: {  	_ =	strace s2  }
0x97: {  	_ =	strace $0x8FFFFFFF  }
0x98: {  	s18 =	sld [smem:$0x3FDB];
	_ =	sdelay $0x1  }
0x99: {  	s19 =	simm.s32 $_scs_section_size  }
0x9a: {  	s4 =	simm.s32 $_size__tile_overlayer_lowered;
	s5 =	simm.s32 $_tile_overlayer_lowered  }
0x9b: {  	s22 =	simm.s32 $0x1BFF;
	s21 =	sshll.u32 s5, $0x1;
	s2 =	sadd.s32 s19, s18  }
0x9c: {  	s6 =	simm.s32 $0x0;
	s20 =	sshll.u32 s4, $0x1;
	s4 =	sadd.s32 s21, s2  }
0x9d: {  	[timem:s6], [sflag:s22] =	dma.local [hbm:s4], s20  }
0x9e: {  	_ =	swait.ge [sflag:s22], s20  }
0x9f: {  	s3 =	ssub.s32 $0x0, s20;
	[sflag:s22] =	ssyncset.done $0x0  }
0xa0: {  	[sflag:s22] =	ssyncadd.s32 s3;
	_ =	sdelay $0x1  }
0xa1: {  	s23 =	simm.s32 $0x1B8B  }
0xa2: {  	_ =	swait.ge [sflag:s23], $0x1  }
0xa3: {  	[sflag:s23] =	ssyncset.done $0x0  }
0xa4: {  	s25 =	simm.s32 $0x1B8E;
	s24 =	sld [smem:$0x3FFE];
	[sflag:s23] =	ssyncadd.s32 $0xFFFFFFFF  }
0xa5: {  	s26 =	simm.s32 $execute0_lowered;
	[smem:$0x3FD2] =	sst s25  }
0xa6: {  	s4 =	sshll.u32 s26, $0x1;
	_ =	strace $0x80000046;
	[dreg:$0x1] =	wrdreg $0xFFFFFFFF  }
0xa7: {  	s28 =	simm.s32 $_size_execute0_lowered;
	s2 =	sadd.s32 s2, s4;
	[dreg:$0x0] =	wrdreg $0x0  }
0xa8: {  	s4 =	sshll.u32 s28, $0x1;
	[dreg:$0x2] =	wrdreg s2  }
0xa9: {  	[dreg:$0x3] =	wrdreg s4  }
0xaa: {  	[dreg:$0x4] =	wrdreg $0xC0  }
0xab: {  	_ =	task [dreg:s6], $0x5FFFF  }
0xac: {  	[dreg:$0x1] =	wrdreg $0xFFFFFFFF  }
0xad: {  	[dreg:$0x0] =	wrdreg $0x60  }
0xae: {  	[dreg:$0x2] =	wrdreg s24  }
0xaf: {  	[dreg:$0x3] =	wrdreg $0x9  }
0xb0: {  	_ =	task.clear_ibuf [dreg:s6], $0x4FFFF;
	_ =	strace $0x90000046  }
0xb1: {  	s29 =	simm.s32 $0x9;
	_ =	strace $0x80000048  }
0xb2: {  	_ =	swait.ge [sflag:s29], $0x1  }
0xb3: {  	[sflag:s29] =	ssyncadd.s32 $0xFFFFFFFF  }
0xb4: {  	_ =	strace $0x90000048  }
0xb5: {  	_ =	sfence  }
0xb6: {  	s30 =	sld [smem:$0x0];
	_ =	sdelay $0x2  }
0xb7: {  	s31 =	sshll.u32 s1, $0xD;
	s1 =	sshrl.u32 s1, $0x2  }
0xb8: {  	s3 =	sand.u32 $0x4000, s31;
	s1 =	sadd.s32 s1, s30  }
0xb9: {  	s0 =	sor.u32 s3, s0;
	s1 =	sshll.u32 s1, $0x11  }
0xba: {  	s0 =	sor.u32 s1, s0  }
0xbb: {  	s0 =	sadd.s32 $0x8F2B, s0  }
0xbc: {  	[sflag:s0] =	ssyncadd.remote.s32 $0x1  }
0xbd: {  	_ =	sfence.sel $0xFFFF  }
0xbe: {  	[dreg:$0x0] =	wrdreg $0xFFFFFFFF;
	(pc) =	sbr.abs _section_cstart, $3  }
0xbf: {  	[dreg:$0x1] =	wrdreg $0xFFFFFFFF  }
0xc0: {  	_ =	task.clear_ibuf [dreg:s6], $0x2FFFF;
	_ =	strace $0x9FFFFFFF  }
0xc1: {  	(tm) =	ssettm $0x7FFFFFFF  }
tec
execute0_lowered:
.L_overlay_start_1:
0x0: {  	(tag) =	ssettag $0x1  }
0x1: {  	s0 =	srdreg.scid  }
0x2: {  	s4 =	rddreg [dreg:$0x0];
	s2 =	simm.s32 $0x0;
	s9 =	simm.s32 $0x4F00  }
0x3: {  	s10 =	simm.s32 $0x0;
	s3 =	sand.u32 $0x1, s0;
	s0 =	stileid.u32  }
0x4: {  	[smem:$0x7FF] =	sst s2;
	s1 =	sshll.u32 s3, $0x4;
	s7 =	ssub.s32 $0x2, s3  }
0x5: {  	s3 =	sadd.s32 $0x16400, s4;
	s5 =	sor.u32 s0, s1;
	s1 =	rddreg [dreg:$0x1]  }
0x6: {  	s31 =	sshrl.u32 s7, $0x1;
	s6 =	smul.u32 $0x4E2, s5;
	s5 =	sshll.u32 s5, $0x14  }
0x7: {  	_ =	strace $0x80000047;
	s7 =	ssub.s32 s7, s31;
	s8 =	sand.u32 $0x1800000, s5  }
0x8: {  	s5 =	smax.u32 s7, $0x1;
	s7 =	simm.s32 $0x80;
	s6 =	sadd.s32 s6, s4  }
0x9: {  	v1 =	vimm.s32 $0x1;
	v0 =	vmov s8;
	s8 =	simm.s32 $0x7680;
	s4 =	sadd.s32 $0xC600, s6;
	s6 =	simm.s32 $0x1  }
.LBB2_1:
0xa: {  	[tilespmem:s2], [sflag:$0x1] =	stream.linear.gather [hbm4b:s4+s2], $0x2710, $0x38;
	[tilespmem:$0x7700] =	vst v63  }
0xb: {  	_ =	swait.ge [sflag:s6], $0x2710  }
0xc: {  	[sflag:s6] =	ssyncset.done $0x0  }
0xd: {  	s11 =	simm.s32 $0x0;
	[sflag:s6] =	ssyncadd.s32 $0xFFFFD8F0  }
0xe: {  	s12 =	simm.s32 $0x40;
	v2 =	vld [tilespmem:s11+$0x0];
	[tilespmem:s11+$0x4F00] =	vst v1  }
.LBB2_2:
0xf: {  	_ =	sdelay $0x1  }
0x10: {  	p0 =	sne.s32 s12, $0x9C00  }
.Ltmp0:
0x11: {  	_ = 	snop;
	(pc) =	sbr.rel @p0 .LBB2_2-.Ltmp0, $4  }
0x12: {  	v3 =	vshll.u32 v2, $0x12;
	v4 =	vshra.s32 v2, $0x5  }
0x13: {  	s13 =	sshra.s32 s12, $0x2;
	v3 =	vand.u32 $0x7C0000, v3;
	v4 =	vadd.s32 v0, v4  }
0x14: {  	[tilespmem:s13+$0x4F00] =	vst v1;
	v3 =	vadd.s32 v3, v4  }
0x15: {  	s12 =	sadd.s32 $0x40, s12;
	v2 =	vld [tilespmem:s13+$0x0];
	[tilespmem:s11+$0x2780] =	vst v3;
	s11 =	smov.u32 s13  }
0x16: {  	_ =	sdelay $0x3  }
0x17: {  	v3 =	vshll.u32 v2, $0x12;
	v2 =	vshra.s32 v2, $0x5  }
0x18: {  	v3 =	vand.u32 $0x7C0000, v3;
	v2 =	vadd.s32 v0, v2  }
0x19: {  	v2 =	vadd.s32 v3, v2  }
0x1a: {  	s31 =	simm.s32 $0x0;
	[tilespmem:s11+$0x2780] =	vst v2  }
0x1b: {  	v2 =	vld [tilespmem:s31+$0x2780];
	_ =	sdelay $0x4  }
0x1c: {  	[tilespmem:$0x7680] =	vst v2  }
0x1d: {  	v2 =	vld [tilespmem:s31+$0x2790];
	_ =	sdelay $0x4  }
0x1e: {  	[tilespmem:$0x7690] =	vst v2  }
0x1f: {  	v2 =	vld [tilespmem:s31+$0x27A0];
	_ =	sdelay $0x4  }
0x20: {  	[tilespmem:$0x76A0] =	vst v2  }
0x21: {  	v2 =	vld [tilespmem:s31+$0x27B0];
	_ =	sdelay $0x4  }
0x22: {  	[tilespmem:$0x76B0] =	vst v2  }
0x23: {  	v2 =	vld [tilespmem:s31+$0x27C0];
	_ =	sdelay $0x4  }
0x24: {  	[tilespmem:$0x76C0] =	vst v2  }
0x25: {  	v2 =	vld [tilespmem:s31+$0x27D0];
	_ =	sdelay $0x4  }
0x26: {  	[tilespmem:$0x76D0] =	vst v2  }
0x27: {  	v2 =	vld [tilespmem:s31+$0x27E0];
	_ =	sdelay $0x4  }
0x28: {  	[tilespmem:$0x76E0] =	vst v2  }
0x29: {  	v2 =	vld [tilespmem:s31+$0x27F0];
	_ =	sdelay $0x4  }
0x2a: {  	[tilespmem:$0x76F0] =	vst v2  }
0x2b: {  	[hbm4b:s3+s7] =	stream.indirect.scatter [tilespmem:s9], [sflag:$0x1], $0x1, s8, s7, $0xb8;
	[tilespmem:$0x7700] =	vst v63  }
0x2c: {  	_ =	swait.ge [sflag:s6], $0x80  }
0x2d: {  	s13 =	simm.s32 $0x400;
	s11 =	simm.s32 $0x200;
	[sflag:s6] =	ssyncset.done $0x0  }
.LBB2_4:
0x2e: {  	s14 =	sshra.s32 s11, $0x2  }
0x2f: {  	[sflag:s6] =	ssyncadd.s32 $0xFFFFFF80;
	s11 =	smov.u32 s13;
	s12 =	sadd.s32 $0x200, s13  }
0x30: {  	p0 =	sne.s32 s13, $0x9A00;
	v2 =	vld [tilespmem:s14+$0x2780];
	_ =	sdelay $0x4  }
0x31: {  	[tilespmem:$0x7680] =	vst v2  }
0x32: {  	v2 =	vld [tilespmem:s14+$0x2790];
	_ =	sdelay $0x4  }
0x33: {  	[tilespmem:$0x7690] =	vst v2  }
0x34: {  	v2 =	vld [tilespmem:s14+$0x27A0];
	_ =	sdelay $0x4  }
0x35: {  	[tilespmem:$0x76A0] =	vst v2  }
0x36: {  	v2 =	vld [tilespmem:s14+$0x27B0];
	_ =	sdelay $0x4  }
0x37: {  	[tilespmem:$0x76B0] =	vst v2  }
0x38: {  	v2 =	vld [tilespmem:s14+$0x27C0];
	_ =	sdelay $0x4  }
0x39: {  	[tilespmem:$0x76C0] =	vst v2  }
0x3a: {  	v2 =	vld [tilespmem:s14+$0x27D0];
	_ =	sdelay $0x4  }
0x3b: {  	[tilespmem:$0x76D0] =	vst v2  }
0x3c: {  	v2 =	vld [tilespmem:s14+$0x27E0];
	_ =	sdelay $0x4  }
0x3d: {  	[tilespmem:$0x76E0] =	vst v2  }
0x3e: {  	v2 =	vld [tilespmem:s14+$0x27F0];
	_ =	sdelay $0x3  }
.Ltmp1:
0x3f: {  	(pc) =	sbr.rel @p0 .LBB2_4-.Ltmp1, $4  }
0x40: {  	[tilespmem:$0x76F0] =	vst v2  }
0x41: {  	[hbm4b:s3+s7] =	stream.indirect.scatter [tilespmem:s9], [sflag:$0x1], $0x1, s8, s7, $0xb8;
	[tilespmem:$0x7700] =	vst v63  }
0x42: {  	_ =	swait.ge [sflag:s6], $0x80  }
0x43: {  	s13 =	smov.u32 s12;
	[sflag:s6] =	ssyncset.done $0x0  }
0x44: {  	s11 =	sshra.s32 s11, $0x2;
	[sflag:s6] =	ssyncadd.s32 $0xFFFFFF80  }
0x45: {  	v2 =	vld [tilespmem:s11+$0x2780];
	_ =	sdelay $0x4  }
0x46: {  	[tilespmem:$0x7680] =	vst v2  }
0x47: {  	v2 =	vld [tilespmem:s11+$0x2790];
	_ =	sdelay $0x4  }
0x48: {  	[tilespmem:$0x7690] =	vst v2  }
0x49: {  	v2 =	vld [tilespmem:s11+$0x27A0];
	_ =	sdelay $0x4  }
0x4a: {  	[tilespmem:$0x76A0] =	vst v2  }
0x4b: {  	v2 =	vld [tilespmem:s11+$0x27B0];
	_ =	sdelay $0x4  }
0x4c: {  	[tilespmem:$0x76B0] =	vst v2  }
0x4d: {  	v2 =	vld [tilespmem:s11+$0x27C0];
	_ =	sdelay $0x4  }
0x4e: {  	[tilespmem:$0x76C0] =	vst v2  }
0x4f: {  	v2 =	vld [tilespmem:s11+$0x27D0];
	_ =	sdelay $0x4  }
0x50: {  	[tilespmem:$0x76D0] =	vst v2  }
0x51: {  	v2 =	vld [tilespmem:s11+$0x27E0];
	_ =	sdelay $0x4  }
0x52: {  	[tilespmem:$0x76E0] =	vst v2  }
0x53: {  	v2 =	vld [tilespmem:s11+$0x27F0];
	_ =	sdelay $0x4  }
0x54: {  	[tilespmem:$0x76F0] =	vst v2  }
0x55: {  	[hbm4b:s3+s7] =	stream.indirect.scatter [tilespmem:s9], [sflag:$0x1], $0x1, s8, s7, $0xb8;
	[tilespmem:$0x7700] =	vst v63  }
0x56: {  	_ =	swait.ge [sflag:s6], $0x80  }
0x57: {  	[sflag:s6] =	ssyncset.done $0x0  }
0x58: {  	[sflag:s6] =	ssyncadd.s32 $0xFFFFFF80  }
0x59: {  	v2 =	vld [tilespmem:$0x4E80];
	_ =	sdelay $0x2  }
0x5a: {  	s10 =	sadd.s32 $0x1, s10  }
0x5b: {  	p0 =	sne.s32 s10, s5  }
.Ltmp2:
0x5c: {  	[tilespmem:$0x7680] =	vst v2;
	(pc) =	sbr.rel @p0 .LBB2_1-.Ltmp2, $4  }
0x5d: {  	[hbm4b:s3+s7] =	stream.indirect.scatter [tilespmem:s9], [sflag:$0x1], $0x1, s8, s7, $0xb8;
	[tilespmem:$0x7700] =	vst v63  }
0x5e: {  	_ =	swait.ge [sflag:s6], $0x80  }
0x5f: {  	[sflag:s6] =	ssyncset.done $0x0  }
0x60: {  	[sflag:s6] =	ssyncadd.s32 $0xFFFFFF80  }
0x61: {  	_ =	sfence.sel $0x180000  }
0x62: {  	[bflag:$0x0] =	sbarrier.arrive $0xFFFF  }
0x63: {  	p0 =	sne.s32 s0, $0x0;
	_ =	strace $0x90000047  }
0x64: {  	s0 =	sadd.s32 @!p0 $0x100000, s1;
	[bflag:$0x2] =	sbarrier.arrive $0xFFFF  }
0x65: {  	[sflag:s0] =	ssyncadd.tile.s32 @!p0 $0x1;
	_ =	shalt  }
.Lfunc_end2:
_tile_overlayer_lowered:
.L_overlay_start_2:
0x66: {  	(tag) =	ssettag $0x2  }
0x67: {  	s0 =	rddreg [dreg:$0x0];
	s2 =	stileid.u32  }
0x68: {  	s1 =	rddreg [dreg:$0x1];
	p0 =	sne.s32 s2, $0x0  }
0x69: {  	s3 =	rddreg [dreg:$0x2];
	[bflag:$0x3] =	sbarrier.arrive $0xFFFF;
	s2 =	simm.s32 @!p0 $0x1C01  }
0x6a: {  	[timem:s3], [sflag:s2] =	dma.local @!p0 [hbm:s0], s1  }
0x6b: {  	s0 =	simm.s32 @!p0 $0x1  }
0x6c: {  	_ =	swait.ge @!p0 [sflag:s0], s1  }
0x6d: {  	s1 =	ssub.s32 @!p0 $0x0, s1;
	[sflag:s0] =	ssyncset.done @!p0 $0x0  }
0x6e: {  	[sflag:s0] =	ssyncadd.s32 @!p0 s1  }
0x6f: {  	[bflag:$0x3] =	sbarrier.arrive $0xFFFF  }
0x70: {  	_ =	shalt  }

// kernel: scatter_offload_async_start.1
scs
__scs_entry_jumppad:
0x0: {  	(pc) =	sbr.rel $0x88, $3  }
0x1: {  	(tag) =	ssettag $0x0;
	lr =	simm.s32 $0x1  }
0x2: {  	[smem:$0x3F9C] =	sst lr;
	_ =	strace $0xD0000000  }
0x3: {  	_ = 	snop  }
0x4: {  	_ = 	snop  }
0x5: {  	_ = 	snop  }
0x6: {  	_ = 	snop  }
0x7: {  	_ = 	snop  }
__scs_overlays_trampoline_lowered:
0x8: {  	[smem:$0x3FAB] =	sst s0  }
0x9: {  	[smem:$0x3FAC] =	sst s1  }
0xa: {  	[smem:$0x3FAD] =	sst s2  }
0xb: {  	[smem:$0x3FAE] =	sst s3  }
0xc: {  	[smem:$0x3FAF] =	sst s4  }
0xd: {  	[smem:$0x3FB0] =	sst s5  }
0xe: {  	[smem:$0x3FB1] =	sst s6  }
0xf: {  	[smem:$0x3FB2] =	sst s7  }
0x10: {  	[smem:$0x3FB3] =	sst s8  }
0x11: {  	[smem:$0x3FB4] =	sst s9;
	s0 =	simm.s32 @!p0 $0x0  }
0x12: {  	s1 =	sld [smem:$0x3F9A];
	s0 =	simm.s32 @p0 $0x1  }
0x13: {  	[smem:$0x3FB5] =	sst s0;
	s0 =	simm.s32 @!p1 $0x0  }
0x14: {  	s2 =	sld [smem:$0x3F99];
	s0 =	simm.s32 @p1 $0x1  }
0x15: {  	[smem:$0x3FB6] =	sst s0;
	s0 =	simm.s32 @!p2 $0x0  }
0x16: {  	s3 =	sld [smem:$0x3FDB];
	s0 =	simm.s32 @p2 $0x1  }
0x17: {  	s4 =	simm.s32 $0x1BF5;
	[smem:$0x3FB8] =	sst s0  }
0x18: {  	s0 =	sld [smem:$0x3F9B];
	_ =	swait.ge [sflag:s4], $0x0  }
0x19: {  	s7 =	sld [smem:$0x3F9C]  }
0x1a: {  	s8 =	sadd.s32 $0xFFFFE003, lr  }
0x1b: {  	s9 =	sadd.s32 $0xFFFFFEF7, lr;
	s5 =	simm.s32 $0xFFFFFFFF;
	p2 =	slt.u32 s8, $0xFFFFF086  }
0x1c: {  	p1 =	slt.u32 s9, $0xF7A;
	s5 =	simm.s32 @!p2 $0x0  }
0x1d: {  	s5 =	simm.s32 @p1 $0x1;
	p0 =	seq.s32 s7, s2  }
0x1e: {  	s7 =	smul.u32 @!p0 $0xF7A, s2;
	p2 =	seq.s32 @!p0 s5, $0x0  }
0x1f: {  	s9 =	smul.u32 $0xF7A, s1;
	s8 =	simm.s32 @!p0 $0x1BF5;
	p2 =	por !p2, p0  }
0x20: {  	[sflag:s8] =	ssyncset.s32 @!p0 $0xFFFFF086;
	s6 =	sadd.s32 @!p0 s3, s7;
	s7 =	simm.s32 @!p0 $0x108  }
0x21: {  	s3 =	sadd.s32 s3, s9;
	s6 =	sadd.s32 @!p0 $0x88, s6;
	s7 =	simm.s32 @p2 $0x1082  }
0x22: {  	[simem:s7], [sflag:s8] =	dma.local @!p0 [hbm:s6], $0xF7A  }
0x23: {  	s9 =	sor.u32 $0xD0000000, s2;
	s6 =	simm.s32 $0x108;
	_ =	swait.ge @!p0 [sflag:s8], $0x0  }
0x24: {  	s3 =	sadd.s32 $0x88, s3;
	s6 =	simm.s32 @!p1 $0x1082;
	[sflag:s4] =	ssyncset.s32 $0xFFFFF086  }
0x25: {  	[simem:s6], [sflag:s4] =	dma.local [hbm:s3], $0xF7A  }
0x26: {  	[smem:$0x3F9C] =	sst s1;
	(tag) =	ssettag s2;
	_ =	strace s9  }
0x27: {  	s1 =	sld [smem:$0x3FAC]  }
0x28: {  	s2 =	sld [smem:$0x3FAD]  }
0x29: {  	s4 =	sld [smem:$0x3FAF]  }
0x2a: {  	p0 =	seq.s32 s5, $0x0;
	s5 =	sld [smem:$0x3FB0]  }
0x2b: {  	s6 =	sld [smem:$0x3FB1]  }
0x2c: {  	s7 =	sld [smem:$0x3FB2]  }
0x2d: {  	s3 =	simm.s32 $0x108;
	s8 =	sld [smem:$0x3FB3]  }
0x2e: {  	s3 =	simm.s32 @!p0 $0x1082;
	s9 =	sld [smem:$0x3FB4]  }
0x2f: {  	lr =	sadd.s32 s0, s3;
	s0 =	sld [smem:$0x3FAB]  }
0x30: {  	s3 =	sld [smem:$0x3FAE]  }
0x31: {  	[smem:$0x3FB7] =	sst s10  }
0x32: {  	s10 =	sld [smem:$0x3FB5];
	_ =	sdelay $0x3  }
0x33: {  	p0 =	seq.s32 s10, $0x1;
	s10 =	sld [smem:$0x3FB7];
	_ =	sdelay $0x3  }
0x34: {  	[smem:$0x3FB7] =	sst s10  }
0x35: {  	s10 =	sld [smem:$0x3FB6];
	_ =	sdelay $0x3  }
0x36: {  	p1 =	seq.s32 s10, $0x1;
	s10 =	sld [smem:$0x3FB7];
	_ =	sdelay $0x3  }
0x37: {  	[smem:$0x3FB7] =	sst s10  }
0x38: {  	s10 =	sld [smem:$0x3FB8]  }
0x39: {  	_ = 	snop;
	(pc) =	sbr.ind lr, $3  }
0x3a: {  	_ = 	snop  }
0x3b: {  	_ = 	snop  }
0x3c: {  	p2 =	seq.s32 s10, $0x1;
	s10 =	sld [smem:$0x3FB7]  }
0x3d: {  	_ =	shalt  }
0x3e: {  	_ =	shalt  }
0x3f: {  	_ =	shalt  }
0x40: {  	_ =	shalt  }
0x41: {  	_ =	shalt  }
0x42: {  	_ =	shalt  }
0x43: {  	_ =	shalt  }
0x44: {  	_ =	shalt  }
0x45: {  	_ =	shalt  }
0x46: {  	_ =	shalt  }
0x47: {  	_ =	shalt  }
0x48: {  	_ =	shalt  }
0x49: {  	_ =	shalt  }
0x4a: {  	_ =	shalt  }
0x4b: {  	_ =	shalt  }
0x4c: {  	_ =	shalt  }
0x4d: {  	_ =	shalt  }
0x4e: {  	_ =	shalt  }
0x4f: {  	_ =	shalt  }
0x50: {  	_ =	shalt  }
0x51: {  	_ =	shalt  }
0x52: {  	_ =	shalt  }
0x53: {  	_ =	shalt  }
0x54: {  	_ =	shalt  }
0x55: {  	_ =	shalt  }
0x56: {  	_ =	shalt  }
0x57: {  	_ =	shalt  }
0x58: {  	_ =	shalt  }
0x59: {  	_ =	shalt  }
0x5a: {  	_ =	shalt  }
0x5b: {  	_ =	shalt  }
0x5c: {  	_ =	shalt  }
0x5d: {  	_ =	shalt  }
0x5e: {  	_ =	shalt  }
0x5f: {  	_ =	shalt  }
0x60: {  	_ =	shalt  }
0x61: {  	_ =	shalt  }
0x62: {  	_ =	shalt  }
0x63: {  	_ =	shalt  }
0x64: {  	_ =	shalt  }
0x65: {  	_ =	shalt  }
0x66: {  	_ =	shalt  }
0x67: {  	_ =	shalt  }
0x68: {  	_ =	shalt  }
0x69: {  	_ =	shalt  }
0x6a: {  	_ =	shalt  }
0x6b: {  	_ =	shalt  }
0x6c: {  	_ =	shalt  }
0x6d: {  	_ =	shalt  }
0x6e: {  	_ =	shalt  }
0x6f: {  	_ =	shalt  }
0x70: {  	_ =	shalt  }
0x71: {  	_ =	shalt  }
0x72: {  	_ =	shalt  }
0x73: {  	_ =	shalt  }
0x74: {  	_ =	shalt  }
0x75: {  	_ =	shalt  }
0x76: {  	_ =	shalt  }
0x77: {  	_ =	shalt  }
0x78: {  	_ =	shalt  }
0x79: {  	_ =	shalt  }
0x7a: {  	_ =	shalt  }
0x7b: {  	_ =	shalt  }
0x7c: {  	_ =	shalt  }
0x7d: {  	_ =	shalt  }
0x7e: {  	_ =	shalt  }
0x7f: {  	_ =	shalt  }
0x80: {  	_ =	shalt  }
0x81: {  	_ =	shalt  }
0x82: {  	_ =	shalt  }
0x83: {  	_ =	shalt  }
0x84: {  	_ =	shalt  }
0x85: {  	_ =	shalt  }
0x86: {  	_ =	shalt  }
0x87: {  	_ =	shalt  }
.Lfunc_end0:
.L_simem_size_0:
called_computation.1_lowered:
.L_overlay_start_0:
0x88: {  	s0 =	sld [smem:$0x3FD9]  }
0x89: {  	s1 =	sld [smem:$0x3FFE];
	_ =	sdelay $0x3  }
0x8a: {  	s0 =	sadd.s32 s1, s0  }
0x8b: {  	[smem:$0x3FC3] =	sst s0  }
0x8c: {  	_ = 	snop  }
0x8d: {  	(tm) =	ssettm $0x1  }
0x8e: {  	s15 =	sld [smem:$0x3FFB];
	_ =	sdelay $0x3  }
0x8f: {  	_ =	strace s15  }
0x90: {  	s0 =	sld [smem:$0x3FFC];
	_ =	sdelay $0x3  }
0x91: {  	_ =	strace s0  }
0x92: {  	s0 =	sld [smem:$0x3FFD];
	_ =	sdelay $0x3  }
0x93: {  	_ =	strace s0  }
0x94: {  	_ =	strace $0x8FFFFFFF  }
0x95: {  	s16 =	sld [smem:$0x3FDB];
	_ =	sdelay $0x1  }
0x96: {  	s17 =	simm.s32 $_scs_section_size  }
0x97: {  	s2 =	simm.s32 $_size__tile_overlayer_lowered;
	s3 =	simm.s32 $_tile_overlayer_lowered  }
0x98: {  	s20 =	simm.s32 $0x1BFF;
	s19 =	sshll.u32 s3, $0x1;
	s0 =	sadd.s32 s17, s16  }
0x99: {  	s4 =	simm.s32 $0x0;
	s18 =	sshll.u32 s2, $0x1;
	s2 =	sadd.s32 s19, s0  }
0x9a: {  	[timem:s4], [sflag:s20] =	dma.local [hbm:s2], s18  }
0x9b: {  	_ =	swait.ge [sflag:s20], s18  }
0x9c: {  	s1 =	ssub.s32 $0x0, s18;
	[sflag:s20] =	ssyncset.done $0x0  }
0x9d: {  	[sflag:s20] =	ssyncadd.s32 s1;
	_ =	sdelay $0x1  }
0x9e: {  	s21 =	simm.s32 $0x1B8B  }
0x9f: {  	_ =	swait.ge [sflag:s21], $0x1  }
0xa0: {  	[sflag:s21] =	ssyncset.done $0x0  }
0xa1: {  	s23 =	simm.s32 $0x1B8E;
	s22 =	sld [smem:$0x3FFE];
	[sflag:s21] =	ssyncadd.s32 $0xFFFFFFFF  }
0xa2: {  	s24 =	simm.s32 $execute0_lowered;
	[smem:$0x3FD2] =	sst s23  }
0xa3: {  	s2 =	sshll.u32 s24, $0x1;
	_ =	strace $0x80000055;
	[dreg:$0x1] =	wrdreg $0xFFFFFFFF  }
0xa4: {  	s25 =	simm.s32 $_size_execute0_lowered;
	s0 =	sadd.s32 s0, s2;
	[dreg:$0x0] =	wrdreg $0x0  }
0xa5: {  	s2 =	sshll.u32 s25, $0x1;
	[dreg:$0x2] =	wrdreg s0  }
0xa6: {  	[dreg:$0x3] =	wrdreg s2  }
0xa7: {  	[dreg:$0x4] =	wrdreg $0xC0  }
0xa8: {  	_ =	task [dreg:s4], $0x5FFFF  }
0xa9: {  	[dreg:$0x1] =	wrdreg $0xFFFFFFFF  }
0xaa: {  	[dreg:$0x0] =	wrdreg $0x60  }
0xab: {  	[dreg:$0x2] =	wrdreg s22  }
0xac: {  	[dreg:$0x3] =	wrdreg $0x9  }
0xad: {  	_ =	task.clear_ibuf [dreg:s4], $0x4FFFF;
	_ =	strace $0x90000055  }
0xae: {  	s26 =	simm.s32 $0x9;
	_ =	strace $0x80000057  }
0xaf: {  	_ =	swait.ge [sflag:s26], $0x1  }
0xb0: {  	[sflag:s26] =	ssyncadd.s32 $0xFFFFFFFF  }
0xb1: {  	_ =	strace $0x90000057  }
0xb2: {  	_ =	sfence  }
0xb3: {  	s28 =	sld [smem:$0x0];
	_ =	sdelay $0x1  }
0xb4: {  	s29 =	srdreg.scid  }
0xb5: {  	s30 =	sshll.u32 s29, $0xD;
	s31 =	sshrl.u32 s29, $0x2  }
0xb6: {  	s1 =	sand.u32 $0x1, s29;
	s2 =	sand.u32 $0x4000, s30;
	s0 =	sadd.s32 s31, s28  }
0xb7: {  	s1 =	sor.u32 s2, s1;
	s0 =	sshll.u32 s0, $0x11  }
0xb8: {  	s0 =	sor.u32 s0, s1  }
0xb9: {  	s0 =	sadd.s32 $0x8F2B, s0  }
0xba: {  	[sflag:s0] =	ssyncadd.remote.s32 $0x1  }
0xbb: {  	_ =	sfence.sel $0xFFFF  }
0xbc: {  	[dreg:$0x0] =	wrdreg $0xFFFFFFFF;
	(pc) =	sbr.abs _section_cstart, $3  }
0xbd: {  	[dreg:$0x1] =	wrdreg $0xFFFFFFFF  }
0xbe: {  	_ =	task.clear_ibuf [dreg:s4], $0x2FFFF;
	_ =	strace $0x9FFFFFFF  }
0xbf: {  	(tm) =	ssettm $0x7FFFFFFF  }
tec
execute0_lowered:
.L_overlay_start_1:
0x0: {  	(tag) =	ssettag $0x1  }
0x1: {  	s0 =	rddreg [dreg:$0x0];
	_ =	strace $0x80000056;
	s1 =	simm.s32 $0x1  }
0x2: {  	s8 =	simm.s32 $0x88;
	v0 =	vimm.s32 $0x0;
	[sflag:s1] =	ssyncpa.u1 $0x0  }
0x3: {  	[tilespmem:s8+$0x30] =	vst v0  }
0x4: {  	s1 =	sadd.s32 $0x2DE00, s0;
	s3 =	sadd.s32 $0x16400, s0;
	[tilespmem:s8+$0x20] =	vst v0  }
0x5: {  	s4 =	sadd.s32 $0x50FE00, s0;
	s5 =	sadd.s32 $0x20200, s0;
	s0 =	simm.s32 $0x40;
	[tilespmem:s8+$0x10] =	vst v0  }
.LBB2_1:
0x6: {  	s0 =	sadd.s32 $0x40, s0  }
0x7: {  	[tilespmem:s8+$0x0] =	vst v0;
	s8 =	sadd.s32 $0x40, s8;
	p0 =	slt.u32 s0, $0x5040  }
.Ltmp0:
0x8: {  	(pc) =	sbr.rel @p0 .LBB2_1-.Ltmp0, $4  }
0x9: {  	_ = 	snop  }
0xa: {  	[tilespmem:s8+$0x30] =	vst v0  }
0xb: {  	[tilespmem:s8+$0x20] =	vst v0  }
0xc: {  	[tilespmem:s8+$0x10] =	vst v0  }
0xd: {  	s9 =	stileid.u32  }
0xe: {  	s0 =	smul.u32 $0x3E, s9  }
0xf: {  	s2 =	smin.u32 s9, $0x9  }
0x10: {  	s0 =	sadd.s32 s2, s0  }
0x11: {  	p0 =	slt.u32 s9, $0x9;
	s6 =	smul.u32 $0x140, s0;
	s0 =	simm.s32 $0x4EC0  }
0x12: {  	s0 =	simm.s32 @!p0 $0x4D80  }
0x13: {  	s0 =	sadd.s32 s0, s6  }
0x14: {  	s7 =	smin.u32 s0, $0x4E208  }
0x15: {  	s0 =	ssub.s32 s7, s6  }
0x16: {  	p0 =	sgt.s32 s0, $0x0  }
0x17: {  	s0 =	simm.s32 @!p0 $0x0  }
0x18: {  	s29 =	simm.s32 $0x2;
	s10 =	simm.s32 $0x7;
	s28 =	smulhi.u32 $0x66666667, s0  }
0x19: {  	s31 =	simm.s32 $0x8;
	s11 =	simm.s32 $0x1;
	s15 =	simm.s32 $0x0  }
0x1a: {  	p1 =	por $0x0, $0x0;
	s16 =	simm.s32 $0xA;
	s2 =	sshrl.u32 s28, $0x7  }
0x1b: {  	s20 =	simm.s32 $0x0;
	s17 =	simm.s32 $0x0;
	s30 =	smul.u32 $0x140, s2  }
.Ltmp1:
0x1c: {  	[tilespmem:s8+$0x0] =	vst v0;
	v0 =	vimm.s32 $0xFFFFFFFF;
	s19 =	simm.s32 $0x0;
	[sflag:s29] =	ssyncpa.u1 $0x0;
	(pc) =	sbr.rel .LBB2_3-.Ltmp1, $4  }
0x1d: {  	[tilespmem:$0xA108] =	vst v0;
	[sflag:s10] =	ssyncpa.u1 $0x0;
	p0 =	sne.s32 s0, s30;
	s0 =	simm.s32 $0x1  }
0x1e: {  	s10 =	simm.s32 $0x9;
	[sflag:s31] =	ssyncpa.u1 $0x0;
	s0 =	simm.s32 @!p0 $0x0  }
0x1f: {  	s13 =	sshll.u32 s9, $0x7;
	[sflag:s10] =	ssyncpa.u1 $0x0;
	s12 =	sadd.s32 s0, s2  }
0x20: {  	v0 =	vlaneseq.u32;
	s18 =	smov.u32 s6;
	p0 =	por $0x1, $0x1;
	s14 =	sadd.s32 $0x1, s12  }
.LBB2_24:
0x21: {  	s0 =	sshrl.u32 s29, $0x2  }
.LBB2_26:
0x22: {  	_ =	swait.ge [sflag:s16], s0  }
0x23: {  	s31 =	ssub.s32 $0x0, s0;
	v1 =	vmov s22;
	vm0 =	veq.s32 v0, $0x0;
	[sflag:s16] =	ssyncset.done $0x0  }
0x24: {  	vm15 =	veq.s32 v0, $0x2;
	v1 =	vsel vm0, s28, v1;
	[sflag:s16] =	ssyncadd.s32 s31  }
0x25: {  	v1 =	vsel vm15, s20, v1;
	[sflag:s16] =	ssyncpa.u1 $0x1  }
0x26: {  	[tilespmem:$0xA108] =	vst v1  }
.LBB2_27:
0x27: {  	s0 =	sadd.s32 $0x140, s18  }
0x28: {  	s2 =	smov.u32 s6;
	p2 =	slt.s32 s0, s7  }
0x29: {  	s2 =	smov.u32 @p2 s0;
	p2 =	sne.s32 s19, s14  }
.Ltmp2:
0x2a: {  	_ = 	snop;
	(pc) =	sbr.rel @!p2 .LBB2_28-.Ltmp2, $4  }
0x2b: {  	_ = 	snop  }
0x2c: {  	s20 =	smov.u32 s17  }
0x2d: {  	s31 =	sadd.s32 $0x1, s19;
	s17 =	smov.u32 s18;
	p0 =	por !p0, !p0  }
0x2e: {  	p1 =	por !p1, !p1;
	s19 =	smov.u32 s31;
	s18 =	smov.u32 s2  }
.LBB2_3:
0x2f: {  	p2 =	sge.u32 s19, s12  }
0x30: {  	s0 =	smulhi.u32 @!p2 $0xAAAAAAAB, s19  }
0x31: {  	s2 =	smov.u32 s18;
	p3 =	sgt.s32 @!p2 s18, $0x4E0C8  }
0x32: {  	s8 =	sshra.s32 @!p2 s18, $0x1F;
	p3 =	por !p3, p2;
	s0 =	sshrl.u32 @!p2 s0, $0x1  }
0x33: {  	s8 =	sand.u32 @!p2 s8, s18;
	s2 =	simm.s32 @p3 $0x4E0C8;
	s0 =	smul.u32 @!p2 $0x3, s0  }
0x34: {  	s2 =	ssub.s32 @!p2 s2, s8  }
0x35: {  	s22 =	sadd.s32 $0xFFFFFFFF, s19;
	s2 =	sadd.s32 @!p2 $0xFFFB1F38, s2;
	s0 =	ssub.s32 @!p2 s19, s0  }
0x36: {  	s8 =	sshll.u32 @!p2 s2, $0x2;
	p3 =	sgt.s32 @!p2 s2, $0x13F;
	s0 =	smul.u32 @!p2 $0x500, s0  }
0x37: {  	s21 =	sand.u32 @!p2 $0x7, s18;
	s2 =	ssub.s32 @!p2 $0x500, s8;
	p3 =	por !p3, p2  }
0x38: {  	s8 =	sshrl.u32 @!p2 s18, $0x3;
	s2 =	sshrl.u32 @!p2 s2, $0x2;
	s0 =	sshrl.u32 @!p2 s0, $0x2  }
0x39: {  	s8 =	sadd.s32 @!p2 s5, s8;
	s2 =	simm.s32 @!p3 $0x0;
	s0 =	sadd.s32 @!p2 $0xA938, s0  }
0x3a: {  	[tilespmem:s0], [sflag:$0x8] =	stream.linear.gather @!p2 [hbm4b:s8+s21], s2, $0x38;
	[tilespmem:$0x1EF78] =	vst v63  }
0x3b: {  	p2 =	sge.u32 s22, s12  }
0x3c: {  	p3 =	sgt.s32 @!p2 s17, $0x4E0C8  }
0x3d: {  	s0 =	smov.u32 s17;
	s2 =	sshra.s32 @!p2 s17, $0x1F;
	p3 =	por !p3, p2  }
0x3e: {  	s2 =	sand.u32 @!p2 s2, s17;
	s0 =	simm.s32 @p3 $0x4E0C8  }
0x3f: {  	s0 =	ssub.s32 @!p2 s0, s2  }
0x40: {  	s0 =	sadd.s32 @!p2 $0xFFFB1F38, s0  }
0x41: {  	s2 =	sshll.u32 @!p2 s0, $0x2  }
0x42: {  	p3 =	sgt.s32 @!p2 s0, $0x13F;
	s0 =	ssub.s32 @!p2 $0x500, s2  }
0x43: {  	p3 =	por !p3, p2;
	s0 =	sshrl.u32 @!p2 s0, $0x2  }
0x44: {  	s8 =	simm.s32 @!p2 $0x8;
	s2 =	sand.u32 @!p2 $0x1, s22;
	s0 =	simm.s32 @!p3 $0x0  }
0x45: {  	s2 =	smul.u32 @!p2 $0x500, s2;
	_ =	swait.ge @!p2 [sflag:s8], s0  }
0x46: {  	s21 =	ssub.s32 @!p2 $0x0, s0;
	[sflag:s8] =	ssyncset.done @!p2 $0x0  }
0x47: {  	s2 =	sshrl.u32 @!p2 s2, $0x2;
	[sflag:s8] =	ssyncadd.s32 @!p2 s21;
	s8 =	sshrl.u32 @!p2 s17, $0x3  }
0x48: {  	s2 =	sadd.s32 @!p2 $0xACF8, s2;
	s21 =	sand.u32 @!p2 $0x7, s17;
	s8 =	sadd.s32 @!p2 s3, s8  }
0x49: {  	[tilespmem:s2], [sflag:$0x9] =	stream.linear.gather @!p2 [hbm4b:s8+s21], s0, $0x38;
	[tilespmem:$0x1EF78] =	vst v63  }
0x4a: {  	s21 =	ssub.s32 @!p2 $0x4E208, s17  }
0x4b: {  	p3 =	slt.s32 @!p2 s21, $0x1  }
0x4c: {  	p3 =	por p2, p3  }
.Ltmp3:
0x4d: {  	_ = 	snop;
	(pc) =	sbr.rel @p3 .LBB2_9-.Ltmp3, $1  }
0x4e: {  	_ =	sdelay $0x3  }
0x4f: {  	s0 =	smulhi.u32 $0xAAAAAAAB, s22;
	_ =	sdelay $0x1  }
0x50: {  	s0 =	sshrl.u32 s0, $0x1  }
0x51: {  	s0 =	smul.u32 $0x3, s0;
	_ =	sdelay $0x1  }
0x52: {  	s0 =	ssub.s32 s22, s0  }
0x53: {  	s2 =	simm.s32 $0x1;
	s0 =	smul.u32 $0x500, s0  }
.Ltmp4:
0x54: {  	s2 =	simm.s32 @!p0 $0x0;
	(pc) =	sbr.rel .LBB2_6-.Ltmp4, $4  }
0x55: {  	s2 =	smul.u32 $0x28000, s2  }
0x56: {  	p3 =	slt.s32 @!p2 s21, $0x140;
	s0 =	sshrl.u32 s0, $0x2  }
0x57: {  	p2 =	por !p3, p2;
	s2 =	sshrl.u32 s2, $0x2;
	s0 =	sadd.s32 $0xA938, s0  }
0x58: {  	s23 =	simm.s32 $0x0;
	s21 =	simm.s32 @p2 $0x140;
	s22 =	sadd.s32 $0xAF78, s2;
	v1 =	vmov s0  }
.LBB2_5:
0x59: {  	p2 =	sge.s32 s23, s21  }
.Ltmp5:
0x5a: {  	_ = 	snop;
	(pc) =	sbr.rel @p2 .LBB2_9-.Ltmp5, $2  }
0x5b: {  	_ =	sdelay $0x2  }
0x5c: {  	s22 =	sadd.s32 $0x800, s22  }
.LBB2_6:
0x5d: {  	p2 =	sle.s32 s21, s23  }
.Ltmp6:
0x5e: {  	_ = 	snop;
	(pc) =	sbr.rel @p2 .LBB2_5-.Ltmp6, $2  }
0x5f: {  	_ =	sdelay $0x2  }
0x60: {  	s24 =	smov.u32 s23;
	s23 =	sadd.s32 $0x10, s23  }
0x61: {  	s0 =	ssub.s32 s21, s24  }
0x62: {  	p2 =	slt.s32 s0, $0x10  }
0x63: {  	s0 =	simm.s32 @!p2 $0x10  }
0x64: {  	v2 =	vmov s0  }
0x65: {  	vm0 =	vgt.s32 v2, v0;
	_ =	sdelay $0x5  }
0x66: {  	v2 =	vld.idx.msk [tilespmem:v1+s24+$0x0 ss:$0x1], vm0;
	_ =	sdelay $0x2  }
0x67: {  	p2 =	slt.s32 s23, s21;
	s0 =	smov.u32 s21  }
0x68: {  	s2 =	smov.u32 s22;
	s25 =	simm.s32 $0x0;
	s0 =	smov.u32 @p2 s23  }
.LBB2_8:
0x69: {  	(v2sf) =	vpush v2, s25;
	_ =	sdelay $0xc  }
0x6a: {  	s25 =	sadd.s32 $0x1, s25  }
0x6b: {  	s31 =	sadd.s32 s25, s24  }
0x6c: {  	p2 =	slt.s32 s31, s0;
	s8 =	spop (v2sf)  }
.Ltmp7:
0x6d: {  	s8 =	sshll.u32 s8, $0x4;
	(pc) =	sbr.rel @p2 .LBB2_8-.Ltmp7, $4  }
0x6e: {  	s8 =	sand.u32 $0x1FFFFFF0, s8  }
0x6f: {  	s8 =	sadd.s32 s4, s8  }
0x70: {  	[tilespmem:s2], [sflag:$0x7] =	stream.linear.gather [hbm4b:s8+s15], $0x40, $0x38;
	[tilespmem:$0x1EF78] =	vst v63  }
0x71: {  	s2 =	sadd.s32 $0x80, s2  }
.Ltmp8:
0x72: {  	_ = 	snop;
	(pc) =	sbr.rel .LBB2_5-.Ltmp8, $1  }
0x73: {  	_ =	sdelay $0x3  }
.LBB2_9:
0x74: {  	p2 =	slt.u32 s19, $0x2  }
.Ltmp9:
0x75: {  	_ = 	snop;
	(pc) =	sbr.rel @p2 .LBB2_27-.Ltmp9, $1  }
0x76: {  	_ =	sdelay $0x3  }
0x77: {  	p2 =	sgt.s32 s20, $0x4E0C8;
	s0 =	smov.u32 s20  }
0x78: {  	s2 =	sshra.s32 s20, $0x1F;
	s8 =	ssub.s32 $0x4E208, s20;
	s0 =	simm.s32 @!p2 $0x4E0C8  }
0x79: {  	s2 =	sand.u32 s2, s20;
	p2 =	slt.s32 s8, $0x140;
	s21 =	smov.u32 s8  }
0x7a: {  	s0 =	ssub.s32 s0, s2;
	s21 =	simm.s32 @!p2 $0x140  }
0x7b: {  	s0 =	sadd.s32 $0xFFFB1F38, s0;
	s26 =	sshll.u32 s21, $0x6  }
0x7c: {  	s9 =	simm.s32 $0x7;
	s29 =	sshll.u32 s0, $0x2;
	s2 =	sand.u32 $0x3FFFFFC0, s26  }
0x7d: {  	p2 =	sgt.s32 s0, $0x13F;
	s30 =	ssub.s32 $0x500, s29;
	_ =	swait.ge [sflag:s9], s2  }
0x7e: {  	s2 =	ssub.s32 $0x0, s2;
	[sflag:s9] =	ssyncset.done $0x0;
	s0 =	sshrl.u32 s30, $0x2  }
0x7f: {  	[sflag:s9] =	ssyncadd.s32 s2;
	s0 =	simm.s32 @p2 $0x0  }
0x80: {  	_ =	swait.ge [sflag:s10], s0  }
0x81: {  	s0 =	ssub.s32 $0x0, s0;
	[sflag:s10] =	ssyncset.done $0x0  }
0x82: {  	[sflag:s10] =	ssyncadd.s32 s0  }
0x83: {  	v1 =	vld [tilespmem:$0xA108];
	_ =	sdelay $0x4  }
0x84: {  	(v2sf) =	vpush v1, $0x0  }
0x85: {  	(v2sf) =	vpush v1, $0x1  }
0x86: {  	(v2sf) =	vpush v1, $0x2;
	_ =	sdelay $0x3  }
0x87: {  	s0 =	sadd.s32 $0x140, s20  }
0x88: {  	p2 =	slt.s32 s7, s0  }
0x89: {  	s0 =	smov.u32 @p2 s7;
	p2 =	sgt.s32 s8, $0x0  }
0x8a: {  	s24 =	ssub.s32 s0, s20;
	s8 =	simm.s32 @!p2 $0x0  }
0x8b: {  	p2 =	slt.s32 s8, s24  }
0x8c: {  	s24 =	smov.u32 @p2 s8  }
0x8d: {  	s23 =	simm.s32 $0x1;
	p2 =	slt.s32 s24, $0x1  }
.Ltmp10:
0x8e: {  	s23 =	simm.s32 @!p1 $0x0;
	(pc) =	sbr.rel @p2 .LBB2_14-.Ltmp10, $4  }
0x8f: {  	s31 =	smul.u32 $0x500, s23  }
0x90: {  	s25 =	spop (v2sf)  }
0x91: {  	s0 =	sshrl.u32 s31, $0x2;
	s28 =	spop (v2sf)  }
0x92: {  	s21 =	sadd.s32 $0xACF8, s0;
	s20 =	spop (v2sf)  }
0x93: {  	s0 =	smin.u32 s24, $0x10  }
0x94: {  	v1 =	vmov s0  }
0x95: {  	p3 =	sgt.s32 s24, $0x10;
	vm1 =	vgt.u32 v1, v0  }
.Ltmp11:
0x96: {  	_ = 	snop;
	(pc) =	sbr.rel @!p3 .LBB2_13-.Ltmp11, $2  }
0x97: {  	_ =	sdelay $0x2  }
0x98: {  	s26 =	simm.s32 $0x10;
	s29 =	sadd.s32 $0xFFFFFFF0, s24;
	s22 =	smov.u32 s21;
	vm0 =	vmmov vm1  }
.LBB2_12:
0x99: {  	s0 =	smin.u32 s29, $0x10;
	s26 =	sadd.s32 $0x10, s26;
	v1 =	vld.msk [tilespmem:s22+$0x0 ss:$0x1], vm1  }
0x9a: {  	v2 =	vmov s0;
	p3 =	slt.s32 s26, s24  }
0x9b: {  	vm1 =	vgt.u32 v2, v0  }
.Ltmp12:
0x9c: {  	(pc) =	sbr.rel @p3 .LBB2_12-.Ltmp12, $3  }
0x9d: {  	_ =	sdelay $0x1  }
0x9e: {  	v1 =	vshll.u32 v1, $0x4  }
0x9f: {  	s29 =	sadd.s32 $0xFFFFFFF0, s29;
	[tilespmem:s22+$0x0] =	vst.msk vm0, v1;
	s22 =	sadd.s32 $0x10, s22;
	vm0 =	vmmov vm1  }
.LBB2_13:
0xa0: {  	_ =	sdelay $0x4  }
0xa1: {  	v1 =	vld.msk [tilespmem:s22+$0x0 ss:$0x1], vm1;
	_ =	sdelay $0x4  }
0xa2: {  	v1 =	vshll.u32 v1, $0x4  }
0xa3: {  	[tilespmem:s22+$0x0] =	vst.msk vm0, v1  }
.LBB2_14:
0xa4: {  	s0 =	sand.u32 $0x1, s19  }
0xa5: {  	s0 =	smul.u32 $0x140, s0  }
0xa6: {  	p3 =	sne.s32 s28, $0xFFFFFFFF  }
0xa7: {  	v1 =	vld.msk @!p3 [tilespmem:s0+$0xACF8], $0x1;
	_ =	sdelay $0x4  }
0xa8: {  	(v2sf) =	vpush @!p3 v1, $0x0;
	_ =	sdelay $0xc  }
.Ltmp13:
0xa9: {  	_ = 	snop;
	(pc) =	sbr.rel @p2 .LBB2_25-.Ltmp13, $4  }
0xaa: {  	_ = 	snop  }
0xab: {  	s26 =	spop @!p3 (v2sf)  }
0xac: {  	s20 =	simm.s32 @!p3 $0x0;
	s22 =	smov.u32 s26  }
0xad: {  	[sflag:s16] =	ssyncpa.u1 $0x0;
	s26 =	smov.u32 @p3 s25;
	s22 =	smov.u32 @p3 s28  }
0xae: {  	v1 =	vld.msk [tilespmem:s21+$0x0], $0x1;
	_ =	sdelay $0x4  }
0xaf: {  	(v2sf) =	vpush v1, $0x0;
	_ =	sdelay $0xe  }
0xb0: {  	s0 =	smul.u32 $0x28000, s23;
	s30 =	spop (v2sf)  }
0xb1: {  	s24 =	ssub.s32 $0x0, s24;
	p2 =	seq.s32 s26, s30  }
0xb2: {  	s28 =	sadd.s32 $0x1, s24;
	s0 =	sshrl.u32 s0, $0x2;
	p3 =	sgt.s32 @!p2 s26, $0x0  }
0xb3: {  	s23 =	sadd.s32 $0xAF98, s0;
	s0 =	smov.u32 s26;
	p3 =	por !p3, p2  }
0xb4: {  	s0 =	simm.s32 @p3 $0x0;
	p3 =	seq.s32 s28, $0x0  }
.Ltmp14:
0xb5: {  	_ = 	snop;
	(pc) =	sbr.rel @p3 .LBB2_17-.Ltmp14, $4  }
0xb6: {  	_ = 	snop  }
0xb7: {  	s25 =	simm.s32 $0x0;
	s31 =	simm.s32 @!p2 $0x1;
	s2 =	smin.u32 @!p2 s0, $0x1D4C78  }
0xb8: {  	s29 =	sadd.s32 $0x1, s21;
	s31 =	smov.u32 @p2 s25;
	s8 =	sand.u32 @!p2 $0x1FFFF8, s2  }
0xb9: {  	s0 =	simm.s32 @!p2 $0x50C8;
	s2 =	sand.u32 @!p2 $0x7, s2;
	s8 =	sadd.s32 @!p2 s1, s8  }
.LBB2_16:
0xba: {  	s9 =	smov.u32 s31  }
0xbb: {  	[tilespmem:s0], [sflag:$0x2] =	stream.linear.gather @!p2 [hbm4b:s8+s2], $0x40, $0x38;
	[tilespmem:$0x1EF78] =	vst v63  }
0xbc: {  	s28 =	sadd.s32 $0x1, s28;
	s2 =	smov.u32 s30;
	v1 =	vld.msk [tilespmem:s29+$0x0], $0x1  }
0xbd: {  	p3 =	seq.s32 s28, $0x0;
	_ =	sdelay $0x3  }
0xbe: {  	(v2sf) =	vpush v1, $0x0;
	_ =	sdelay $0xe  }
0xbf: {  	s30 =	spop (v2sf)  }
0xc0: {  	p2 =	seq.s32 s2, s30  }
0xc1: {  	p4 =	sgt.s32 @!p2 s2, $0x0;
	s0 =	sshll.u32 @!p2 s31, $0x8;
	s31 =	sadd.s32 @!p2 $0x1, s31  }
.Ltmp15:
0xc2: {  	p4 =	por !p4, p2;
	s0 =	sshra.s32 @!p2 s0, $0x2;
	(pc) =	sbr.rel @!p3 .LBB2_16-.Ltmp15, $4  }
0xc3: {  	s31 =	smov.u32 @p2 s9;
	s2 =	simm.s32 @p4 $0x0;
	s0 =	sadd.s32 @!p2 $0x50C8, s0  }
0xc4: {  	s2 =	smin.u32 @!p2 s2, $0x1D4C78  }
0xc5: {  	s8 =	sand.u32 @!p2 $0x1FFFF8, s2;
	s2 =	sand.u32 @!p2 $0x7, s2  }
0xc6: {  	s29 =	sadd.s32 $0x1, s29;
	s8 =	sadd.s32 @!p2 s1, s8  }
.LBB2_17:
0xc7: {  	[tilespmem:s0], [sflag:$0x2] =	stream.linear.gather @!p2 [hbm4b:s8+s2], $0x40, $0x38;
	[tilespmem:$0x1EF78] =	vst v63  }
.Ltmp16:
0xc8: {  	s30 =	sshll.u32 s31, $0x6;
	(pc) =	sbr.rel .LBB2_18-.Ltmp16, $4  }
0xc9: {  	s31 =	simm.s32 $0x2;
	s0 =	sand.u32 $0x3FFFFFC0, s30  }
0xca: {  	_ =	swait.ge [sflag:s31], s0  }
0xcb: {  	s0 =	ssub.s32 $0x0, s0;
	[sflag:s31] =	ssyncset.done $0x0  }
0xcc: {  	s29 =	simm.s32 $0x0;
	[sflag:s31] =	ssyncadd.s32 s0  }
.LBB2_19:
0xcd: {  	v1 =	vld [tilespmem:s23+$0xFFFFFFE0];
	_ =	sdelay $0x4  }
0xce: {  	[tilespmem:s30+$0x88] =	vst.add.f32.msk $0xffff, v1  }
0xcf: {  	v1 =	vld [tilespmem:s23+$0xFFFFFFF0];
	_ =	sdelay $0x4  }
0xd0: {  	[tilespmem:s30+$0x98] =	vst.add.f32.msk $0xffff, v1  }
0xd1: {  	v1 =	vld [tilespmem:s23+$0x0];
	_ =	sdelay $0x4  }
0xd2: {  	[tilespmem:s30+$0xA8] =	vst.add.f32.msk $0xffff, v1  }
0xd3: {  	v1 =	vld [tilespmem:s23+$0x10];
	_ =	sdelay $0x4  }
0xd4: {  	[tilespmem:s30+$0xB8] =	vst.add.f32.msk $0xffff, v1  }
.LBB2_23:
0xd5: {  	s24 =	sadd.s32 $0x1, s24  }
0xd6: {  	p2 =	seq.s32 s24, $0x0  }
.Ltmp17:
0xd7: {  	_ = 	snop;
	(pc) =	sbr.rel @p2 .LBB2_24-.Ltmp17, $2  }
0xd8: {  	_ =	sdelay $0x2  }
0xd9: {  	s23 =	sadd.s32 $0x80, s23;
	s21 =	sadd.s32 $0x1, s21;
	s26 =	smov.u32 s28  }
.LBB2_18:
0xda: {  	v1 =	vld.msk [tilespmem:s21+$0x0], $0x1;
	_ =	sdelay $0x4  }
0xdb: {  	(v2sf) =	vpush v1, $0x0;
	_ =	sdelay $0xe  }
0xdc: {  	s28 =	spop (v2sf)  }
0xdd: {  	p2 =	sne.s32 s26, s28  }
.Ltmp18:
0xde: {  	_ = 	snop;
	(pc) =	sbr.rel @!p2 .LBB2_19-.Ltmp18, $3  }
0xdf: {  	_ =	sdelay $0x1  }
0xe0: {  	s0 =	sshll.u32 s20, $0x8  }
0xe1: {  	s30 =	sshra.s32 s0, $0x2  }
0xe2: {  	p2 =	seq.s32 s26, s22  }
.Ltmp19:
0xe3: {  	_ = 	snop;
	(pc) =	sbr.rel @!p2 .LBB2_21-.Ltmp19, $1  }
0xe4: {  	_ =	sdelay $0x3  }
.Ltmp20:
0xe5: {  	s0 =	sadd.s32 $0x88, s30;
	(pc) =	sbr.rel .LBB2_22-.Ltmp20, $4  }
0xe6: {  	[spmem:s13] =	stream.linear.scatter [tilespmem:s0], [sflag:$0x1], $0x40, $0x38;
	[tilespmem:$0x1EF78] =	vst v63  }
0xe7: {  	_ =	swait.ge [sflag:s11], $0x40  }
0xe8: {  	[sflag:s11] =	ssyncset.done $0x0  }
0xe9: {  	[sflag:s11] =	ssyncadd.s32 $0xFFFFFFC0  }
.LBB2_21:
0xea: {  	s0 =	sshll.u32 s25, $0x8  }
0xeb: {  	s0 =	sshra.s32 s0, $0x2  }
0xec: {  	v1 =	vld [tilespmem:s0+$0x50C8];
	_ =	sdelay $0x4  }
0xed: {  	[tilespmem:s30+$0x88] =	vst.add.f32.msk $0xffff, v1  }
0xee: {  	v1 =	vld [tilespmem:s0+$0x50D8];
	_ =	sdelay $0x4  }
0xef: {  	[tilespmem:s30+$0x98] =	vst.add.f32.msk $0xffff, v1  }
0xf0: {  	v1 =	vld [tilespmem:s0+$0x50E8];
	_ =	sdelay $0x4  }
0xf1: {  	[tilespmem:s30+$0xA8] =	vst.add.f32.msk $0xffff, v1  }
0xf2: {  	v1 =	vld [tilespmem:s0+$0x50F8];
	_ =	sdelay $0x2  }
0xf3: {  	p2 =	sgt.u32 s26, $0x1D4C78  }
0xf4: {  	s0 =	sand.u32 @!p2 $0x1FFFF8, s26  }
0xf5: {  	s2 =	sadd.s32 $0x88, s30;
	s8 =	sand.u32 @!p2 $0x7, s26;
	s0 =	sadd.s32 @!p2 s1, s0;
	[tilespmem:s30+$0xB8] =	vst.add.f32.msk $0xffff, v1  }
0xf6: {  	[hbm4b:s0+s8] =	stream.linear.scatter @!p2 [tilespmem:s2], [sflag:$0xA], $0x40, $0x38;
	[tilespmem:$0x1EF78] =	vst v63  }
0xf7: {  	s0 =	simm.s32 $0x0  }
0xf8: {  	s0 =	simm.s32 @!p2 $0x100  }
0xf9: {  	s29 =	sadd.s32 s0, s29  }
.LBB2_22:
0xfa: {  	s0 =	sadd.s32 $0x1, s20  }
0xfb: {  	s2 =	smulhi.u32 $0xCCCCCCCD, s0;
	_ =	sdelay $0x1  }
0xfc: {  	v1 =	vld [tilespmem:s23+$0xFFFFFFE0];
	s2 =	sshrl.u32 s2, $0x8  }
0xfd: {  	s2 =	smul.u32 $0x140, s2;
	_ =	sdelay $0x1  }
0xfe: {  	s20 =	ssub.s32 s0, s2  }
0xff: {  	s0 =	sshll.u32 s20, $0x6  }
0x100: {  	[tilespmem:s0+$0x88] =	vst v1  }
0x101: {  	v1 =	vld [tilespmem:s23+$0xFFFFFFF0];
	_ =	sdelay $0x4  }
0x102: {  	[tilespmem:s0+$0x98] =	vst v1  }
0x103: {  	v1 =	vld [tilespmem:s23+$0x0];
	_ =	sdelay $0x4  }
0x104: {  	[tilespmem:s0+$0xA8] =	vst v1  }
0x105: {  	v1 =	vld [tilespmem:s23+$0x10]  }
.Ltmp21:
0x106: {  	_ = 	snop;
	(pc) =	sbr.rel .LBB2_23-.Ltmp21, $2  }
0x107: {  	_ =	sdelay $0x2  }
0x108: {  	s25 =	sadd.s32 $0x1, s25;
	[tilespmem:s0+$0xB8] =	vst v1  }
.LBB2_25:
.Ltmp22:
0x109: {  	(pc) =	sbr.rel .LBB2_26-.Ltmp22, $4  }
0x10a: {  	_ = 	snop  }
0x10b: {  	s0 =	simm.s32 $0x2  }
0x10c: {  	_ =	swait.ge [sflag:s0], $0x0  }
0x10d: {  	s28 =	smov.u32 s26;
	[sflag:s0] =	ssyncset.done $0x0;
	s0 =	simm.s32 $0x0  }
.LBB2_28:
0x10e: {  	_ =	sfence.sel $0x180000  }
0x10f: {  	s0 =	simm.s32 $0x7;
	[bflag:$0x0] =	sbarrier.arrive $0xFFFF  }
0x110: {  	s25 =	simm.s32 $0x8;
	[sflag:s0] =	ssyncpa.u1 $0x1  }
0x111: {  	s26 =	simm.s32 $0x9;
	[sflag:s25] =	ssyncpa.u1 $0x1  }
0x112: {  	s28 =	simm.s32 $0x2;
	[sflag:s26] =	ssyncpa.u1 $0x1  }
0x113: {  	[sflag:s28] =	ssyncpa.u1 $0x1  }
0x114: {  	v0 =	vld [tilespmem:$0xA108];
	_ =	sdelay $0x4  }
0x115: {  	(v2sf) =	vpush v0, $0x0  }
0x116: {  	(v2sf) =	vpush v0, $0x1;
	_ =	sdelay $0x1  }
0x117: {  	(v2sf) =	vpush v0, $0x2;
	_ =	sdelay $0xb  }
0x118: {  	s0 =	spop (v2sf)  }
0x119: {  	s2 =	spop (v2sf)  }
0x11a: {  	s3 =	smov.u32 s0;
	p0 =	sne.s32 s0, s2  }
0x11b: {  	s4 =	spop (v2sf);
	s3 =	simm.s32 @!p0 $0xFFFFFFFF  }
0x11c: {  	v2 =	vimm.s32 $0x1;
	v3 =	vlaneseq.u32;
	p0 =	seq.s32 s4, $0xFFFFFFFF;
	v1 =	vmov s3  }
0x11d: {  	s7 =	stileid.u32;
	v0 =	vperm.xlane v0, v2;
	p1 =	sne.s32 @!p0 s0, s2;
	v1 =	vperm.xlane v1, v3  }
0x11e: {  	vm0 =	vcmask $0x3F04;
	s6 =	simm.s32 $0xA108;
	s0 =	simm.s32 @!p0 $0x1;
	p1 =	por !p1, p0  }
0x11f: {  	s3 =	sshll.u32 s7, $0x1;
	s2 =	sshll.u32 @!p0 s4, $0x8;
	s0 =	simm.s32 @p1 $0x0;
	v0 =	vsel vm0, v1, v0  }
0x120: {  	s5 =	sor.u32 $0x800, s3;
	s2 =	sshra.s32 @!p0 s2, $0x2;
	s0 =	sor.u32 @!p0 s0, s3;
	[tilespmem:$0xA108] =	vst v0  }
0x121: {  	[spmem:s5] =	stream.linear.scatter [tilespmem:s6], [sflag:$0x1], $0x2, $0x38;
	[tilespmem:$0x1EF78] =	vst v63  }
0x122: {  	s2 =	sadd.s32 @!p0 $0x88, s2;
	s0 =	sshll.u32 @!p0 s0, $0x6  }
0x123: {  	[spmem:s0] =	stream.linear.scatter @!p0 [tilespmem:s2], [sflag:$0x1], $0x40, $0x38;
	[tilespmem:$0x1EF78] =	vst v63  }
0x124: {  	s2 =	simm.s32 @!p0 $0x42  }
0x125: {  	s0 =	simm.s32 $0x1;
	s2 =	simm.s32 @p0 $0x2  }
0x126: {  	_ =	swait.ge [sflag:s0], s2  }
0x127: {  	s2 =	ssub.s32 $0x0, s2;
	[sflag:s0] =	ssyncset.done $0x0  }
0x128: {  	[sflag:s0] =	ssyncadd.s32 s2  }
0x129: {  	_ =	sfence.stream.spmem  }
0x12a: {  	s29 =	simm.s32 $0x3;
	[bflag:$0x0] =	sbarrier.arrive $0xFFFF  }
0x12b: {  	s30 =	simm.s32 $0x4;
	[sflag:s29] =	ssyncpa.u1 $0x1  }
0x12c: {  	s31 =	simm.s32 $0x3C;
	[sflag:s30] =	ssyncpa.u1 $0x1  }
0x12d: {  	p0 =	sne.s32 s7, $0x0;
	[sflag:s31] =	ssyncpa.u1 $0x1  }
0x12e: {  	_ =	sfence @p0  }
0x12f: {  	[sflag:s0] =	ssyncpa.u1 @p0 $0x1  }
0x130: {  	_ =	strace @p0 $0x90000056  }
0x131: {  	[bflag:$0x2] =	sbarrier.arrive @p0 $0xFFFF  }
0x132: {  	_ =	shalt @p0  }
.LBB2_29:
0x133: {  	_ =	sfence.stream.spmem;
	s0 =	simm.s32 $0x5  }
0x134: {  	s2 =	simm.s32 $0x800;
	s3 =	simm.s32 $0xA118;
	[sflag:s0] =	ssyncpa.u1 $0x0  }
0x135: {  	[tilespmem:s3], [sflag:$0x5] =	stream.linear.gather [spmem:s2], $0x20, $0x38;
	[tilespmem:$0x1EF78] =	vst v63  }
0x136: {  	s30 =	simm.s32 $0xA138;
	s2 =	simm.s32 $0x0  }
0x137: {  	[tilespmem:s30], [sflag:$0x5] =	stream.linear.gather [spmem:s2], $0x800, $0x38;
	[tilespmem:$0x1EF78] =	vst v63  }
.Ltmp23:
0x138: {  	_ = 	snop;
	(pc) =	sbr.rel .LBB2_30-.Ltmp23, $4  }
0x139: {  	_ =	swait.ge [sflag:s0], $0x820  }
0x13a: {  	[sflag:s0] =	ssyncset.done $0x0  }
0x13b: {  	s31 =	simm.s32 $0x6;
	[sflag:s0] =	ssyncadd.s32 $0xFFFFF7E0  }
0x13c: {  	s3 =	simm.s32 $0x0;
	[sflag:s31] =	ssyncpa.u1 $0x0  }
.LBB2_36:
0x13d: {  	p0 =	slt.u32 s4, $0x1D4C79  }
0x13e: {  	s0 =	sand.u32 @p0 $0x1FFFF8, s4  }
0x13f: {  	s4 =	sand.u32 @p0 $0x7, s4;
	s5 =	simm.s32 @p0 $0xA0C8;
	s0 =	sadd.s32 @p0 s1, s0  }
0x140: {  	[tilespmem:s5], [sflag:$0x6] =	stream.linear.gather @p0 [hbm4b:s0+s4], $0x40, $0x38;
	[tilespmem:$0x1EF78] =	vst v63  }
0x141: {  	s0 =	simm.s32 @p0 $0x6  }
0x142: {  	_ =	swait.ge @p0 [sflag:s0], $0x40  }
0x143: {  	[sflag:s0] =	ssyncset.done @p0 $0x0  }
0x144: {  	[sflag:s0] =	ssyncadd.s32 @p0 $0xFFFFFFC0  }
0x145: {  	v1 =	vld @p0 [tilespmem:$0xA0C8];
	_ =	sdelay $0x2  }
0x146: {  	s0 =	sshll.u32 @p0 s3, $0x8  }
0x147: {  	s4 =	sshrl.u32 @p0 s0, $0x2  }
0x148: {  	[tilespmem:s4+$0xA138] =	vst.add.f32.msk @p0 $0xffff, v1  }
0x149: {  	v1 =	vld @p0 [tilespmem:$0xA0D8];
	_ =	sdelay $0x4  }
0x14a: {  	[tilespmem:s4+$0xA148] =	vst.add.f32.msk @p0 $0xffff, v1  }
0x14b: {  	v1 =	vld @p0 [tilespmem:$0xA0E8];
	_ =	sdelay $0x4  }
0x14c: {  	[tilespmem:s4+$0xA158] =	vst.add.f32.msk @p0 $0xffff, v1  }
0x14d: {  	v1 =	vld @p0 [tilespmem:$0xA0F8];
	_ =	sdelay $0x3  }
0x14e: {  	s5 =	sshll.u32 @!p0 s3, $0x8  }
0x14f: {  	s5 =	smov.u32 @p0 s0;
	[tilespmem:s4+$0xA168] =	vst.add.f32.msk @p0 $0xffff, v1  }
0x150: {  	s0 =	sshrl.u32 s5, $0x2;
	[tilespmem:s2+$0xA118] =	vst.msk $0x1, v0  }
0x151: {  	v0 =	vld [tilespmem:s0+$0xA138];
	_ =	sdelay $0x2  }
0x152: {  	s31 =	sshll.u32 s2, $0x8  }
0x153: {  	s4 =	sshra.s32 s31, $0x2  }
0x154: {  	[tilespmem:s4+$0xA138] =	vst v0  }
0x155: {  	v0 =	vld [tilespmem:s0+$0xA148];
	_ =	sdelay $0x4  }
0x156: {  	[tilespmem:s4+$0xA148] =	vst v0  }
0x157: {  	v0 =	vld [tilespmem:s0+$0xA158];
	_ =	sdelay $0x4  }
0x158: {  	[tilespmem:s4+$0xA158] =	vst v0  }
0x159: {  	v0 =	vld [tilespmem:s0+$0xA168];
	_ =	sdelay $0x4  }
0x15a: {  	s2 =	sadd.s32 $0x1, s2;
	[tilespmem:s4+$0xA168] =	vst v0  }
.LBB2_37:
0x15b: {  	s3 =	sadd.s32 $0x1, s3  }
0x15c: {  	p0 =	sne.s32 s3, $0x20  }
.Ltmp24:
0x15d: {  	_ = 	snop;
	(pc) =	sbr.rel @!p0 .LBB2_38-.Ltmp24, $1  }
0x15e: {  	_ =	sdelay $0x3  }
.LBB2_30:
0x15f: {  	v0 =	vld.msk [tilespmem:s3+$0xA118], $0x1;
	_ =	sdelay $0x4  }
0x160: {  	(v2sf) =	vpush v0, $0x0;
	_ =	sdelay $0xe  }
0x161: {  	s4 =	spop (v2sf)  }
0x162: {  	p0 =	seq.s32 s4, $0xFFFFFFFF  }
.Ltmp25:
0x163: {  	_ = 	snop;
	(pc) =	sbr.rel @p0 .LBB2_37-.Ltmp25, $1  }
0x164: {  	_ =	sdelay $0x3  }
0x165: {  	p0 =	slt.s32 s2, $0x1  }
.Ltmp26:
0x166: {  	_ = 	snop;
	(pc) =	sbr.rel @p0 .LBB2_36-.Ltmp26, $1  }
0x167: {  	_ =	sdelay $0x3  }
0x168: {  	s5 =	simm.s32 $0xA118;
	p0 =	por $0x0, $0x0  }
0x169: {  	v1 =	vld.msk @!p0 [tilespmem:s5+$0x0], $0x1;
	_ =	sdelay $0x4  }
0x16a: {  	(v2sf) =	vpush @!p0 v1, $0x0;
	_ =	sdelay $0xd  }
0x16b: {  	p2 =	sne.s32 s2, $0x1  }
.Ltmp27:
0x16c: {  	s0 =	spop @!p0 (v2sf);
	(pc) =	sbr.rel @!p2 .LBB2_34-.Ltmp27, $4  }
0x16d: {  	p1 =	seq.s32 @!p0 s4, s0  }
0x16e: {  	s6 =	simm.s32 $0x0;
	p1 =	por !p1, p0  }
0x16f: {  	s0 =	simm.s32 $0xFFFFFFFF;
	s6 =	simm.s32 @p1 $0xFFFFFFFF  }
0x170: {  	s7 =	simm.s32 $0x1;
	s6 =	smov.u32 @p0 s0  }
.LBB2_33:
0x171: {  	s0 =	smov.u32 s6;
	p0 =	sne.s32 s6, $0xFFFFFFFF  }
0x172: {  	s5 =	sadd.s32 $0x1, s5;
	s6 =	smov.u32 s7;
	s7 =	sadd.s32 $0x1, s7  }
0x173: {  	p1 =	sne.s32 s2, s7;
	v1 =	vld.msk @!p0 [tilespmem:s5+$0x0], $0x1;
	_ =	sdelay $0x4  }
0x174: {  	(v2sf) =	vpush @!p0 v1, $0x0;
	_ =	sdelay $0xe  }
.Ltmp28:
0x175: {  	s8 =	spop @!p0 (v2sf);
	(pc) =	sbr.rel @p1 .LBB2_33-.Ltmp28, $4  }
0x176: {  	p2 =	seq.s32 @!p0 s4, s8  }
0x177: {  	p2 =	por !p2, p0  }
0x178: {  	s6 =	simm.s32 @p2 $0xFFFFFFFF  }
0x179: {  	s6 =	smov.u32 @p0 s0  }
.LBB2_34:
0x17a: {  	p0 =	seq.s32 s6, $0xFFFFFFFF  }
.Ltmp29:
0x17b: {  	_ = 	snop;
	(pc) =	sbr.rel @p0 .LBB2_36-.Ltmp29, $1  }
0x17c: {  	_ =	sdelay $0x3  }
0x17d: {  	s0 =	sshll.u32 s3, $0x6  }
0x17e: {  	s0 =	sand.u32 $0x3FFFFFC0, s0  }
0x17f: {  	v0 =	vld [tilespmem:s0+$0xA138];
	_ =	sdelay $0x2  }
0x180: {  	s4 =	sshll.u32 s6, $0x8  }
0x181: {  	s4 =	sshra.s32 s4, $0x2  }
0x182: {  	[tilespmem:s4+$0xA138] =	vst.add.f32.msk $0xffff, v0  }
0x183: {  	v0 =	vld [tilespmem:s0+$0xA148];
	_ =	sdelay $0x4  }
0x184: {  	[tilespmem:s4+$0xA148] =	vst.add.f32.msk $0xffff, v0  }
0x185: {  	v0 =	vld [tilespmem:s0+$0xA158];
	_ =	sdelay $0x4  }
0x186: {  	[tilespmem:s4+$0xA158] =	vst.add.f32.msk $0xffff, v0  }
0x187: {  	v0 =	vld [tilespmem:s0+$0xA168]  }
.Ltmp30:
0x188: {  	_ = 	snop;
	(pc) =	sbr.rel .LBB2_37-.Ltmp30, $2  }
0x189: {  	_ =	sdelay $0x2  }
0x18a: {  	[tilespmem:s4+$0xA168] =	vst.add.f32.msk $0xffff, v0  }
.LBB2_38:
0x18b: {  	p0 =	slt.s32 s2, $0x1  }
.Ltmp31:
0x18c: {  	_ = 	snop;
	(pc) =	sbr.rel @p0 .LBB2_42-.Ltmp31, $3  }
0x18d: {  	_ =	sdelay $0x1  }
0x18e: {  	s0 =	simm.s32 $0x6  }
0x18f: {  	s3 =	simm.s32 $0x0;
	[sflag:s0] =	ssyncpa.u1 $0x1  }
0x190: {  	s0 =	simm.s32 $0xA118  }
0x191: {  	v0 =	vld.msk [tilespmem:s0+$0x0], $0x1;
	_ =	sdelay $0x4  }
0x192: {  	(v2sf) =	vpush v0, $0x0;
	_ =	sdelay $0xe  }
0x193: {  	s2 =	sadd.s32 $0xFFFFFFFF, s2;
	s0 =	spop (v2sf)  }
0x194: {  	p1 =	sne.s32 s2, $0x0;
	p0 =	sgt.u32 s0, $0x1D4C78  }
.Ltmp32:
0x195: {  	s5 =	sand.u32 @!p0 $0x1FFFF8, s0;
	(pc) =	sbr.rel @!p1 .LBB2_41-.Ltmp32, $4  }
0x196: {  	s4 =	simm.s32 $0xA138;
	s0 =	sand.u32 @!p0 $0x7, s0;
	s5 =	sadd.s32 @!p0 s1, s5  }
0x197: {  	[hbm4b:s5+s0] =	stream.linear.scatter @!p0 [tilespmem:s4], [sflag:$0x5], $0x40, $0x38;
	[tilespmem:$0x1EF78] =	vst v63  }
0x198: {  	s0 =	simm.s32 $0x0  }
0x199: {  	s5 =	simm.s32 $0xA119;
	s0 =	simm.s32 @!p0 $0x100  }
.LBB2_40:
0x19a: {  	v0 =	vld.msk [tilespmem:s5+$0x0], $0x1;
	s2 =	sadd.s32 $0xFFFFFFFF, s2;
	s3 =	sadd.s32 s3, s0  }
0x19b: {  	p0 =	sne.s32 s2, $0x0;
	_ =	sdelay $0x3  }
0x19c: {  	(v2sf) =	vpush v0, $0x0;
	_ =	sdelay $0xe  }
.Ltmp33:
0x19d: {  	s6 =	spop (v2sf);
	(pc) =	sbr.rel @p0 .LBB2_40-.Ltmp33, $4  }
0x19e: {  	s0 =	simm.s32 $0x0;
	p1 =	sgt.u32 s6, $0x1D4C78  }
0x19f: {  	s4 =	sadd.s32 $0x40, s4;
	s0 =	simm.s32 @!p1 $0x100;
	s7 =	sand.u32 @!p1 $0x1FFFF8, s6  }
0x1a0: {  	s5 =	sadd.s32 $0x1, s5;
	s6 =	sand.u32 @!p1 $0x7, s6;
	s7 =	sadd.s32 @!p1 s1, s7  }
0x1a1: {  	[hbm4b:s7+s6] =	stream.linear.scatter @!p1 [tilespmem:s4], [sflag:$0x5], $0x40, $0x38;
	[tilespmem:$0x1EF78] =	vst v63  }
.LBB2_41:
0x1a2: {  	s0 =	sadd.s32 s3, s0  }
0x1a3: {  	s3 =	sshrl.u32 s0, $0x2  }
.LBB2_42:
0x1a4: {  	s0 =	simm.s32 $0x5  }
0x1a5: {  	_ =	swait.ge [sflag:s0], s3  }
0x1a6: {  	s1 =	ssub.s32 $0x0, s3;
	[sflag:s0] =	ssyncset.done $0x0  }
0x1a7: {  	[sflag:s0] =	ssyncadd.s32 s1  }
0x1a8: {  	[sflag:s0] =	ssyncpa.u1 $0x1  }
0x1a9: {  	s30 =	simm.s32 $0x1;
	_ =	sfence  }
0x1aa: {  	[sflag:s30] =	ssyncpa.u1 $0x1  }
0x1ab: {  	_ =	strace $0x90000056  }
0x1ac: {  	[bflag:$0x2] =	sbarrier.arrive $0xFFFF  }
0x1ad: {  	s31 =	rddreg [dreg:$0x1]  }
0x1ae: {  	s0 =	sadd.s32 $0x100000, s31  }
0x1af: {  	[sflag:s0] =	ssyncadd.tile.s32 $0x1;
	_ =	shalt  }
.Lfunc_end2:
_tile_overlayer_lowered:
.L_overlay_start_2:
0x1b0: {  	(tag) =	ssettag $0x2  }
0x1b1: {  	s0 =	rddreg [dreg:$0x0];
	s2 =	stileid.u32  }
0x1b2: {  	s1 =	rddreg [dreg:$0x1];
	p0 =	sne.s32 s2, $0x0  }
0x1b3: {  	s3 =	rddreg [dreg:$0x2];
	[bflag:$0x3] =	sbarrier.arrive $0xFFFF;
	s2 =	simm.s32 @!p0 $0x1C01  }
0x1b4: {  	[timem:s3], [sflag:s2] =	dma.local @!p0 [hbm:s0], s1  }
0x1b5: {  	s0 =	simm.s32 @!p0 $0x1  }
0x1b6: {  	_ =	swait.ge @!p0 [sflag:s0], s1  }
0x1b7: {  	s1 =	ssub.s32 @!p0 $0x0, s1;
	[sflag:s0] =	ssyncset.done @!p0 $0x0  }
0x1b8: {  	[sflag:s0] =	ssyncadd.s32 @!p0 s1  }
0x1b9: {  	[bflag:$0x3] =	sbarrier.arrive $0xFFFF  }
0x1ba: {  	_ =	shalt  }

// kernel: scatter_offload_async_start
scs
__scs_entry_jumppad:
0x0: {  	(pc) =	sbr.rel $0x88, $3  }
0x1: {  	(tag) =	ssettag $0x0;
	lr =	simm.s32 $0x1  }
0x2: {  	[smem:$0x3F9C] =	sst lr;
	_ =	strace $0xD0000000  }
0x3: {  	_ = 	snop  }
0x4: {  	_ = 	snop  }
0x5: {  	_ = 	snop  }
0x6: {  	_ = 	snop  }
0x7: {  	_ = 	snop  }
__scs_overlays_trampoline_lowered:
0x8: {  	[smem:$0x3FAB] =	sst s0  }
0x9: {  	[smem:$0x3FAC] =	sst s1  }
0xa: {  	[smem:$0x3FAD] =	sst s2  }
0xb: {  	[smem:$0x3FAE] =	sst s3  }
0xc: {  	[smem:$0x3FAF] =	sst s4  }
0xd: {  	[smem:$0x3FB0] =	sst s5  }
0xe: {  	[smem:$0x3FB1] =	sst s6  }
0xf: {  	[smem:$0x3FB2] =	sst s7  }
0x10: {  	[smem:$0x3FB3] =	sst s8  }
0x11: {  	[smem:$0x3FB4] =	sst s9;
	s0 =	simm.s32 @!p0 $0x0  }
0x12: {  	s1 =	sld [smem:$0x3F9A];
	s0 =	simm.s32 @p0 $0x1  }
0x13: {  	[smem:$0x3FB5] =	sst s0;
	s0 =	simm.s32 @!p1 $0x0  }
0x14: {  	s2 =	sld [smem:$0x3F99];
	s0 =	simm.s32 @p1 $0x1  }
0x15: {  	[smem:$0x3FB6] =	sst s0;
	s0 =	simm.s32 @!p2 $0x0  }
0x16: {  	s3 =	sld [smem:$0x3FDB];
	s0 =	simm.s32 @p2 $0x1  }
0x17: {  	s4 =	simm.s32 $0x1BF5;
	[smem:$0x3FB8] =	sst s0  }
0x18: {  	s0 =	sld [smem:$0x3F9B];
	_ =	swait.ge [sflag:s4], $0x0  }
0x19: {  	s7 =	sld [smem:$0x3F9C]  }
0x1a: {  	s8 =	sadd.s32 $0xFFFFE003, lr  }
0x1b: {  	s9 =	sadd.s32 $0xFFFFFEF7, lr;
	s5 =	simm.s32 $0xFFFFFFFF;
	p2 =	slt.u32 s8, $0xFFFFF086  }
0x1c: {  	p1 =	slt.u32 s9, $0xF7A;
	s5 =	simm.s32 @!p2 $0x0  }
0x1d: {  	s5 =	simm.s32 @p1 $0x1;
	p0 =	seq.s32 s7, s2  }
0x1e: {  	s7 =	smul.u32 @!p0 $0xF7A, s2;
	p2 =	seq.s32 @!p0 s5, $0x0  }
0x1f: {  	s9 =	smul.u32 $0xF7A, s1;
	s8 =	simm.s32 @!p0 $0x1BF5;
	p2 =	por !p2, p0  }
0x20: {  	[sflag:s8] =	ssyncset.s32 @!p0 $0xFFFFF086;
	s6 =	sadd.s32 @!p0 s3, s7;
	s7 =	simm.s32 @!p0 $0x108  }
0x21: {  	s3 =	sadd.s32 s3, s9;
	s6 =	sadd.s32 @!p0 $0x88, s6;
	s7 =	simm.s32 @p2 $0x1082  }
0x22: {  	[simem:s7], [sflag:s8] =	dma.local @!p0 [hbm:s6], $0xF7A  }
0x23: {  	s9 =	sor.u32 $0xD0000000, s2;
	s6 =	simm.s32 $0x108;
	_ =	swait.ge @!p0 [sflag:s8], $0x0  }
0x24: {  	s3 =	sadd.s32 $0x88, s3;
	s6 =	simm.s32 @!p1 $0x1082;
	[sflag:s4] =	ssyncset.s32 $0xFFFFF086  }
0x25: {  	[simem:s6], [sflag:s4] =	dma.local [hbm:s3], $0xF7A  }
0x26: {  	[smem:$0x3F9C] =	sst s1;
	(tag) =	ssettag s2;
	_ =	strace s9  }
0x27: {  	s1 =	sld [smem:$0x3FAC]  }
0x28: {  	s2 =	sld [smem:$0x3FAD]  }
0x29: {  	s4 =	sld [smem:$0x3FAF]  }
0x2a: {  	p0 =	seq.s32 s5, $0x0;
	s5 =	sld [smem:$0x3FB0]  }
0x2b: {  	s6 =	sld [smem:$0x3FB1]  }
0x2c: {  	s7 =	sld [smem:$0x3FB2]  }
0x2d: {  	s3 =	simm.s32 $0x108;
	s8 =	sld [smem:$0x3FB3]  }
0x2e: {  	s3 =	simm.s32 @!p0 $0x1082;
	s9 =	sld [smem:$0x3FB4]  }
0x2f: {  	lr =	sadd.s32 s0, s3;
	s0 =	sld [smem:$0x3FAB]  }
0x30: {  	s3 =	sld [smem:$0x3FAE]  }
0x31: {  	[smem:$0x3FB7] =	sst s10  }
0x32: {  	s10 =	sld [smem:$0x3FB5];
	_ =	sdelay $0x3  }
0x33: {  	p0 =	seq.s32 s10, $0x1;
	s10 =	sld [smem:$0x3FB7];
	_ =	sdelay $0x3  }
0x34: {  	[smem:$0x3FB7] =	sst s10  }
0x35: {  	s10 =	sld [smem:$0x3FB6];
	_ =	sdelay $0x3  }
0x36: {  	p1 =	seq.s32 s10, $0x1;
	s10 =	sld [smem:$0x3FB7];
	_ =	sdelay $0x3  }
0x37: {  	[smem:$0x3FB7] =	sst s10  }
0x38: {  	s10 =	sld [smem:$0x3FB8]  }
0x39: {  	_ = 	snop;
	(pc) =	sbr.ind lr, $3  }
0x3a: {  	_ = 	snop  }
0x3b: {  	_ = 	snop  }
0x3c: {  	p2 =	seq.s32 s10, $0x1;
	s10 =	sld [smem:$0x3FB7]  }
0x3d: {  	_ =	shalt  }
0x3e: {  	_ =	shalt  }
0x3f: {  	_ =	shalt  }
0x40: {  	_ =	shalt  }
0x41: {  	_ =	shalt  }
0x42: {  	_ =	shalt  }
0x43: {  	_ =	shalt  }
0x44: {  	_ =	shalt  }
0x45: {  	_ =	shalt  }
0x46: {  	_ =	shalt  }
0x47: {  	_ =	shalt  }
0x48: {  	_ =	shalt  }
0x49: {  	_ =	shalt  }
0x4a: {  	_ =	shalt  }
0x4b: {  	_ =	shalt  }
0x4c: {  	_ =	shalt  }
0x4d: {  	_ =	shalt  }
0x4e: {  	_ =	shalt  }
0x4f: {  	_ =	shalt  }
0x50: {  	_ =	shalt  }
0x51: {  	_ =	shalt  }
0x52: {  	_ =	shalt  }
0x53: {  	_ =	shalt  }
0x54: {  	_ =	shalt  }
0x55: {  	_ =	shalt  }
0x56: {  	_ =	shalt  }
0x57: {  	_ =	shalt  }
0x58: {  	_ =	shalt  }
0x59: {  	_ =	shalt  }
0x5a: {  	_ =	shalt  }
0x5b: {  	_ =	shalt  }
0x5c: {  	_ =	shalt  }
0x5d: {  	_ =	shalt  }
0x5e: {  	_ =	shalt  }
0x5f: {  	_ =	shalt  }
0x60: {  	_ =	shalt  }
0x61: {  	_ =	shalt  }
0x62: {  	_ =	shalt  }
0x63: {  	_ =	shalt  }
0x64: {  	_ =	shalt  }
0x65: {  	_ =	shalt  }
0x66: {  	_ =	shalt  }
0x67: {  	_ =	shalt  }
0x68: {  	_ =	shalt  }
0x69: {  	_ =	shalt  }
0x6a: {  	_ =	shalt  }
0x6b: {  	_ =	shalt  }
0x6c: {  	_ =	shalt  }
0x6d: {  	_ =	shalt  }
0x6e: {  	_ =	shalt  }
0x6f: {  	_ =	shalt  }
0x70: {  	_ =	shalt  }
0x71: {  	_ =	shalt  }
0x72: {  	_ =	shalt  }
0x73: {  	_ =	shalt  }
0x74: {  	_ =	shalt  }
0x75: {  	_ =	shalt  }
0x76: {  	_ =	shalt  }
0x77: {  	_ =	shalt  }
0x78: {  	_ =	shalt  }
0x79: {  	_ =	shalt  }
0x7a: {  	_ =	shalt  }
0x7b: {  	_ =	shalt  }
0x7c: {  	_ =	shalt  }
0x7d: {  	_ =	shalt  }
0x7e: {  	_ =	shalt  }
0x7f: {  	_ =	shalt  }
0x80: {  	_ =	shalt  }
0x81: {  	_ =	shalt  }
0x82: {  	_ =	shalt  }
0x83: {  	_ =	shalt  }
0x84: {  	_ =	shalt  }
0x85: {  	_ =	shalt  }
0x86: {  	_ =	shalt  }
0x87: {  	_ =	shalt  }
.Lfunc_end0:
.L_simem_size_0:
called_computation_lowered:
.L_overlay_start_0:
0x88: {  	s0 =	sld [smem:$0x3FD9]  }
0x89: {  	s1 =	sld [smem:$0x3FFE];
	_ =	sdelay $0x3  }
0x8a: {  	s0 =	sadd.s32 s1, s0  }
0x8b: {  	[smem:$0x3FC3] =	sst s0  }
0x8c: {  	_ = 	snop  }
0x8d: {  	(tm) =	ssettm $0x1  }
0x8e: {  	s15 =	sld [smem:$0x3FFB];
	_ =	sdelay $0x3  }
0x8f: {  	_ =	strace s15  }
0x90: {  	s0 =	sld [smem:$0x3FFC];
	_ =	sdelay $0x3  }
0x91: {  	_ =	strace s0  }
0x92: {  	s0 =	sld [smem:$0x3FFD];
	_ =	sdelay $0x3  }
0x93: {  	_ =	strace s0  }
0x94: {  	_ =	strace $0x8FFFFFFF  }
0x95: {  	s16 =	sld [smem:$0x3FDB];
	_ =	sdelay $0x1  }
0x96: {  	s17 =	simm.s32 $_scs_section_size  }
0x97: {  	s2 =	simm.s32 $_size__tile_overlayer_lowered;
	s3 =	simm.s32 $_tile_overlayer_lowered  }
0x98: {  	s20 =	simm.s32 $0x1BFF;
	s19 =	sshll.u32 s3, $0x1;
	s0 =	sadd.s32 s17, s16  }
0x99: {  	s4 =	simm.s32 $0x0;
	s18 =	sshll.u32 s2, $0x1;
	s2 =	sadd.s32 s19, s0  }
0x9a: {  	[timem:s4], [sflag:s20] =	dma.local [hbm:s2], s18  }
0x9b: {  	_ =	swait.ge [sflag:s20], s18  }
0x9c: {  	s1 =	ssub.s32 $0x0, s18;
	[sflag:s20] =	ssyncset.done $0x0  }
0x9d: {  	[sflag:s20] =	ssyncadd.s32 s1;
	_ =	sdelay $0x1  }
0x9e: {  	s21 =	simm.s32 $0x1B8B  }
0x9f: {  	_ =	swait.ge [sflag:s21], $0x1  }
0xa0: {  	[sflag:s21] =	ssyncset.done $0x0  }
0xa1: {  	s23 =	simm.s32 $0x1B8E;
	s22 =	sld [smem:$0x3FFE];
	[sflag:s21] =	ssyncadd.s32 $0xFFFFFFFF  }
0xa2: {  	s24 =	simm.s32 $execute0_lowered;
	[smem:$0x3FD2] =	sst s23  }
0xa3: {  	s2 =	sshll.u32 s24, $0x1;
	_ =	strace $0x8000004F;
	[dreg:$0x1] =	wrdreg $0xFFFFFFFF  }
0xa4: {  	s25 =	simm.s32 $_size_execute0_lowered;
	s0 =	sadd.s32 s0, s2;
	[dreg:$0x0] =	wrdreg $0x0  }
0xa5: {  	s2 =	sshll.u32 s25, $0x1;
	[dreg:$0x2] =	wrdreg s0  }
0xa6: {  	[dreg:$0x3] =	wrdreg s2  }
0xa7: {  	[dreg:$0x4] =	wrdreg $0xC0  }
0xa8: {  	_ =	task [dreg:s4], $0x5FFFF  }
0xa9: {  	[dreg:$0x1] =	wrdreg $0xFFFFFFFF  }
0xaa: {  	[dreg:$0x0] =	wrdreg $0x60  }
0xab: {  	[dreg:$0x2] =	wrdreg s22  }
0xac: {  	[dreg:$0x3] =	wrdreg $0x9  }
0xad: {  	_ =	task.clear_ibuf [dreg:s4], $0x4FFFF;
	_ =	strace $0x9000004F  }
0xae: {  	s26 =	simm.s32 $0x9;
	_ =	strace $0x80000051  }
0xaf: {  	_ =	swait.ge [sflag:s26], $0x1  }
0xb0: {  	[sflag:s26] =	ssyncadd.s32 $0xFFFFFFFF  }
0xb1: {  	_ =	strace $0x90000051  }
0xb2: {  	_ =	sfence  }
0xb3: {  	s28 =	sld [smem:$0x0];
	_ =	sdelay $0x1  }
0xb4: {  	s29 =	srdreg.scid  }
0xb5: {  	s30 =	sshll.u32 s29, $0xD;
	s31 =	sshrl.u32 s29, $0x2  }
0xb6: {  	s1 =	sand.u32 $0x1, s29;
	s2 =	sand.u32 $0x4000, s30;
	s0 =	sadd.s32 s31, s28  }
0xb7: {  	s1 =	sor.u32 s2, s1;
	s0 =	sshll.u32 s0, $0x11  }
0xb8: {  	s0 =	sor.u32 s0, s1  }
0xb9: {  	s0 =	sadd.s32 $0x8F2B, s0  }
0xba: {  	[sflag:s0] =	ssyncadd.remote.s32 $0x1  }
0xbb: {  	_ =	sfence.sel $0xFFFF  }
0xbc: {  	[dreg:$0x0] =	wrdreg $0xFFFFFFFF;
	(pc) =	sbr.abs _section_cstart, $3  }
0xbd: {  	[dreg:$0x1] =	wrdreg $0xFFFFFFFF  }
0xbe: {  	_ =	task.clear_ibuf [dreg:s4], $0x2FFFF;
	_ =	strace $0x9FFFFFFF  }
0xbf: {  	(tm) =	ssettm $0x7FFFFFFF  }
tec
execute0_lowered:
.L_overlay_start_1:
0x0: {  	(tag) =	ssettag $0x1  }
0x1: {  	s8 =	rddreg [dreg:$0x0];
	_ =	strace $0x80000050;
	s11 =	simm.s32 $0x1  }
0x2: {  	v0 =	vimm.s32 $0x0;
	[sflag:s11] =	ssyncpa.u1 $0x0  }
0x3: {  	[tilespmem:$0x28] =	vst v0  }
0x4: {  	[tilespmem:$0x38] =	vst v0  }
0x5: {  	[tilespmem:$0x48] =	vst v0  }
0x6: {  	[tilespmem:$0x58] =	vst v0  }
0x7: {  	[tilespmem:$0x68] =	vst v0  }
0x8: {  	[tilespmem:$0x78] =	vst v0  }
0x9: {  	[tilespmem:$0x88] =	vst v0  }
0xa: {  	[tilespmem:$0x98] =	vst v0  }
0xb: {  	[tilespmem:$0xA8] =	vst v0  }
0xc: {  	[tilespmem:$0xB8] =	vst v0  }
0xd: {  	[tilespmem:$0xC8] =	vst v0  }
0xe: {  	[tilespmem:$0xD8] =	vst v0  }
0xf: {  	[tilespmem:$0xE8] =	vst v0  }
0x10: {  	[tilespmem:$0xF8] =	vst v0  }
0x11: {  	[tilespmem:$0x108] =	vst v0  }
0x12: {  	[tilespmem:$0x118] =	vst v0  }
0x13: {  	[tilespmem:$0x128] =	vst v0  }
0x14: {  	[tilespmem:$0x138] =	vst v0  }
0x15: {  	[tilespmem:$0x148] =	vst v0  }
0x16: {  	[tilespmem:$0x158] =	vst v0  }
0x17: {  	[tilespmem:$0x168] =	vst v0  }
0x18: {  	[tilespmem:$0x178] =	vst v0  }
0x19: {  	[tilespmem:$0x188] =	vst v0  }
0x1a: {  	[tilespmem:$0x198] =	vst v0  }
0x1b: {  	[tilespmem:$0x1A8] =	vst v0  }
0x1c: {  	[tilespmem:$0x1B8] =	vst v0  }
0x1d: {  	[tilespmem:$0x1C8] =	vst v0  }
0x1e: {  	[tilespmem:$0x1D8] =	vst v0  }
0x1f: {  	[tilespmem:$0x1E8] =	vst v0  }
0x20: {  	[tilespmem:$0x1F8] =	vst v0  }
0x21: {  	[tilespmem:$0x208] =	vst v0  }
0x22: {  	[tilespmem:$0x218] =	vst v0  }
0x23: {  	[tilespmem:$0x228] =	vst v0  }
0x24: {  	[tilespmem:$0x238] =	vst v0  }
0x25: {  	[tilespmem:$0x248] =	vst v0  }
0x26: {  	[tilespmem:$0x258] =	vst v0  }
0x27: {  	[tilespmem:$0x268] =	vst v0  }
0x28: {  	[tilespmem:$0x278] =	vst v0  }
0x29: {  	[tilespmem:$0x288] =	vst v0  }
0x2a: {  	[tilespmem:$0x298] =	vst v0  }
0x2b: {  	[tilespmem:$0x2A8] =	vst v0  }
0x2c: {  	[tilespmem:$0x2B8] =	vst v0  }
0x2d: {  	[tilespmem:$0x2C8] =	vst v0  }
0x2e: {  	[tilespmem:$0x2D8] =	vst v0  }
0x2f: {  	[tilespmem:$0x2E8] =	vst v0  }
0x30: {  	[tilespmem:$0x2F8] =	vst v0  }
0x31: {  	[tilespmem:$0x308] =	vst v0  }
0x32: {  	[tilespmem:$0x318] =	vst v0  }
0x33: {  	[tilespmem:$0x328] =	vst v0  }
0x34: {  	[tilespmem:$0x338] =	vst v0  }
0x35: {  	[tilespmem:$0x348] =	vst v0  }
0x36: {  	[tilespmem:$0x358] =	vst v0  }
0x37: {  	[tilespmem:$0x368] =	vst v0  }
0x38: {  	[tilespmem:$0x378] =	vst v0  }
0x39: {  	[tilespmem:$0x388] =	vst v0  }
0x3a: {  	[tilespmem:$0x398] =	vst v0  }
0x3b: {  	[tilespmem:$0x3A8] =	vst v0  }
0x3c: {  	[tilespmem:$0x3B8] =	vst v0  }
0x3d: {  	[tilespmem:$0x3C8] =	vst v0  }
0x3e: {  	[tilespmem:$0x3D8] =	vst v0  }
0x3f: {  	[tilespmem:$0x3E8] =	vst v0  }
0x40: {  	[tilespmem:$0x3F8] =	vst v0  }
0x41: {  	[tilespmem:$0x408] =	vst v0  }
0x42: {  	[tilespmem:$0x418] =	vst v0  }
0x43: {  	[tilespmem:$0x428] =	vst v0  }
0x44: {  	[tilespmem:$0x438] =	vst v0  }
0x45: {  	[tilespmem:$0x448] =	vst v0  }
0x46: {  	[tilespmem:$0x458] =	vst v0  }
0x47: {  	[tilespmem:$0x468] =	vst v0  }
0x48: {  	[tilespmem:$0x478] =	vst v0  }
0x49: {  	[tilespmem:$0x488] =	vst v0  }
0x4a: {  	[tilespmem:$0x498] =	vst v0  }
0x4b: {  	[tilespmem:$0x4A8] =	vst v0  }
0x4c: {  	[tilespmem:$0x4B8] =	vst v0  }
0x4d: {  	[tilespmem:$0x4C8] =	vst v0  }
0x4e: {  	[tilespmem:$0x4D8] =	vst v0  }
0x4f: {  	[tilespmem:$0x4E8] =	vst v0  }
0x50: {  	[tilespmem:$0x4F8] =	vst v0  }
0x51: {  	[tilespmem:$0x508] =	vst v0  }
0x52: {  	[tilespmem:$0x518] =	vst v0  }
0x53: {  	[tilespmem:$0x528] =	vst v0  }
0x54: {  	[tilespmem:$0x538] =	vst v0  }
0x55: {  	[tilespmem:$0x548] =	vst v0  }
0x56: {  	[tilespmem:$0x558] =	vst v0  }
0x57: {  	[tilespmem:$0x568] =	vst v0  }
0x58: {  	[tilespmem:$0x578] =	vst v0  }
0x59: {  	[tilespmem:$0x588] =	vst v0  }
0x5a: {  	[tilespmem:$0x598] =	vst v0  }
0x5b: {  	[tilespmem:$0x5A8] =	vst v0  }
0x5c: {  	[tilespmem:$0x5B8] =	vst v0  }
0x5d: {  	[tilespmem:$0x5C8] =	vst v0  }
0x5e: {  	[tilespmem:$0x5D8] =	vst v0  }
0x5f: {  	[tilespmem:$0x5E8] =	vst v0  }
0x60: {  	[tilespmem:$0x5F8] =	vst v0  }
0x61: {  	[tilespmem:$0x608] =	vst v0  }
0x62: {  	[tilespmem:$0x618] =	vst v0  }
0x63: {  	[tilespmem:$0x628] =	vst v0  }
0x64: {  	[tilespmem:$0x638] =	vst v0  }
0x65: {  	[tilespmem:$0x648] =	vst v0  }
0x66: {  	[tilespmem:$0x658] =	vst v0  }
0x67: {  	[tilespmem:$0x668] =	vst v0  }
0x68: {  	[tilespmem:$0x678] =	vst v0  }
0x69: {  	[tilespmem:$0x688] =	vst v0  }
0x6a: {  	[tilespmem:$0x698] =	vst v0  }
0x6b: {  	[tilespmem:$0x6A8] =	vst v0  }
0x6c: {  	[tilespmem:$0x6B8] =	vst v0  }
0x6d: {  	[tilespmem:$0x6C8] =	vst v0  }
0x6e: {  	[tilespmem:$0x6D8] =	vst v0  }
0x6f: {  	[tilespmem:$0x6E8] =	vst v0  }
0x70: {  	[tilespmem:$0x6F8] =	vst v0  }
0x71: {  	[tilespmem:$0x708] =	vst v0  }
0x72: {  	[tilespmem:$0x718] =	vst v0  }
0x73: {  	[tilespmem:$0x728] =	vst v0  }
0x74: {  	[tilespmem:$0x738] =	vst v0  }
0x75: {  	[tilespmem:$0x748] =	vst v0  }
0x76: {  	[tilespmem:$0x758] =	vst v0  }
0x77: {  	[tilespmem:$0x768] =	vst v0  }
0x78: {  	[tilespmem:$0x778] =	vst v0  }
0x79: {  	[tilespmem:$0x788] =	vst v0  }
0x7a: {  	[tilespmem:$0x798] =	vst v0  }
0x7b: {  	[tilespmem:$0x7A8] =	vst v0  }
0x7c: {  	[tilespmem:$0x7B8] =	vst v0  }
0x7d: {  	[tilespmem:$0x7C8] =	vst v0  }
0x7e: {  	[tilespmem:$0x7D8] =	vst v0  }
0x7f: {  	[tilespmem:$0x7E8] =	vst v0  }
0x80: {  	[tilespmem:$0x7F8] =	vst v0  }
0x81: {  	[tilespmem:$0x808] =	vst v0  }
0x82: {  	[tilespmem:$0x818] =	vst v0  }
0x83: {  	[tilespmem:$0x828] =	vst v0  }
0x84: {  	[tilespmem:$0x838] =	vst v0  }
0x85: {  	[tilespmem:$0x848] =	vst v0  }
0x86: {  	[tilespmem:$0x858] =	vst v0  }
0x87: {  	[tilespmem:$0x868] =	vst v0  }
0x88: {  	[tilespmem:$0x878] =	vst v0  }
0x89: {  	[tilespmem:$0x888] =	vst v0  }
0x8a: {  	[tilespmem:$0x898] =	vst v0  }
0x8b: {  	[tilespmem:$0x8A8] =	vst v0  }
0x8c: {  	[tilespmem:$0x8B8] =	vst v0  }
0x8d: {  	[tilespmem:$0x8C8] =	vst v0  }
0x8e: {  	[tilespmem:$0x8D8] =	vst v0  }
0x8f: {  	[tilespmem:$0x8E8] =	vst v0  }
0x90: {  	[tilespmem:$0x8F8] =	vst v0  }
0x91: {  	[tilespmem:$0x908] =	vst v0  }
0x92: {  	[tilespmem:$0x918] =	vst v0  }
0x93: {  	[tilespmem:$0x928] =	vst v0  }
0x94: {  	[tilespmem:$0x938] =	vst v0  }
0x95: {  	[tilespmem:$0x948] =	vst v0  }
0x96: {  	[tilespmem:$0x958] =	vst v0  }
0x97: {  	[tilespmem:$0x968] =	vst v0  }
0x98: {  	[tilespmem:$0x978] =	vst v0  }
0x99: {  	[tilespmem:$0x988] =	vst v0  }
0x9a: {  	[tilespmem:$0x998] =	vst v0  }
0x9b: {  	[tilespmem:$0x9A8] =	vst v0  }
0x9c: {  	[tilespmem:$0x9B8] =	vst v0  }
0x9d: {  	[tilespmem:$0x9C8] =	vst v0  }
0x9e: {  	[tilespmem:$0x9D8] =	vst v0  }
0x9f: {  	[tilespmem:$0x9E8] =	vst v0  }
0xa0: {  	[tilespmem:$0x9F8] =	vst v0  }
0xa1: {  	[tilespmem:$0xA08] =	vst v0  }
0xa2: {  	[tilespmem:$0xA18] =	vst v0  }
0xa3: {  	[tilespmem:$0xA28] =	vst v0  }
0xa4: {  	[tilespmem:$0xA38] =	vst v0  }
0xa5: {  	[tilespmem:$0xA48] =	vst v0  }
0xa6: {  	[tilespmem:$0xA58] =	vst v0  }
0xa7: {  	[tilespmem:$0xA68] =	vst v0  }
0xa8: {  	[tilespmem:$0xA78] =	vst v0  }
0xa9: {  	[tilespmem:$0xA88] =	vst v0  }
0xaa: {  	[tilespmem:$0xA98] =	vst v0  }
0xab: {  	[tilespmem:$0xAA8] =	vst v0  }
0xac: {  	[tilespmem:$0xAB8] =	vst v0  }
0xad: {  	[tilespmem:$0xAC8] =	vst v0  }
0xae: {  	[tilespmem:$0xAD8] =	vst v0  }
0xaf: {  	[tilespmem:$0xAE8] =	vst v0  }
0xb0: {  	[tilespmem:$0xAF8] =	vst v0  }
0xb1: {  	[tilespmem:$0xB08] =	vst v0  }
0xb2: {  	[tilespmem:$0xB18] =	vst v0  }
0xb3: {  	[tilespmem:$0xB28] =	vst v0  }
0xb4: {  	[tilespmem:$0xB38] =	vst v0  }
0xb5: {  	[tilespmem:$0xB48] =	vst v0  }
0xb6: {  	[tilespmem:$0xB58] =	vst v0  }
0xb7: {  	[tilespmem:$0xB68] =	vst v0  }
0xb8: {  	[tilespmem:$0xB78] =	vst v0  }
0xb9: {  	[tilespmem:$0xB88] =	vst v0  }
0xba: {  	[tilespmem:$0xB98] =	vst v0  }
0xbb: {  	[tilespmem:$0xBA8] =	vst v0  }
0xbc: {  	[tilespmem:$0xBB8] =	vst v0  }
0xbd: {  	[tilespmem:$0xBC8] =	vst v0  }
0xbe: {  	[tilespmem:$0xBD8] =	vst v0  }
0xbf: {  	[tilespmem:$0xBE8] =	vst v0  }
0xc0: {  	[tilespmem:$0xBF8] =	vst v0  }
0xc1: {  	[tilespmem:$0xC08] =	vst v0  }
0xc2: {  	[tilespmem:$0xC18] =	vst v0  }
0xc3: {  	[tilespmem:$0xC28] =	vst v0  }
0xc4: {  	[tilespmem:$0xC38] =	vst v0  }
0xc5: {  	[tilespmem:$0xC48] =	vst v0  }
0xc6: {  	[tilespmem:$0xC58] =	vst v0  }
0xc7: {  	[tilespmem:$0xC68] =	vst v0  }
0xc8: {  	[tilespmem:$0xC78] =	vst v0  }
0xc9: {  	[tilespmem:$0xC88] =	vst v0  }
0xca: {  	[tilespmem:$0xC98] =	vst v0  }
0xcb: {  	[tilespmem:$0xCA8] =	vst v0  }
0xcc: {  	[tilespmem:$0xCB8] =	vst v0  }
0xcd: {  	[tilespmem:$0xCC8] =	vst v0  }
0xce: {  	[tilespmem:$0xCD8] =	vst v0  }
0xcf: {  	[tilespmem:$0xCE8] =	vst v0  }
0xd0: {  	[tilespmem:$0xCF8] =	vst v0  }
0xd1: {  	[tilespmem:$0xD08] =	vst v0  }
0xd2: {  	[tilespmem:$0xD18] =	vst v0  }
0xd3: {  	[tilespmem:$0xD28] =	vst v0  }
0xd4: {  	[tilespmem:$0xD38] =	vst v0  }
0xd5: {  	[tilespmem:$0xD48] =	vst v0  }
0xd6: {  	[tilespmem:$0xD58] =	vst v0  }
0xd7: {  	[tilespmem:$0xD68] =	vst v0  }
0xd8: {  	[tilespmem:$0xD78] =	vst v0  }
0xd9: {  	[tilespmem:$0xD88] =	vst v0  }
0xda: {  	[tilespmem:$0xD98] =	vst v0  }
0xdb: {  	[tilespmem:$0xDA8] =	vst v0  }
0xdc: {  	[tilespmem:$0xDB8] =	vst v0  }
0xdd: {  	[tilespmem:$0xDC8] =	vst v0  }
0xde: {  	[tilespmem:$0xDD8] =	vst v0  }
0xdf: {  	[tilespmem:$0xDE8] =	vst v0  }
0xe0: {  	[tilespmem:$0xDF8] =	vst v0  }
0xe1: {  	[tilespmem:$0xE08] =	vst v0  }
0xe2: {  	[tilespmem:$0xE18] =	vst v0  }
0xe3: {  	[tilespmem:$0xE28] =	vst v0  }
0xe4: {  	[tilespmem:$0xE38] =	vst v0  }
0xe5: {  	[tilespmem:$0xE48] =	vst v0  }
0xe6: {  	[tilespmem:$0xE58] =	vst v0  }
0xe7: {  	[tilespmem:$0xE68] =	vst v0  }
0xe8: {  	[tilespmem:$0xE78] =	vst v0  }
0xe9: {  	[tilespmem:$0xE88] =	vst v0  }
0xea: {  	[tilespmem:$0xE98] =	vst v0  }
0xeb: {  	[tilespmem:$0xEA8] =	vst v0  }
0xec: {  	[tilespmem:$0xEB8] =	vst v0  }
0xed: {  	[tilespmem:$0xEC8] =	vst v0  }
0xee: {  	[tilespmem:$0xED8] =	vst v0  }
0xef: {  	[tilespmem:$0xEE8] =	vst v0  }
0xf0: {  	[tilespmem:$0xEF8] =	vst v0  }
0xf1: {  	[tilespmem:$0xF08] =	vst v0  }
0xf2: {  	[tilespmem:$0xF18] =	vst v0  }
0xf3: {  	[tilespmem:$0xF28] =	vst v0  }
0xf4: {  	[tilespmem:$0xF38] =	vst v0  }
0xf5: {  	[tilespmem:$0xF48] =	vst v0  }
0xf6: {  	[tilespmem:$0xF58] =	vst v0  }
0xf7: {  	[tilespmem:$0xF68] =	vst v0  }
0xf8: {  	[tilespmem:$0xF78] =	vst v0  }
0xf9: {  	[tilespmem:$0xF88] =	vst v0  }
0xfa: {  	[tilespmem:$0xF98] =	vst v0  }
0xfb: {  	[tilespmem:$0xFA8] =	vst v0  }
0xfc: {  	[tilespmem:$0xFB8] =	vst v0  }
0xfd: {  	[tilespmem:$0xFC8] =	vst v0  }
0xfe: {  	[tilespmem:$0xFD8] =	vst v0  }
0xff: {  	[tilespmem:$0xFE8] =	vst v0  }
0x100: {  	[tilespmem:$0xFF8] =	vst v0  }
0x101: {  	[tilespmem:$0x1018] =	vst v0  }
0x102: {  	[tilespmem:$0x10D8] =	vst v0  }
0x103: {  	[tilespmem:$0x1B28] =	vst v0  }
0x104: {  	[tilespmem:$0x1B18] =	vst v0  }
0x105: {  	[tilespmem:$0x1B08] =	vst v0  }
0x106: {  	[tilespmem:$0x1AF8] =	vst v0  }
0x107: {  	[tilespmem:$0x1AE8] =	vst v0  }
0x108: {  	[tilespmem:$0x1AD8] =	vst v0  }
0x109: {  	[tilespmem:$0x1AC8] =	vst v0  }
0x10a: {  	[tilespmem:$0x1AB8] =	vst v0  }
0x10b: {  	[tilespmem:$0x1AA8] =	vst v0  }
0x10c: {  	[tilespmem:$0x1A98] =	vst v0  }
0x10d: {  	[tilespmem:$0x1A88] =	vst v0  }
0x10e: {  	[tilespmem:$0x1A78] =	vst v0  }
0x10f: {  	[tilespmem:$0x1A68] =	vst v0  }
0x110: {  	[tilespmem:$0x1A58] =	vst v0  }
0x111: {  	[tilespmem:$0x1A48] =	vst v0  }
0x112: {  	[tilespmem:$0x1A38] =	vst v0  }
0x113: {  	[tilespmem:$0x1A28] =	vst v0  }
0x114: {  	[tilespmem:$0x1A18] =	vst v0  }
0x115: {  	[tilespmem:$0x1A08] =	vst v0  }
0x116: {  	[tilespmem:$0x19F8] =	vst v0  }
0x117: {  	[tilespmem:$0x19E8] =	vst v0  }
0x118: {  	[tilespmem:$0x19D8] =	vst v0  }
0x119: {  	[tilespmem:$0x19C8] =	vst v0  }
0x11a: {  	[tilespmem:$0x19B8] =	vst v0  }
0x11b: {  	[tilespmem:$0x19A8] =	vst v0  }
0x11c: {  	[tilespmem:$0x1998] =	vst v0  }
0x11d: {  	[tilespmem:$0x1988] =	vst v0  }
0x11e: {  	[tilespmem:$0x1978] =	vst v0  }
0x11f: {  	[tilespmem:$0x1968] =	vst v0  }
0x120: {  	[tilespmem:$0x1958] =	vst v0  }
0x121: {  	[tilespmem:$0x1948] =	vst v0  }
0x122: {  	[tilespmem:$0x1938] =	vst v0  }
0x123: {  	[tilespmem:$0x1928] =	vst v0  }
0x124: {  	[tilespmem:$0x1918] =	vst v0  }
0x125: {  	[tilespmem:$0x1908] =	vst v0  }
0x126: {  	[tilespmem:$0x18F8] =	vst v0  }
0x127: {  	[tilespmem:$0x18E8] =	vst v0  }
0x128: {  	[tilespmem:$0x18D8] =	vst v0  }
0x129: {  	[tilespmem:$0x18C8] =	vst v0  }
0x12a: {  	[tilespmem:$0x18B8] =	vst v0  }
0x12b: {  	[tilespmem:$0x18A8] =	vst v0  }
0x12c: {  	[tilespmem:$0x1898] =	vst v0  }
0x12d: {  	[tilespmem:$0x1888] =	vst v0  }
0x12e: {  	[tilespmem:$0x1878] =	vst v0  }
0x12f: {  	[tilespmem:$0x1868] =	vst v0  }
0x130: {  	[tilespmem:$0x1858] =	vst v0  }
0x131: {  	[tilespmem:$0x1848] =	vst v0  }
0x132: {  	[tilespmem:$0x1838] =	vst v0  }
0x133: {  	[tilespmem:$0x1828] =	vst v0  }
0x134: {  	[tilespmem:$0x1818] =	vst v0  }
0x135: {  	[tilespmem:$0x1808] =	vst v0  }
0x136: {  	[tilespmem:$0x17F8] =	vst v0  }
0x137: {  	[tilespmem:$0x17E8] =	vst v0  }
0x138: {  	[tilespmem:$0x17D8] =	vst v0  }
0x139: {  	[tilespmem:$0x17C8] =	vst v0  }
0x13a: {  	[tilespmem:$0x17B8] =	vst v0  }
0x13b: {  	[tilespmem:$0x17A8] =	vst v0  }
0x13c: {  	[tilespmem:$0x1798] =	vst v0  }
0x13d: {  	[tilespmem:$0x1788] =	vst v0  }
0x13e: {  	[tilespmem:$0x1778] =	vst v0  }
0x13f: {  	[tilespmem:$0x1768] =	vst v0  }
0x140: {  	[tilespmem:$0x1758] =	vst v0  }
0x141: {  	[tilespmem:$0x1748] =	vst v0  }
0x142: {  	[tilespmem:$0x1738] =	vst v0  }
0x143: {  	[tilespmem:$0x1728] =	vst v0  }
0x144: {  	[tilespmem:$0x1718] =	vst v0  }
0x145: {  	[tilespmem:$0x1708] =	vst v0  }
0x146: {  	[tilespmem:$0x16F8] =	vst v0  }
0x147: {  	[tilespmem:$0x16E8] =	vst v0  }
0x148: {  	[tilespmem:$0x16D8] =	vst v0  }
0x149: {  	[tilespmem:$0x16C8] =	vst v0  }
0x14a: {  	[tilespmem:$0x16B8] =	vst v0  }
0x14b: {  	[tilespmem:$0x16A8] =	vst v0  }
0x14c: {  	[tilespmem:$0x1698] =	vst v0  }
0x14d: {  	[tilespmem:$0x1688] =	vst v0  }
0x14e: {  	[tilespmem:$0x1678] =	vst v0  }
0x14f: {  	[tilespmem:$0x1668] =	vst v0  }
0x150: {  	[tilespmem:$0x1658] =	vst v0  }
0x151: {  	[tilespmem:$0x1648] =	vst v0  }
0x152: {  	[tilespmem:$0x1638] =	vst v0  }
0x153: {  	[tilespmem:$0x1628] =	vst v0  }
0x154: {  	[tilespmem:$0x1618] =	vst v0  }
0x155: {  	[tilespmem:$0x1608] =	vst v0  }
0x156: {  	[tilespmem:$0x15F8] =	vst v0  }
0x157: {  	[tilespmem:$0x15E8] =	vst v0  }
0x158: {  	[tilespmem:$0x15D8] =	vst v0  }
0x159: {  	[tilespmem:$0x15C8] =	vst v0  }
0x15a: {  	[tilespmem:$0x15B8] =	vst v0  }
0x15b: {  	[tilespmem:$0x15A8] =	vst v0  }
0x15c: {  	[tilespmem:$0x1598] =	vst v0  }
0x15d: {  	[tilespmem:$0x1588] =	vst v0  }
0x15e: {  	[tilespmem:$0x1578] =	vst v0  }
0x15f: {  	[tilespmem:$0x1568] =	vst v0  }
0x160: {  	[tilespmem:$0x1558] =	vst v0  }
0x161: {  	[tilespmem:$0x1548] =	vst v0  }
0x162: {  	[tilespmem:$0x1538] =	vst v0  }
0x163: {  	[tilespmem:$0x1528] =	vst v0  }
0x164: {  	[tilespmem:$0x1518] =	vst v0  }
0x165: {  	[tilespmem:$0x1508] =	vst v0  }
0x166: {  	[tilespmem:$0x14F8] =	vst v0  }
0x167: {  	[tilespmem:$0x14E8] =	vst v0  }
0x168: {  	[tilespmem:$0x14D8] =	vst v0  }
0x169: {  	[tilespmem:$0x14C8] =	vst v0  }
0x16a: {  	[tilespmem:$0x14B8] =	vst v0  }
0x16b: {  	[tilespmem:$0x14A8] =	vst v0  }
0x16c: {  	[tilespmem:$0x1498] =	vst v0  }
0x16d: {  	[tilespmem:$0x1488] =	vst v0  }
0x16e: {  	[tilespmem:$0x1478] =	vst v0  }
0x16f: {  	[tilespmem:$0x1468] =	vst v0  }
0x170: {  	[tilespmem:$0x1458] =	vst v0  }
0x171: {  	[tilespmem:$0x1448] =	vst v0  }
0x172: {  	[tilespmem:$0x1438] =	vst v0  }
0x173: {  	[tilespmem:$0x1428] =	vst v0  }
0x174: {  	[tilespmem:$0x1418] =	vst v0  }
0x175: {  	[tilespmem:$0x1408] =	vst v0  }
0x176: {  	[tilespmem:$0x13F8] =	vst v0  }
0x177: {  	[tilespmem:$0x13E8] =	vst v0  }
0x178: {  	[tilespmem:$0x13D8] =	vst v0  }
0x179: {  	[tilespmem:$0x13C8] =	vst v0  }
0x17a: {  	[tilespmem:$0x13B8] =	vst v0  }
0x17b: {  	[tilespmem:$0x13A8] =	vst v0  }
0x17c: {  	[tilespmem:$0x1398] =	vst v0  }
0x17d: {  	[tilespmem:$0x1388] =	vst v0  }
0x17e: {  	[tilespmem:$0x1378] =	vst v0  }
0x17f: {  	[tilespmem:$0x1368] =	vst v0  }
0x180: {  	[tilespmem:$0x1358] =	vst v0  }
0x181: {  	[tilespmem:$0x1348] =	vst v0  }
0x182: {  	[tilespmem:$0x1338] =	vst v0  }
0x183: {  	[tilespmem:$0x1328] =	vst v0  }
0x184: {  	[tilespmem:$0x1318] =	vst v0  }
0x185: {  	[tilespmem:$0x1308] =	vst v0  }
0x186: {  	[tilespmem:$0x12F8] =	vst v0  }
0x187: {  	[tilespmem:$0x12E8] =	vst v0  }
0x188: {  	[tilespmem:$0x12D8] =	vst v0  }
0x189: {  	[tilespmem:$0x12C8] =	vst v0  }
0x18a: {  	[tilespmem:$0x12B8] =	vst v0  }
0x18b: {  	[tilespmem:$0x12A8] =	vst v0  }
0x18c: {  	[tilespmem:$0x1298] =	vst v0  }
0x18d: {  	[tilespmem:$0x1288] =	vst v0  }
0x18e: {  	[tilespmem:$0x1278] =	vst v0  }
0x18f: {  	[tilespmem:$0x1268] =	vst v0  }
0x190: {  	[tilespmem:$0x1258] =	vst v0  }
0x191: {  	[tilespmem:$0x1248] =	vst v0  }
0x192: {  	[tilespmem:$0x1238] =	vst v0  }
0x193: {  	[tilespmem:$0x1228] =	vst v0  }
0x194: {  	[tilespmem:$0x1218] =	vst v0  }
0x195: {  	[tilespmem:$0x1208] =	vst v0  }
0x196: {  	[tilespmem:$0x11F8] =	vst v0  }
0x197: {  	[tilespmem:$0x11E8] =	vst v0  }
0x198: {  	[tilespmem:$0x11D8] =	vst v0  }
0x199: {  	[tilespmem:$0x11C8] =	vst v0  }
0x19a: {  	[tilespmem:$0x11B8] =	vst v0  }
0x19b: {  	[tilespmem:$0x11A8] =	vst v0  }
0x19c: {  	[tilespmem:$0x1198] =	vst v0  }
0x19d: {  	[tilespmem:$0x1188] =	vst v0  }
0x19e: {  	[tilespmem:$0x1178] =	vst v0  }
0x19f: {  	[tilespmem:$0x1168] =	vst v0  }
0x1a0: {  	[tilespmem:$0x1158] =	vst v0  }
0x1a1: {  	[tilespmem:$0x1148] =	vst v0  }
0x1a2: {  	[tilespmem:$0x1138] =	vst v0  }
0x1a3: {  	[tilespmem:$0x1128] =	vst v0  }
0x1a4: {  	[tilespmem:$0x1118] =	vst v0  }
0x1a5: {  	s2 =	stileid.u32;
	[tilespmem:$0x1108] =	vst v0  }
0x1a6: {  	s0 =	smul.u32 $0x2E, s2;
	[tilespmem:$0x10F8] =	vst v0  }
0x1a7: {  	s1 =	smin.u32 s2, $0x5;
	[tilespmem:$0x10E8] =	vst v0  }
0x1a8: {  	[tilespmem:$0x10B8] =	vst v0;
	s0 =	sadd.s32 s1, s0  }
0x1a9: {  	p0 =	slt.u32 s2, $0x5;
	[tilespmem:$0x10C8] =	vst v0;
	s1 =	simm.s32 $0x4F50;
	s3 =	smul.u32 $0x1B0, s0  }
0x1aa: {  	s1 =	simm.s32 @!p0 $0x4DA0;
	[tilespmem:$0x10A8] =	vst v0  }
0x1ab: {  	[tilespmem:$0x1038] =	vst v0;
	s0 =	sadd.s32 s1, s3  }
0x1ac: {  	[tilespmem:$0x1098] =	vst v0;
	s4 =	smin.u32 s0, $0x4E208  }
0x1ad: {  	[tilespmem:$0x1088] =	vst v0;
	s0 =	ssub.s32 s4, s3  }
0x1ae: {  	s5 =	simm.s32 $0x2;
	s29 =	simm.s32 $0x7;
	[tilespmem:$0x1078] =	vst v0;
	p0 =	sgt.s32 s0, $0x0  }
0x1af: {  	s13 =	simm.s32 $0x8;
	s30 =	simm.s32 $0x9;
	[tilespmem:$0x1068] =	vst v0;
	s0 =	simm.s32 @!p0 $0x0  }
0x1b0: {  	p4 =	por $0x0, $0x0;
	s14 =	simm.s32 $0xA;
	[tilespmem:$0x1058] =	vst v0;
	s6 =	smulhi.u32 $0x4BDA12F7, s0  }
0x1b1: {  	s18 =	simm.s32 $0x0;
	s15 =	simm.s32 $0x0;
	s17 =	simm.s32 $0x0;
	[tilespmem:$0x1048] =	vst v0  }
0x1b2: {  	s7 =	sadd.s32 $0xDDA400, s8;
	s31 =	sshll.u32 s2, $0x5;
	[tilespmem:$0x1028] =	vst v0;
	s12 =	sshrl.u32 s6, $0x7  }
0x1b3: {  	[tilespmem:$0x1008] =	vst v0;
	[sflag:s5] =	ssyncpa.u1 $0x0;
	v0 =	vimm.s32 $0xFFFFFFFF;
	s5 =	sadd.s32 $0x20200, s8;
	s10 =	smul.u32 $0x1B0, s12  }
.Ltmp0:
0x1b4: {  	[dreg:$0x2] =	wrdreg s31;
	[tilespmem:$0x3648] =	vst v0;
	[sflag:s29] =	ssyncpa.u1 $0x0;
	(pc) =	sbr.rel .LBB2_1-.Ltmp0, $4  }
0x1b5: {  	[sflag:s13] =	ssyncpa.u1 $0x0;
	s13 =	simm.s32 $0x0;
	p0 =	sne.s32 s0, s10  }
0x1b6: {  	[sflag:s30] =	ssyncpa.u1 $0x0;
	s1 =	sadd.s32 $0x4A000, s8;
	s11 =	simm.s32 @!p0 $0x0  }
0x1b7: {  	s16 =	smov.u32 s3;
	[dreg:$0x3] =	wrdreg s3;
	s11 =	sadd.s32 s11, s12  }
0x1b8: {  	v0 =	vlaneseq.u32;
	s6 =	sadd.s32 $0x16400, s8;
	p0 =	por $0x1, $0x1;
	s8 =	sadd.s32 $0x1, s11  }
.LBB2_18:
0x1b9: {  	s0 =	simm.s32 $0x2  }
0x1ba: {  	_ =	swait.ge [sflag:s0], $0x0  }
0x1bb: {  	[sflag:s0] =	ssyncset.done $0x0;
	s0 =	simm.s32 $0x0  }
.LBB2_19:
0x1bc: {  	_ =	swait.ge [sflag:s14], s0  }
0x1bd: {  	s31 =	ssub.s32 $0x0, s0;
	v1 =	vmov s20;
	vm0 =	veq.s32 v0, $0x0;
	[sflag:s14] =	ssyncset.done $0x0  }
0x1be: {  	vm15 =	veq.s32 v0, $0x2;
	v1 =	vsel vm0, s24, v1;
	[sflag:s14] =	ssyncadd.s32 s31  }
0x1bf: {  	v1 =	vsel vm15, s18, v1;
	[sflag:s14] =	ssyncpa.u1 $0x1  }
0x1c0: {  	[tilespmem:$0x3648] =	vst v1  }
.LBB2_20:
0x1c1: {  	s0 =	sadd.s32 $0x1B0, s16  }
0x1c2: {  	s2 =	smov.u32 s3;
	p1 =	slt.s32 s0, s4  }
0x1c3: {  	s2 =	smov.u32 @p1 s0;
	p1 =	sne.s32 s17, s8  }
.Ltmp1:
0x1c4: {  	_ = 	snop;
	(pc) =	sbr.rel @!p1 .LBB2_21-.Ltmp1, $4  }
0x1c5: {  	_ = 	snop  }
0x1c6: {  	s18 =	smov.u32 s15  }
0x1c7: {  	s31 =	sadd.s32 $0x1, s17;
	s15 =	smov.u32 s16;
	p0 =	por !p0, !p0  }
0x1c8: {  	p4 =	por !p4, !p4;
	s17 =	smov.u32 s31;
	s16 =	smov.u32 s2  }
.LBB2_1:
0x1c9: {  	p2 =	sge.u32 s17, s11  }
0x1ca: {  	s0 =	smulhi.u32 @!p2 $0xAAAAAAAB, s17  }
0x1cb: {  	s19 =	smov.u32 s16;
	p3 =	sgt.s32 @!p2 s16, $0x4E058  }
0x1cc: {  	s20 =	sshra.s32 @!p2 s16, $0x1F;
	p3 =	por !p3, p2;
	s0 =	sshrl.u32 @!p2 s0, $0x1  }
0x1cd: {  	s20 =	sand.u32 @!p2 s20, s16;
	s19 =	simm.s32 @p3 $0x4E058;
	s0 =	smul.u32 @!p2 $0x3, s0  }
0x1ce: {  	s19 =	ssub.s32 @!p2 s19, s20  }
0x1cf: {  	s19 =	sadd.s32 @!p2 $0xFFFB1FA8, s19;
	s0 =	ssub.s32 @!p2 s17, s0  }
0x1d0: {  	s20 =	sshll.u32 @!p2 s19, $0x2;
	p3 =	sgt.s32 @!p2 s19, $0x1AF;
	s0 =	smul.u32 @!p2 $0x6C0, s0  }
0x1d1: {  	s21 =	sand.u32 @!p2 $0x7, s16;
	s19 =	ssub.s32 @!p2 $0x6C0, s20;
	p3 =	por !p3, p2  }
0x1d2: {  	s20 =	sshrl.u32 @!p2 s16, $0x3;
	s19 =	sshrl.u32 @!p2 s19, $0x2;
	s0 =	sshrl.u32 @!p2 s0, $0x2  }
0x1d3: {  	s20 =	sadd.s32 @!p2 s5, s20;
	s19 =	simm.s32 @!p3 $0x0;
	s0 =	sadd.s32 @!p2 $0x3878, s0  }
0x1d4: {  	[tilespmem:s0], [sflag:$0x8] =	stream.linear.gather @!p2 [hbm4b:s20+s21], s19, $0x38;
	[tilespmem:$0x1F0E8] =	vst v63  }
0x1d5: {  	s20 =	sadd.s32 $0xFFFFFFFF, s17  }
0x1d6: {  	p2 =	sge.u32 s20, s11  }
0x1d7: {  	p3 =	sgt.s32 @!p2 s15, $0x4E058  }
0x1d8: {  	s0 =	smov.u32 s15;
	s19 =	sshra.s32 @!p2 s15, $0x1F;
	p3 =	por !p3, p2  }
0x1d9: {  	s19 =	sand.u32 @!p2 s19, s15;
	s0 =	simm.s32 @p3 $0x4E058  }
0x1da: {  	s0 =	ssub.s32 @!p2 s0, s19  }
0x1db: {  	s0 =	sadd.s32 @!p2 $0xFFFB1FA8, s0  }
0x1dc: {  	s19 =	sshll.u32 @!p2 s0, $0x2  }
0x1dd: {  	p3 =	sgt.s32 @!p2 s0, $0x1AF;
	s0 =	ssub.s32 @!p2 $0x6C0, s19  }
0x1de: {  	p3 =	por !p3, p2;
	s0 =	sshrl.u32 @!p2 s0, $0x2  }
0x1df: {  	s21 =	simm.s32 @!p2 $0x8;
	s19 =	sand.u32 @!p2 $0x1, s20;
	s0 =	simm.s32 @!p3 $0x0  }
0x1e0: {  	s19 =	smul.u32 @!p2 $0x6C0, s19;
	_ =	swait.ge @!p2 [sflag:s21], s0  }
0x1e1: {  	s22 =	ssub.s32 @!p2 $0x0, s0;
	[sflag:s21] =	ssyncset.done @!p2 $0x0  }
0x1e2: {  	s19 =	sshrl.u32 @!p2 s19, $0x2;
	[sflag:s21] =	ssyncadd.s32 @!p2 s22;
	s21 =	sshrl.u32 @!p2 s15, $0x3  }
0x1e3: {  	s19 =	sadd.s32 @!p2 $0x3D88, s19;
	s22 =	sand.u32 @!p2 $0x7, s15;
	s21 =	sadd.s32 @!p2 s6, s21  }
0x1e4: {  	[tilespmem:s19], [sflag:$0x9] =	stream.linear.gather @!p2 [hbm4b:s21+s22], s0, $0x38;
	[tilespmem:$0x1F0E8] =	vst v63  }
0x1e5: {  	s19 =	ssub.s32 @!p2 $0x4E208, s15  }
0x1e6: {  	p3 =	slt.s32 @!p2 s19, $0x1  }
0x1e7: {  	p3 =	por p2, p3  }
.Ltmp2:
0x1e8: {  	_ = 	snop;
	(pc) =	sbr.rel @p3 .LBB2_7-.Ltmp2, $1  }
0x1e9: {  	_ =	sdelay $0x3  }
0x1ea: {  	s0 =	smulhi.u32 $0xAAAAAAAB, s20;
	_ =	sdelay $0x1  }
0x1eb: {  	s0 =	sshrl.u32 s0, $0x1  }
0x1ec: {  	s0 =	smul.u32 $0x3, s0;
	_ =	sdelay $0x1  }
0x1ed: {  	s0 =	ssub.s32 s20, s0  }
0x1ee: {  	s21 =	simm.s32 $0x1;
	s0 =	smul.u32 $0x6C0, s0  }
.Ltmp3:
0x1ef: {  	s21 =	simm.s32 @!p0 $0x0;
	(pc) =	sbr.rel .LBB2_4-.Ltmp3, $4  }
0x1f0: {  	s31 =	smul.u32 $0x36000, s21  }
0x1f1: {  	p3 =	slt.s32 @!p2 s19, $0x1B0;
	s0 =	sshrl.u32 s0, $0x2  }
0x1f2: {  	p2 =	por !p3, p2;
	s20 =	sshrl.u32 s31, $0x2;
	s0 =	sadd.s32 $0x3878, s0  }
0x1f3: {  	s19 =	simm.s32 @p2 $0x1B0;
	s21 =	simm.s32 $0x0;
	s20 =	sadd.s32 $0x40E8, s20;
	v1 =	vmov s0  }
.LBB2_3:
0x1f4: {  	p2 =	sge.s32 s21, s19  }
.Ltmp4:
0x1f5: {  	_ = 	snop;
	(pc) =	sbr.rel @p2 .LBB2_7-.Ltmp4, $2  }
0x1f6: {  	_ =	sdelay $0x2  }
0x1f7: {  	s20 =	sadd.s32 $0x800, s20  }
.LBB2_4:
0x1f8: {  	p2 =	sle.s32 s19, s21  }
.Ltmp5:
0x1f9: {  	_ = 	snop;
	(pc) =	sbr.rel @p2 .LBB2_3-.Ltmp5, $2  }
0x1fa: {  	_ =	sdelay $0x2  }
0x1fb: {  	s22 =	smov.u32 s21;
	s21 =	sadd.s32 $0x10, s21  }
0x1fc: {  	s0 =	ssub.s32 s19, s22  }
0x1fd: {  	p2 =	slt.s32 s0, $0x10  }
0x1fe: {  	s0 =	simm.s32 @!p2 $0x10  }
0x1ff: {  	v2 =	vmov s0  }
0x200: {  	vm0 =	vgt.s32 v2, v0;
	_ =	sdelay $0x5  }
0x201: {  	v2 =	vld.idx.msk [tilespmem:v1+s22+$0x0 ss:$0x1], vm0;
	_ =	sdelay $0x2  }
0x202: {  	s23 =	smov.u32 s19;
	p2 =	slt.s32 s21, s19  }
0x203: {  	s24 =	smov.u32 s20;
	s25 =	simm.s32 $0x0;
	s23 =	smov.u32 @p2 s21  }
.LBB2_6:
0x204: {  	(v2sf) =	vpush v2, s25;
	_ =	sdelay $0xc  }
0x205: {  	s25 =	sadd.s32 $0x1, s25  }
0x206: {  	s31 =	sadd.s32 s25, s22  }
0x207: {  	p2 =	slt.s32 s31, s23;
	s0 =	spop (v2sf)  }
.Ltmp6:
0x208: {  	s0 =	sshll.u32 s0, $0x4;
	(pc) =	sbr.rel @p2 .LBB2_6-.Ltmp6, $4  }
0x209: {  	s0 =	sand.u32 $0x1FFFFFF0, s0  }
0x20a: {  	s0 =	sadd.s32 s7, s0  }
0x20b: {  	[tilespmem:s24], [sflag:$0x7] =	stream.linear.gather [hbm4b:s0+s13], $0x3, $0x38;
	[tilespmem:$0x1F0E8] =	vst v63  }
0x20c: {  	s24 =	sadd.s32 $0x80, s24  }
.Ltmp7:
0x20d: {  	_ = 	snop;
	(pc) =	sbr.rel .LBB2_3-.Ltmp7, $1  }
0x20e: {  	_ =	sdelay $0x3  }
.LBB2_7:
0x20f: {  	p2 =	slt.u32 s17, $0x2  }
.Ltmp8:
0x210: {  	_ = 	snop;
	(pc) =	sbr.rel @p2 .LBB2_20-.Ltmp8, $1  }
0x211: {  	_ =	sdelay $0x3  }
0x212: {  	s0 =	ssub.s32 $0x4E208, s18;
	p2 =	sgt.s32 s18, $0x4E058;
	s19 =	smov.u32 s18  }
0x213: {  	s20 =	sshra.s32 s18, $0x1F;
	p3 =	slt.s32 s0, $0x1B0;
	s21 =	smov.u32 s0  }
0x214: {  	s19 =	simm.s32 @!p2 $0x4E058;
	s20 =	sand.u32 s20, s18;
	s21 =	simm.s32 @!p3 $0x1B0  }
0x215: {  	s19 =	ssub.s32 s19, s20;
	s25 =	smul.u32 $0xC, s21  }
0x216: {  	s19 =	sadd.s32 $0xFFFB1FA8, s19  }
0x217: {  	s2 =	simm.s32 $0x7;
	s26 =	sshll.u32 s19, $0x2;
	s20 =	sshrl.u32 s25, $0x2  }
0x218: {  	p2 =	sgt.s32 s19, $0x1AF;
	s28 =	ssub.s32 $0x6C0, s26;
	_ =	swait.ge [sflag:s2], s20  }
0x219: {  	s20 =	ssub.s32 $0x0, s20;
	s19 =	sshrl.u32 s28, $0x2;
	[sflag:s2] =	ssyncset.done $0x0  }
0x21a: {  	s29 =	simm.s32 $0x9;
	s19 =	simm.s32 @p2 $0x0;
	[sflag:s2] =	ssyncadd.s32 s20  }
0x21b: {  	_ =	swait.ge [sflag:s29], s19  }
0x21c: {  	s19 =	ssub.s32 $0x0, s19;
	[sflag:s29] =	ssyncset.done $0x0  }
0x21d: {  	[sflag:s29] =	ssyncadd.s32 s19  }
0x21e: {  	v1 =	vld [tilespmem:$0x3648];
	_ =	sdelay $0x4  }
0x21f: {  	(v2sf) =	vpush v1, $0x0  }
0x220: {  	(v2sf) =	vpush v1, $0x1  }
0x221: {  	(v2sf) =	vpush v1, $0x2;
	_ =	sdelay $0x3  }
0x222: {  	s19 =	sadd.s32 $0x1B0, s18  }
0x223: {  	p2 =	slt.s32 s4, s19  }
0x224: {  	s19 =	smov.u32 @p2 s4;
	p2 =	sgt.s32 s0, $0x0  }
0x225: {  	s22 =	ssub.s32 s19, s18;
	s0 =	simm.s32 @!p2 $0x0  }
0x226: {  	p2 =	slt.s32 s0, s22  }
0x227: {  	s22 =	smov.u32 @p2 s0  }
0x228: {  	s21 =	simm.s32 $0x1;
	p2 =	slt.s32 s22, $0x1  }
.Ltmp9:
0x229: {  	s21 =	simm.s32 @!p4 $0x0;
	(pc) =	sbr.rel @p2 .LBB2_12-.Ltmp9, $4  }
0x22a: {  	s30 =	smul.u32 $0x6C0, s21  }
0x22b: {  	s23 =	spop (v2sf)  }
0x22c: {  	s31 =	sshrl.u32 s30, $0x2;
	s25 =	spop (v2sf)  }
0x22d: {  	s19 =	sadd.s32 $0x3D88, s31;
	s18 =	spop (v2sf)  }
0x22e: {  	s0 =	smin.u32 s22, $0x10  }
0x22f: {  	v1 =	vmov s0  }
0x230: {  	p3 =	sgt.s32 s22, $0x10;
	vm1 =	vgt.u32 v1, v0  }
.Ltmp10:
0x231: {  	_ = 	snop;
	(pc) =	sbr.rel @!p3 .LBB2_11-.Ltmp10, $2  }
0x232: {  	_ =	sdelay $0x2  }
0x233: {  	s24 =	simm.s32 $0x10;
	s26 =	sadd.s32 $0xFFFFFFF0, s22;
	s20 =	smov.u32 s19;
	vm0 =	vmmov vm1  }
.LBB2_10:
0x234: {  	s0 =	smin.u32 s26, $0x10;
	s24 =	sadd.s32 $0x10, s24;
	v1 =	vld.msk [tilespmem:s20+$0x0 ss:$0x1], vm1  }
0x235: {  	v2 =	vmov s0;
	p3 =	slt.s32 s24, s22  }
0x236: {  	vm1 =	vgt.u32 v2, v0  }
.Ltmp11:
0x237: {  	(pc) =	sbr.rel @p3 .LBB2_10-.Ltmp11, $3  }
0x238: {  	_ =	sdelay $0x1  }
0x239: {  	v1 =	vshll.u32 v1, $0x4  }
0x23a: {  	s26 =	sadd.s32 $0xFFFFFFF0, s26;
	[tilespmem:s20+$0x0] =	vst.msk vm0, v1;
	s20 =	sadd.s32 $0x10, s20;
	vm0 =	vmmov vm1  }
.LBB2_11:
0x23b: {  	_ =	sdelay $0x4  }
0x23c: {  	v1 =	vld.msk [tilespmem:s20+$0x0 ss:$0x1], vm1;
	_ =	sdelay $0x4  }
0x23d: {  	v1 =	vshll.u32 v1, $0x4  }
0x23e: {  	[tilespmem:s20+$0x0] =	vst.msk vm0, v1  }
.LBB2_12:
0x23f: {  	s0 =	sand.u32 $0x1, s17  }
0x240: {  	s0 =	smul.u32 $0x1B0, s0  }
0x241: {  	p3 =	sne.s32 s25, $0xFFFFFFFF  }
0x242: {  	v1 =	vld.msk @!p3 [tilespmem:s0+$0x3D88], $0x1;
	_ =	sdelay $0x4  }
0x243: {  	(v2sf) =	vpush @!p3 v1, $0x0;
	_ =	sdelay $0xc  }
.Ltmp12:
0x244: {  	_ = 	snop;
	(pc) =	sbr.rel @p2 .LBB2_18-.Ltmp12, $4  }
0x245: {  	_ = 	snop  }
0x246: {  	s24 =	spop @!p3 (v2sf)  }
0x247: {  	s18 =	simm.s32 @!p3 $0x0;
	s20 =	smov.u32 s24  }
0x248: {  	[sflag:s14] =	ssyncpa.u1 $0x0;
	s24 =	smov.u32 @p3 s23;
	s20 =	smov.u32 @p3 s25  }
0x249: {  	v1 =	vld.msk [tilespmem:s19+$0x0], $0x1;
	_ =	sdelay $0x4  }
0x24a: {  	(v2sf) =	vpush v1, $0x0;
	_ =	sdelay $0xd  }
0x24b: {  	s0 =	simm.s32 @!p4 $0x0  }
0x24c: {  	s26 =	smul.u32 $0x36000, s21;
	s25 =	ssub.s32 $0x0, s22;
	s28 =	spop (v2sf)  }
0x24d: {  	s0 =	simm.s32 @p4 $0x1;
	s23 =	sadd.s32 $0x1, s25;
	p2 =	seq.s32 s24, s28  }
0x24e: {  	[smem:$0x7FD] =	sst s0;
	s0 =	sshrl.u32 s26, $0x2;
	p3 =	sgt.s32 @!p2 s24, $0x0  }
0x24f: {  	s21 =	sadd.s32 $0x40E8, s0;
	s0 =	smov.u32 s24;
	p3 =	por !p3, p2  }
0x250: {  	s0 =	simm.s32 @p3 $0x0;
	p3 =	seq.s32 s23, $0x0  }
.Ltmp13:
0x251: {  	_ = 	snop;
	(pc) =	sbr.rel @p3 .LBB2_15-.Ltmp13, $4  }
0x252: {  	s3 =	smov.u32 s8;
	s12 =	smov.u32 s5;
	s8 =	smov.u32 s6  }
0x253: {  	s22 =	simm.s32 $0x0;
	s29 =	simm.s32 @!p2 $0x1;
	s0 =	smin.u32 @!p2 s0, $0x1D4C7F  }
0x254: {  	s30 =	simm.s32 @!p2 $0x1B38;
	s29 =	smov.u32 @p2 s22;
	s26 =	sand.u32 @!p2 $0x1FFFF8, s0  }
0x255: {  	s31 =	sand.u32 @!p2 $0x7, s0;
	s0 =	sadd.s32 @!p2 s1, s26;
	s26 =	sadd.s32 $0x1, s19  }
.LBB2_14:
0x256: {  	s2 =	smov.u32 s29  }
0x257: {  	[tilespmem:s30], [sflag:$0x2] =	stream.linear.gather @!p2 [hbm4b:s0+s31], $0x3, $0x38;
	[tilespmem:$0x1F0E8] =	vst v63  }
0x258: {  	s23 =	sadd.s32 $0x1, s23;
	s0 =	smov.u32 s28;
	v1 =	vld.msk [tilespmem:s26+$0x0], $0x1  }
0x259: {  	p3 =	seq.s32 s23, $0x0;
	_ =	sdelay $0x3  }
0x25a: {  	(v2sf) =	vpush v1, $0x0;
	_ =	sdelay $0xe  }
0x25b: {  	s28 =	spop (v2sf)  }
0x25c: {  	p2 =	seq.s32 s0, s28  }
0x25d: {  	p4 =	sgt.s32 @!p2 s0, $0x0;
	s30 =	sshll.u32 @!p2 s29, $0x6;
	s29 =	sadd.s32 @!p2 $0x1, s29  }
.Ltmp14:
0x25e: {  	p4 =	por !p4, p2;
	s30 =	sshra.s32 @!p2 s30, $0x2;
	(pc) =	sbr.rel @!p3 .LBB2_14-.Ltmp14, $4  }
0x25f: {  	s29 =	smov.u32 @p2 s2;
	s0 =	simm.s32 @p4 $0x0;
	s30 =	sadd.s32 @!p2 $0x1B38, s30  }
0x260: {  	s0 =	smin.u32 @!p2 s0, $0x1D4C7F  }
0x261: {  	s2 =	sand.u32 @!p2 $0x1FFFF8, s0;
	s31 =	sand.u32 @!p2 $0x7, s0  }
0x262: {  	s26 =	sadd.s32 $0x1, s26;
	s0 =	sadd.s32 @!p2 s1, s2  }
.LBB2_15:
0x263: {  	s2 =	smul.u32 $0xC, s29  }
0x264: {  	[tilespmem:s30], [sflag:$0x2] =	stream.linear.gather @!p2 [hbm4b:s0+s31], $0x3, $0x38;
	[tilespmem:$0x1F0E8] =	vst v63  }
0x265: {  	s31 =	simm.s32 $0x2;
	s30 =	sshrl.u32 s2, $0x2  }
0x266: {  	_ =	swait.ge [sflag:s31], s30  }
0x267: {  	s0 =	ssub.s32 $0x0, s30;
	[sflag:s31] =	ssyncset.done $0x0  }
0x268: {  	[sflag:s31] =	ssyncadd.s32 s0  }
0x269: {  	v1 =	vld.msk [tilespmem:s19+$0x0], $0x1;
	_ =	sdelay $0x4  }
0x26a: {  	(v2sf) =	vpush v1, $0x0;
	_ =	sdelay $0xe  }
0x26b: {  	s23 =	spop (v2sf)  }
0x26c: {  	p2 =	sne.s32 s24, s23  }
0x26d: {  	p4 =	sne.s32 @p2 s24, s20  }
0x26e: {  	p3 =	por !p4, !p2  }
0x26f: {  	s0 =	simm.s32 @!p3 $0x0  }
0x270: {  	v1 =	vld.msk @!p3 [tilespmem:s0+$0x1B38], $0x7  }
0x271: {  	p5 =	sgt.u32 @!p3 s24, $0x1D4C7F  }
0x272: {  	s2 =	sshll.u32 @!p3 s18, $0x6;
	p6 =	por @p2 p5, !p4  }
0x273: {  	s2 =	sshra.s32 @!p3 s2, $0x2;
	p1 =	por p6, !p2;
	p6 =	por p4, !p2  }
0x274: {  	s26 =	sadd.s32 @!p3 $0x28, s2;
	s28 =	sand.u32 @!p1 $0x1FFFF8, s24;
	s29 =	sshll.u32 @!p6 s18, $0x6  }
0x275: {  	s24 =	sand.u32 @!p1 $0x7, s24;
	[tilespmem:s2+$0x28] =	vst.add.f32.msk @!p3 $0x7, v1;
	s2 =	sadd.s32 @!p1 s1, s28;
	s28 =	sshra.s32 @!p6 s29, $0x2  }
0x276: {  	[hbm4b:s2+s24] =	stream.linear.scatter @!p1 [tilespmem:s26], [sflag:$0xA], $0x3, $0x38;
	[tilespmem:$0x1F0E8] =	vst v63  }
0x277: {  	s0 =	rddreg [dreg:$0x2];
	s2 =	sadd.s32 @!p6 $0x28, s28;
	s24 =	simm.s32 @!p6 $0x1  }
0x278: {  	[spmem:s0] =	stream.linear.scatter @!p6 [tilespmem:s2], [sflag:$0x1], $0x3, $0x38;
	[tilespmem:$0x1F0E8] =	vst v63  }
0x279: {  	s0 =	sadd.s32 @p2 $0x1, s18;
	_ =	swait.ge @!p6 [sflag:s24], $0x3  }
0x27a: {  	s2 =	sshrl.u32 @p2 s0, $0x4;
	[sflag:s24] =	ssyncset.done @!p6 $0x0  }
0x27b: {  	s2 =	smulhi.u32 @p2 $0x97B425F, s2;
	[sflag:s24] =	ssyncadd.s32 @!p6 $0xFFFFFFFD  }
0x27c: {  	s24 =	sadd.s32 $0x1, s25;
	v1 =	vld.msk @p2 [tilespmem:s21+$0x0], $0x7  }
0x27d: {  	p1 =	por @p2 !p5, !p4;
	s2 =	smul.u32 @p2 $0x1B0, s2;
	p4 =	seq.s32 s24, $0x0  }
.Ltmp15:
0x27e: {  	p1 =	por !p1, !p2;
	s25 =	simm.s32 @!p3 $0x0;
	(pc) =	sbr.rel @p4 .LBB2_17-.Ltmp15, $4  }
0x27f: {  	s26 =	sshll.u32 @!p2 s18, $0x6;
	s25 =	simm.s32 @!p1 $0xC;
	s0 =	ssub.s32 @p2 s0, s2  }
0x280: {  	s26 =	sshra.s32 @!p2 s26, $0x2;
	s28 =	sadd.s32 @!p3 $0x0, s25;
	s29 =	sshll.u32 @p2 s0, $0x4  }
0x281: {  	s25 =	simm.s32 $0x0;
	s2 =	simm.s32 @p2 $0x1;
	s28 =	smov.u32 @p3 s22;
	[tilespmem:s29+$0x28] =	vst.msk @p2 $0x7, v1  }
0x282: {  	s18 =	smov.u32 @p2 s0;
	s25 =	smov.u32 @p2 s28;
	s22 =	smov.u32 @p2 s2;
	v1 =	vld.msk @!p2 [tilespmem:s21+$0x0], $0x7  }
.LBB2_16:
0x283: {  	_ =	sdelay $0x3  }
0x284: {  	s19 =	sadd.s32 $0x1, s19;
	[tilespmem:s26+$0x28] =	vst.add.f32.msk @!p2 $0x7, v1  }
0x285: {  	v1 =	vld.msk [tilespmem:s19+$0x0], $0x1;
	_ =	sdelay $0x4  }
0x286: {  	(v2sf) =	vpush v1, $0x0;
	_ =	sdelay $0xe  }
0x287: {  	s0 =	smov.u32 s23;
	s23 =	spop (v2sf)  }
0x288: {  	p2 =	sne.s32 s0, s23  }
0x289: {  	p5 =	sne.s32 @p2 s0, s20  }
0x28a: {  	p4 =	por !p5, !p2  }
0x28b: {  	s30 =	sshll.u32 @!p4 s22, $0x6  }
0x28c: {  	s30 =	sshra.s32 @!p4 s30, $0x2  }
0x28d: {  	p1 =	sgt.u32 @!p4 s0, $0x1D4C7F;
	v1 =	vld.msk @!p4 [tilespmem:s30+$0x1B38], $0x7  }
0x28e: {  	s31 =	sshll.u32 @!p4 s18, $0x6;
	p6 =	por @p2 p1, !p5;
	p1 =	por @p2 !p1, !p5  }
0x28f: {  	s5 =	simm.s32 @!p4 $0x0;
	s31 =	sshra.s32 @!p4 s31, $0x2;
	p1 =	por !p1, !p2  }
0x290: {  	p5 =	por p5, !p2;
	s5 =	simm.s32 @!p1 $0xC;
	p1 =	por p6, !p2  }
0x291: {  	s30 =	sadd.s32 @!p4 $0x28, s31;
	s6 =	sshll.u32 @!p5 s18, $0x6;
	s10 =	sand.u32 @!p1 $0x1FFFF8, s0  }
0x292: {  	s6 =	sshra.s32 @!p5 s6, $0x2;
	s0 =	sand.u32 @!p1 $0x7, s0;
	s10 =	sadd.s32 @!p1 s1, s10;
	[tilespmem:s31+$0x28] =	vst.add.f32.msk @!p4 $0x7, v1  }
0x293: {  	[hbm4b:s10+s0] =	stream.linear.scatter @!p1 [tilespmem:s30], [sflag:$0xA], $0x3, $0x38;
	[tilespmem:$0x1F0E8] =	vst v63  }
0x294: {  	s2 =	rddreg [dreg:$0x2];
	s0 =	sadd.s32 @!p5 $0x28, s6;
	s6 =	simm.s32 @!p5 $0x1  }
0x295: {  	[spmem:s2] =	stream.linear.scatter @!p5 [tilespmem:s0], [sflag:$0x1], $0x3, $0x38;
	[tilespmem:$0x1F0E8] =	vst v63  }
0x296: {  	s28 =	sadd.s32 @p2 $0x1, s18;
	_ =	swait.ge @!p5 [sflag:s6], $0x3  }
0x297: {  	s29 =	sshrl.u32 @p2 s28, $0x4;
	[sflag:s6] =	ssyncset.done @!p5 $0x0  }
0x298: {  	s21 =	sadd.s32 $0x80, s21;
	s29 =	smulhi.u32 @p2 $0x97B425F, s29;
	[sflag:s6] =	ssyncadd.s32 @!p5 $0xFFFFFFFD  }
0x299: {  	s24 =	sadd.s32 $0x1, s24;
	v1 =	vld.msk @p2 [tilespmem:s21+$0x0], $0x7  }
0x29a: {  	p3 =	seq.s32 s24, $0x0;
	s29 =	smul.u32 @p2 $0x1B0, s29  }
.Ltmp16:
0x29b: {  	_ = 	snop;
	(pc) =	sbr.rel @!p3 .LBB2_16-.Ltmp16, $4  }
0x29c: {  	s28 =	ssub.s32 @p2 s28, s29  }
0x29d: {  	s26 =	sshll.u32 @!p2 s18, $0x6;
	s5 =	sadd.s32 @!p4 s5, s25;
	s10 =	sshll.u32 @p2 s28, $0x4  }
0x29e: {  	s9 =	sadd.s32 @p2 $0x1, s22;
	s26 =	sshra.s32 @!p2 s26, $0x2;
	s5 =	smov.u32 @p4 s25;
	[tilespmem:s10+$0x28] =	vst.msk @p2 $0x7, v1  }
0x29f: {  	s22 =	smov.u32 @p2 s9;
	s18 =	smov.u32 @p2 s28;
	s25 =	smov.u32 @p2 s5;
	v1 =	vld.msk @!p2 [tilespmem:s21+$0x0], $0x7  }
.LBB2_17:
.Ltmp17:
0x2a0: {  	_ = 	snop;
	(pc) =	sbr.rel .LBB2_19-.Ltmp17, $4  }
0x2a1: {  	s2 =	sld [smem:$0x7FD]  }
0x2a2: {  	s0 =	sshrl.u32 s25, $0x2  }
0x2a3: {  	s24 =	smov.u32 s23;
	s6 =	smov.u32 s8;
	s5 =	smov.u32 s12  }
0x2a4: {  	s8 =	smov.u32 s3;
	s3 =	rddreg [dreg:$0x3];
	p4 =	seq.s32 s2, $0x1;
	[tilespmem:s26+$0x28] =	vst.add.f32.msk @!p2 $0x7, v1  }
.LBB2_21:
0x2a5: {  	_ =	sfence.sel $0x180000  }
0x2a6: {  	s0 =	simm.s32 $0x7;
	[bflag:$0x0] =	sbarrier.arrive $0xFFFF  }
0x2a7: {  	s25 =	simm.s32 $0x8;
	[sflag:s0] =	ssyncpa.u1 $0x1  }
0x2a8: {  	s26 =	simm.s32 $0x9;
	[sflag:s25] =	ssyncpa.u1 $0x1  }
0x2a9: {  	s28 =	simm.s32 $0x2;
	[sflag:s26] =	ssyncpa.u1 $0x1  }
0x2aa: {  	[sflag:s28] =	ssyncpa.u1 $0x1  }
0x2ab: {  	v0 =	vld [tilespmem:$0x3648];
	_ =	sdelay $0x4  }
0x2ac: {  	(v2sf) =	vpush v0, $0x0  }
0x2ad: {  	(v2sf) =	vpush v0, $0x1;
	_ =	sdelay $0x1  }
0x2ae: {  	(v2sf) =	vpush v0, $0x2;
	_ =	sdelay $0xb  }
0x2af: {  	s0 =	spop (v2sf)  }
0x2b0: {  	s2 =	spop (v2sf)  }
0x2b1: {  	s3 =	smov.u32 s0;
	p0 =	sne.s32 s0, s2  }
0x2b2: {  	s4 =	spop (v2sf);
	s3 =	simm.s32 @!p0 $0xFFFFFFFF  }
0x2b3: {  	v2 =	vimm.s32 $0x1;
	v3 =	vlaneseq.u32;
	p0 =	seq.s32 s4, $0xFFFFFFFF;
	v1 =	vmov s3  }
0x2b4: {  	s7 =	stileid.u32;
	v0 =	vperm.xlane v0, v2;
	p1 =	sne.s32 @!p0 s0, s2;
	v1 =	vperm.xlane v1, v3  }
0x2b5: {  	vm0 =	vcmask $0x3F04;
	s6 =	simm.s32 $0x3648;
	s0 =	simm.s32 @!p0 $0x1;
	p1 =	por !p1, p0  }
0x2b6: {  	s3 =	sshll.u32 s7, $0x1;
	s2 =	sshll.u32 @!p0 s4, $0x6;
	s0 =	simm.s32 @p1 $0x0;
	v0 =	vsel vm0, v1, v0  }
0x2b7: {  	s5 =	sor.u32 $0x200, s3;
	s2 =	sshra.s32 @!p0 s2, $0x2;
	s0 =	sor.u32 @!p0 s0, s3;
	[tilespmem:$0x3648] =	vst v0  }
0x2b8: {  	[spmem:s5] =	stream.linear.scatter [tilespmem:s6], [sflag:$0x1], $0x2, $0x38;
	[tilespmem:$0x1F0E8] =	vst v63  }
0x2b9: {  	s2 =	sadd.s32 @!p0 $0x28, s2;
	s0 =	sshll.u32 @!p0 s0, $0x4  }
0x2ba: {  	[spmem:s0] =	stream.linear.scatter @!p0 [tilespmem:s2], [sflag:$0x1], $0x10, $0x38;
	[tilespmem:$0x1F0E8] =	vst v63  }
0x2bb: {  	s0 =	simm.s32 @!p0 $0x12  }
0x2bc: {  	s3 =	simm.s32 $0x1;
	s0 =	simm.s32 @p0 $0x2  }
0x2bd: {  	_ =	swait.ge [sflag:s3], s0  }
0x2be: {  	s0 =	ssub.s32 $0x0, s0;
	[sflag:s3] =	ssyncset.done $0x0  }
0x2bf: {  	[sflag:s3] =	ssyncadd.s32 s0  }
0x2c0: {  	_ =	sfence.stream.spmem  }
0x2c1: {  	s29 =	simm.s32 $0x3;
	[bflag:$0x0] =	sbarrier.arrive $0xFFFF  }
0x2c2: {  	s30 =	simm.s32 $0x4;
	[sflag:s29] =	ssyncpa.u1 $0x1  }
0x2c3: {  	s31 =	simm.s32 $0x3C;
	[sflag:s30] =	ssyncpa.u1 $0x1  }
0x2c4: {  	p0 =	sne.s32 s7, $0x0;
	[sflag:s31] =	ssyncpa.u1 $0x1  }
0x2c5: {  	_ =	sfence @p0  }
0x2c6: {  	[sflag:s3] =	ssyncpa.u1 @p0 $0x1  }
0x2c7: {  	_ =	strace @p0 $0x90000050  }
0x2c8: {  	[bflag:$0x2] =	sbarrier.arrive @p0 $0xFFFF  }
0x2c9: {  	_ =	shalt @p0  }
.LBB2_22:
0x2ca: {  	_ =	sfence.stream.spmem;
	s0 =	simm.s32 $0x5  }
0x2cb: {  	s2 =	simm.s32 $0x200;
	s3 =	simm.s32 $0x3658;
	[sflag:s0] =	ssyncpa.u1 $0x0  }
0x2cc: {  	[tilespmem:s3], [sflag:$0x5] =	stream.linear.gather [spmem:s2], $0x20, $0x38;
	[tilespmem:$0x1F0E8] =	vst v63  }
0x2cd: {  	s30 =	simm.s32 $0x3678;
	s2 =	simm.s32 $0x0  }
0x2ce: {  	[tilespmem:s30], [sflag:$0x5] =	stream.linear.gather [spmem:s2], $0x200, $0x38;
	[tilespmem:$0x1F0E8] =	vst v63  }
.Ltmp18:
0x2cf: {  	_ = 	snop;
	(pc) =	sbr.rel .LBB2_23-.Ltmp18, $4  }
0x2d0: {  	_ =	swait.ge [sflag:s0], $0x220  }
0x2d1: {  	[sflag:s0] =	ssyncset.done $0x0  }
0x2d2: {  	s31 =	simm.s32 $0x6;
	[sflag:s0] =	ssyncadd.s32 $0xFFFFFDE0  }
0x2d3: {  	s3 =	simm.s32 $0x0;
	[sflag:s31] =	ssyncpa.u1 $0x0  }
.LBB2_28:
0x2d4: {  	p0 =	slt.u32 s4, $0x1D4C80  }
0x2d5: {  	s0 =	sand.u32 @p0 $0x1FFFF8, s4  }
0x2d6: {  	s4 =	sand.u32 @p0 $0x7, s4;
	s5 =	simm.s32 @p0 $0x3638;
	s0 =	sadd.s32 @p0 s1, s0  }
0x2d7: {  	[tilespmem:s5], [sflag:$0x6] =	stream.linear.gather @p0 [hbm4b:s0+s4], $0x3, $0x38;
	[tilespmem:$0x1F0E8] =	vst v63  }
0x2d8: {  	s0 =	simm.s32 @p0 $0x6  }
0x2d9: {  	_ =	swait.ge @p0 [sflag:s0], $0x3  }
0x2da: {  	[sflag:s0] =	ssyncset.done @p0 $0x0  }
0x2db: {  	[sflag:s0] =	ssyncadd.s32 @p0 $0xFFFFFFFD  }
0x2dc: {  	v1 =	vld @p0 [tilespmem:$0x3638];
	_ =	sdelay $0x2  }
0x2dd: {  	s0 =	sshll.u32 @p0 s3, $0x6  }
0x2de: {  	s5 =	sshll.u32 @!p0 s3, $0x6;
	s4 =	sshrl.u32 @p0 s0, $0x2  }
0x2df: {  	s5 =	smov.u32 @p0 s0;
	[tilespmem:s4+$0x3678] =	vst.add.f32.msk @p0 $0xffff, v1  }
0x2e0: {  	s0 =	sshrl.u32 s5, $0x2;
	[tilespmem:s2+$0x3658] =	vst.msk $0x1, v0  }
0x2e1: {  	v0 =	vld [tilespmem:s0+$0x3678];
	_ =	sdelay $0x2  }
0x2e2: {  	s31 =	sshll.u32 s2, $0x6  }
0x2e3: {  	s0 =	sshra.s32 s31, $0x2  }
0x2e4: {  	s2 =	sadd.s32 $0x1, s2;
	[tilespmem:s0+$0x3678] =	vst v0  }
.LBB2_30:
0x2e5: {  	s3 =	sadd.s32 $0x1, s3  }
0x2e6: {  	p0 =	sne.s32 s3, $0x20  }
.Ltmp19:
0x2e7: {  	_ = 	snop;
	(pc) =	sbr.rel @!p0 .LBB2_31-.Ltmp19, $1  }
0x2e8: {  	_ =	sdelay $0x3  }
.LBB2_23:
0x2e9: {  	v0 =	vld.msk [tilespmem:s3+$0x3658], $0x1;
	_ =	sdelay $0x4  }
0x2ea: {  	(v2sf) =	vpush v0, $0x0;
	_ =	sdelay $0xe  }
0x2eb: {  	s4 =	spop (v2sf)  }
0x2ec: {  	p0 =	seq.s32 s4, $0xFFFFFFFF  }
.Ltmp20:
0x2ed: {  	_ = 	snop;
	(pc) =	sbr.rel @p0 .LBB2_30-.Ltmp20, $1  }
0x2ee: {  	_ =	sdelay $0x3  }
0x2ef: {  	p0 =	slt.s32 s2, $0x1  }
.Ltmp21:
0x2f0: {  	_ = 	snop;
	(pc) =	sbr.rel @p0 .LBB2_28-.Ltmp21, $1  }
0x2f1: {  	_ =	sdelay $0x3  }
0x2f2: {  	s5 =	simm.s32 $0x3658;
	p0 =	por $0x0, $0x0  }
0x2f3: {  	v1 =	vld.msk @!p0 [tilespmem:s5+$0x0], $0x1;
	_ =	sdelay $0x4  }
0x2f4: {  	(v2sf) =	vpush @!p0 v1, $0x0;
	_ =	sdelay $0xd  }
0x2f5: {  	p2 =	sne.s32 s2, $0x1  }
.Ltmp22:
0x2f6: {  	s0 =	spop @!p0 (v2sf);
	(pc) =	sbr.rel @!p2 .LBB2_27-.Ltmp22, $4  }
0x2f7: {  	p1 =	seq.s32 @!p0 s4, s0  }
0x2f8: {  	s6 =	simm.s32 $0x0;
	p1 =	por !p1, p0  }
0x2f9: {  	s0 =	simm.s32 $0xFFFFFFFF;
	s6 =	simm.s32 @p1 $0xFFFFFFFF  }
0x2fa: {  	s7 =	simm.s32 $0x1;
	s6 =	smov.u32 @p0 s0  }
.LBB2_26:
0x2fb: {  	s0 =	smov.u32 s6;
	p0 =	sne.s32 s6, $0xFFFFFFFF  }
0x2fc: {  	s5 =	sadd.s32 $0x1, s5;
	s6 =	smov.u32 s7;
	s7 =	sadd.s32 $0x1, s7  }
0x2fd: {  	p1 =	sne.s32 s2, s7;
	v1 =	vld.msk @!p0 [tilespmem:s5+$0x0], $0x1;
	_ =	sdelay $0x4  }
0x2fe: {  	(v2sf) =	vpush @!p0 v1, $0x0;
	_ =	sdelay $0xe  }
.Ltmp23:
0x2ff: {  	s8 =	spop @!p0 (v2sf);
	(pc) =	sbr.rel @p1 .LBB2_26-.Ltmp23, $4  }
0x300: {  	p2 =	seq.s32 @!p0 s4, s8  }
0x301: {  	p2 =	por !p2, p0  }
0x302: {  	s6 =	simm.s32 @p2 $0xFFFFFFFF  }
0x303: {  	s6 =	smov.u32 @p0 s0  }
.LBB2_27:
0x304: {  	p0 =	sne.s32 s6, $0xFFFFFFFF  }
.Ltmp24:
0x305: {  	_ = 	snop;
	(pc) =	sbr.rel @!p0 .LBB2_28-.Ltmp24, $1  }
0x306: {  	_ =	sdelay $0x3  }
0x307: {  	s0 =	sshll.u32 s3, $0x4  }
0x308: {  	s0 =	sand.u32 $0x3FFFFFF0, s0  }
0x309: {  	v0 =	vld [tilespmem:s0+$0x3678]  }
.Ltmp25:
0x30a: {  	_ = 	snop;
	(pc) =	sbr.rel .LBB2_30-.Ltmp25, $4  }
0x30b: {  	_ = 	snop  }
0x30c: {  	s31 =	sshll.u32 s6, $0x6  }
0x30d: {  	s0 =	sshra.s32 s31, $0x2  }
0x30e: {  	[tilespmem:s0+$0x3678] =	vst.add.f32.msk $0xffff, v0  }
.LBB2_31:
0x30f: {  	p0 =	slt.s32 s2, $0x1  }
.Ltmp26:
0x310: {  	_ = 	snop;
	(pc) =	sbr.rel @p0 .LBB2_35-.Ltmp26, $3  }
0x311: {  	_ =	sdelay $0x1  }
0x312: {  	s0 =	simm.s32 $0x6  }
0x313: {  	s3 =	simm.s32 $0x0;
	[sflag:s0] =	ssyncpa.u1 $0x1  }
0x314: {  	s0 =	simm.s32 $0x3658  }
0x315: {  	v0 =	vld.msk [tilespmem:s0+$0x0], $0x1;
	_ =	sdelay $0x4  }
0x316: {  	(v2sf) =	vpush v0, $0x0;
	_ =	sdelay $0xd  }
0x317: {  	s2 =	sadd.s32 $0xFFFFFFFF, s2  }
0x318: {  	p1 =	sne.s32 s2, $0x0;
	s0 =	spop (v2sf)  }
.Ltmp27:
0x319: {  	p0 =	sgt.u32 s0, $0x1D4C7F;
	(pc) =	sbr.rel @!p1 .LBB2_34-.Ltmp27, $4  }
0x31a: {  	s4 =	simm.s32 $0x3678;
	s5 =	sand.u32 @!p0 $0x1FFFF8, s0  }
0x31b: {  	s6 =	simm.s32 $0x0;
	s0 =	sand.u32 @!p0 $0x7, s0;
	s5 =	sadd.s32 @!p0 s1, s5  }
0x31c: {  	[hbm4b:s5+s0] =	stream.linear.scatter @!p0 [tilespmem:s4], [sflag:$0x5], $0x3, $0x38;
	[tilespmem:$0x1F0E8] =	vst v63  }
0x31d: {  	s6 =	simm.s32 @!p0 $0xC;
	s5 =	simm.s32 $0x3659  }
.LBB2_33:
0x31e: {  	v0 =	vld.msk [tilespmem:s5+$0x0], $0x1;
	s2 =	sadd.s32 $0xFFFFFFFF, s2;
	s3 =	sadd.s32 s3, s6  }
0x31f: {  	p0 =	sne.s32 s2, $0x0;
	_ =	sdelay $0x3  }
0x320: {  	(v2sf) =	vpush v0, $0x0;
	_ =	sdelay $0xe  }
.Ltmp28:
0x321: {  	s0 =	spop (v2sf);
	(pc) =	sbr.rel @p0 .LBB2_33-.Ltmp28, $4  }
0x322: {  	s6 =	simm.s32 $0x0;
	p1 =	sgt.u32 s0, $0x1D4C7F  }
0x323: {  	s4 =	sadd.s32 $0x10, s4;
	s6 =	simm.s32 @!p1 $0xC;
	s7 =	sand.u32 @!p1 $0x1FFFF8, s0  }
0x324: {  	s5 =	sadd.s32 $0x1, s5;
	s0 =	sand.u32 @!p1 $0x7, s0;
	s7 =	sadd.s32 @!p1 s1, s7  }
0x325: {  	[hbm4b:s7+s0] =	stream.linear.scatter @!p1 [tilespmem:s4], [sflag:$0x5], $0x3, $0x38;
	[tilespmem:$0x1F0E8] =	vst v63  }
.LBB2_34:
0x326: {  	s0 =	sadd.s32 s3, s6  }
0x327: {  	s3 =	sshrl.u32 s0, $0x2  }
.LBB2_35:
0x328: {  	s0 =	simm.s32 $0x5  }
0x329: {  	_ =	swait.ge [sflag:s0], s3  }
0x32a: {  	s1 =	ssub.s32 $0x0, s3;
	[sflag:s0] =	ssyncset.done $0x0  }
0x32b: {  	[sflag:s0] =	ssyncadd.s32 s1  }
0x32c: {  	[sflag:s0] =	ssyncpa.u1 $0x1  }
0x32d: {  	s30 =	simm.s32 $0x1;
	_ =	sfence  }
0x32e: {  	[sflag:s30] =	ssyncpa.u1 $0x1  }
0x32f: {  	_ =	strace $0x90000050  }
0x330: {  	[bflag:$0x2] =	sbarrier.arrive $0xFFFF  }
0x331: {  	s31 =	rddreg [dreg:$0x1]  }
0x332: {  	s0 =	sadd.s32 $0x100000, s31  }
0x333: {  	[sflag:s0] =	ssyncadd.tile.s32 $0x1;
	_ =	shalt  }
.Lfunc_end2:
_tile_overlayer_lowered:
.L_overlay_start_2:
0x334: {  	(tag) =	ssettag $0x2  }
0x335: {  	s0 =	rddreg [dreg:$0x0];
	s2 =	stileid.u32  }
0x336: {  	s1 =	rddreg [dreg:$0x1];
	p0 =	sne.s32 s2, $0x0  }
0x337: {  	s3 =	rddreg [dreg:$0x2];
	[bflag:$0x3] =	sbarrier.arrive $0xFFFF;
	s2 =	simm.s32 @!p0 $0x1C01  }
0x338: {  	[timem:s3], [sflag:s2] =	dma.local @!p0 [hbm:s0], s1  }
0x339: {  	s0 =	simm.s32 @!p0 $0x1  }
0x33a: {  	_ =	swait.ge @!p0 [sflag:s0], s1  }
0x33b: {  	s1 =	ssub.s32 @!p0 $0x0, s1;
	[sflag:s0] =	ssyncset.done @!p0 $0x0  }
0x33c: {  	[sflag:s0] =	ssyncadd.s32 @!p0 s1  }
0x33d: {  	[bflag:$0x3] =	sbarrier.arrive $0xFFFF  }
0x33e: {  	_ =	shalt  }

// kernel: sparse-core-data-format-call.cloned.1.call-start
scs
called_computation.2_lowered:
.L_overlay_start_0:
0x0: {  	s1 =	sld [smem:$0x3FD9]  }
0x1: {  	s2 =	sld [smem:$0x3FFE];
	_ =	sdelay $0x1  }
0x2: {  	s3 =	srdreg.scid  }
0x3: {  	s0 =	sand.u32 $0x1, s3  }
0x4: {  	s17 =	sshll.u32 s0, $0xA;
	s1 =	sadd.s32 s2, s1  }
0x5: {  	s1 =	sadd.s32 s1, s17  }
0x6: {  	[smem:$0x3FC3] =	sst s1  }
0x7: {  	_ = 	snop  }
0x8: {  	(tm) =	ssettm $0x1  }
0x9: {  	s18 =	sld [smem:$0x3FFB];
	_ =	sdelay $0x3  }
0xa: {  	_ =	strace s18  }
0xb: {  	s1 =	sld [smem:$0x3FFC];
	_ =	sdelay $0x3  }
0xc: {  	_ =	strace s1  }
0xd: {  	s1 =	sld [smem:$0x3FFD];
	_ =	sdelay $0x3  }
0xe: {  	_ =	strace s1  }
0xf: {  	_ =	strace $0x8FFFFFFF  }
0x10: {  	s19 =	sld [smem:$0x3FDB];
	_ =	sdelay $0x1  }
0x11: {  	s20 =	simm.s32 $_scs_section_size  }
0x12: {  	s4 =	simm.s32 $_size__tile_overlayer_lowered;
	s5 =	simm.s32 $_tile_overlayer_lowered  }
0x13: {  	s23 =	simm.s32 $0x1BFF;
	s22 =	sshll.u32 s5, $0x1;
	s1 =	sadd.s32 s20, s19  }
0x14: {  	s6 =	simm.s32 $0x0;
	s21 =	sshll.u32 s4, $0x1;
	s4 =	sadd.s32 s22, s1  }
0x15: {  	[timem:s6], [sflag:s23] =	dma.local [hbm:s4], s21  }
0x16: {  	_ =	swait.ge [sflag:s23], s21  }
0x17: {  	s2 =	ssub.s32 $0x0, s21;
	[sflag:s23] =	ssyncset.done $0x0  }
0x18: {  	[sflag:s23] =	ssyncadd.s32 s2;
	_ =	sdelay $0x1  }
0x19: {  	s24 =	simm.s32 $0x1B8B  }
0x1a: {  	_ =	swait.ge [sflag:s24], $0x1  }
0x1b: {  	[sflag:s24] =	ssyncset.done $0x0  }
0x1c: {  	s26 =	simm.s32 $0x1B8E;
	s25 =	sld [smem:$0x3FFE];
	[sflag:s24] =	ssyncadd.s32 $0xFFFFFFFF  }
0x1d: {  	s27 =	simm.s32 $execute0_lowered;
	[smem:$0x3FD2] =	sst s26  }
0x1e: {  	s4 =	sshll.u32 s27, $0x1;
	_ =	strace $0x80000052;
	[dreg:$0x1] =	wrdreg $0xFFFFFFFF  }
0x1f: {  	s28 =	simm.s32 $_size_execute0_lowered;
	s1 =	sadd.s32 s1, s4;
	[dreg:$0x0] =	wrdreg $0x0  }
0x20: {  	s4 =	sshll.u32 s28, $0x1;
	[dreg:$0x2] =	wrdreg s1  }
0x21: {  	[dreg:$0x3] =	wrdreg s4  }
0x22: {  	[dreg:$0x4] =	wrdreg $0xC0  }
0x23: {  	_ =	task [dreg:s6], $0x5FFFF  }
0x24: {  	[dreg:$0x1] =	wrdreg $0xFFFFFFFF  }
0x25: {  	[dreg:$0x0] =	wrdreg $0x60  }
0x26: {  	[dreg:$0x2] =	wrdreg s25  }
0x27: {  	[dreg:$0x3] =	wrdreg $0x9  }
0x28: {  	_ =	task.clear_ibuf [dreg:s6], $0x4FFFF;
	_ =	strace $0x90000052  }
0x29: {  	s29 =	simm.s32 $0x9;
	_ =	strace $0x80000054  }
0x2a: {  	_ =	swait.ge [sflag:s29], $0x1  }
0x2b: {  	[sflag:s29] =	ssyncadd.s32 $0xFFFFFFFF  }
0x2c: {  	_ =	strace $0x90000054  }
0x2d: {  	_ =	sfence  }
0x2e: {  	s30 =	sld [smem:$0x0];
	_ =	sdelay $0x2  }
0x2f: {  	s31 =	sshll.u32 s3, $0xD;
	s3 =	sshrl.u32 s3, $0x2  }
0x30: {  	s2 =	sand.u32 $0x4000, s31;
	s1 =	sadd.s32 s3, s30  }
0x31: {  	s0 =	sor.u32 s2, s0;
	s1 =	sshll.u32 s1, $0x11  }
0x32: {  	s0 =	sor.u32 s1, s0  }
0x33: {  	s0 =	sadd.s32 $0x8F2B, s0  }
0x34: {  	[sflag:s0] =	ssyncadd.remote.s32 $0x1  }
0x35: {  	_ =	sfence.sel $0xFFFF  }
0x36: {  	[dreg:$0x0] =	wrdreg $0xFFFFFFFF;
	(pc) =	sbr.abs _section_cstart, $3  }
0x37: {  	[dreg:$0x1] =	wrdreg $0xFFFFFFFF  }
0x38: {  	_ =	task.clear_ibuf [dreg:s6], $0x2FFFF;
	_ =	strace $0x9FFFFFFF  }
0x39: {  	(tm) =	ssettm $0x7FFFFFFF  }
tec
execute0_lowered:
.L_overlay_start_1:
0x0: {  	(tag) =	ssettag $0x1  }
0x1: {  	s0 =	srdreg.scid  }
0x2: {  	s6 =	rddreg [dreg:$0x0];
	s7 =	simm.s32 $0x1;
	s1 =	sshll.u32 s0, $0x4  }
0x3: {  	s8 =	simm.s32 $0x2;
	s0 =	stileid.u32;
	s1 =	sand.u32 $0x10, s1  }
0x4: {  	s13 =	simm.s32 $0x0;
	s12 =	simm.s32 $0x0;
	s1 =	sor.u32 s0, s1  }
0x5: {  	s10 =	simm.s32 $0x0;
	s11 =	simm.s32 $0x0;
	s2 =	sshll.u32 s1, $0x8  }
0x6: {  	s3 =	sadd.s32 $0x5C8600, s6;
	s6 =	sadd.s32 $0x2DE00, s6;
	s5 =	ssub.s32 $0x4E200, s2  }
.Ltmp0:
0x7: {  	s1 =	rddreg [dreg:$0x1];
	s4 =	sand.u32 $0x1F00, s5;
	(pc) =	sbr.rel .LBB1_1-.Ltmp0, $4  }
0x8: {  	_ =	strace $0x80000053;
	s9 =	smov.u32 s2;
	p0 =	sne.s32 s4, $0x0  }
0x9: {  	s5 =	sshrl.u32 s5, $0xD;
	s4 =	simm.s32 $0x1;
	s7 =	simm.s32 @!p0 $0x0  }
0xa: {  	[sflag:s4] =	ssyncpa.u1 $0x0;
	p0 =	por $0x0, $0x0;
	s5 =	sadd.s32 s7, s5  }
0xb: {  	[sflag:s8] =	ssyncpa.u1 $0x0;
	s8 =	simm.s32 $0x80;
	s7 =	sadd.s32 $0x1, s5  }
.LBB1_4:
0xc: {  	_ =	sdelay $0x3  }
0xd: {  	s21 =	sor.u32 s24, s23;
	v47 =	vld.idx.msk [tilespmem:v0+s16+$0x470 ss:$0x1], $0xffff  }
0xe: {  	v57 =	vld.idx.msk [tilespmem:v0+s21+$0x410 ss:$0x1], $0xffff  }
0xf: {  	v58 =	vld.idx.msk [tilespmem:v0+s21+$0x420 ss:$0x1], $0xffff  }
0x10: {  	[tilespmem:s18+$0x1860 ss:$0x41] =	vst.msk $0xffff, v8;
	v59 =	vld.idx.msk [tilespmem:v0+s21+$0x430 ss:$0x1], $0xffff  }
0x11: {  	[tilespmem:s18+$0x1C70 ss:$0x41] =	vst.msk $0xffff, v7;
	v60 =	vld.idx.msk [tilespmem:v0+s21+$0x440 ss:$0x1], $0xffff  }
0x12: {  	[tilespmem:s18+$0x2490 ss:$0x41] =	vst.msk $0xffff, v1;
	s22 =	sand.u32 $0x3B00, s21;
	v61 =	vld.idx.msk [tilespmem:v0+s21+$0x450 ss:$0x1], $0xffff  }
0x13: {  	s20 =	sand.u32 $0x80, s20;
	[tilespmem:s18+$0x28A0 ss:$0x41] =	vst.msk $0xffff, v2;
	v62 =	vld.idx.msk [tilespmem:v0+s21+$0x460 ss:$0x1], $0xffff;
	s15 =	sadd.s32 s22, s15  }
0x14: {  	[tilespmem:s18+$0x2CB0 ss:$0x41] =	vst.msk $0xffff, v3;
	v63 =	vld.idx.msk [tilespmem:v0+s21+$0x470 ss:$0x1], $0xffff;
	s15 =	sadd.s32 s20, s15  }
0x15: {  	[tilespmem:s18+$0x30C0 ss:$0x41] =	vst.msk $0xffff, v4;
	v48 =	vld [tilespmem:s15+$0x400]  }
0x16: {  	[tilespmem:s18+$0x34D0 ss:$0x41] =	vst.msk $0xffff, v5;
	v49 =	vld [tilespmem:s15+$0x0]  }
0x17: {  	s25 =	sshra.s32 s19, $0x2;
	[tilespmem:s18+$0x38E0 ss:$0x41] =	vst.msk $0xffff, v6;
	v50 =	vld [tilespmem:s15+$0x10]  }
0x18: {  	s16 =	sadd.s32 s25, s17;
	v51 =	vld [tilespmem:s15+$0x20];
	[tilespmem:s18+$0x3CF0 ss:$0x41] =	vst.msk $0xffff, v47  }
0x19: {  	v52 =	vld [tilespmem:s15+$0x30];
	[tilespmem:s16+$0x2490 ss:$0x41] =	vst.msk $0xffff, v57  }
0x1a: {  	v53 =	vld [tilespmem:s15+$0x40];
	[tilespmem:s16+$0x28A0 ss:$0x41] =	vst.msk $0xffff, v58  }
0x1b: {  	v54 =	vld [tilespmem:s15+$0x50];
	[tilespmem:s16+$0x2CB0 ss:$0x41] =	vst.msk $0xffff, v59  }
0x1c: {  	s13 =	sshll.u32 s13, $0x7;
	s26 =	sshll.u32 s12, $0x3;
	v55 =	vld [tilespmem:s15+$0x60];
	[tilespmem:s16+$0x30C0 ss:$0x41] =	vst.msk $0xffff, v60  }
0x1d: {  	s27 =	sand.u32 $0xFFFFFC00, s13;
	v56 =	vld [tilespmem:s15+$0x70];
	s15 =	sand.u32 $0xFFFFFC00, s26;
	[tilespmem:s16+$0x34D0 ss:$0x41] =	vst.msk $0xffff, v61  }
0x1e: {  	s13 =	sand.u32 $0x380, s13;
	s15 =	sadd.s32 s15, s27;
	[tilespmem:s16+$0x38E0 ss:$0x41] =	vst.msk $0xffff, v62  }
0x1f: {  	s13 =	sor.u32 s13, s15;
	[tilespmem:s16+$0x3CF0 ss:$0x41] =	vst.msk $0xffff, v63  }
0x20: {  	s13 =	sshrl.u32 s13, $0x7;
	[tilespmem:s16+$0x2080 ss:$0x41] =	vst.msk $0xffff, v48  }
0x21: {  	s28 =	smulhi.u32 $0x1A36E2F, s13;
	[tilespmem:s16+$0x0 ss:$0x41] =	vst.msk $0xffff, v49  }
0x22: {  	[tilespmem:s16+$0x410 ss:$0x41] =	vst.msk $0xffff, v50  }
0x23: {  	[tilespmem:s16+$0x820 ss:$0x41] =	vst.msk $0xffff, v51;
	s15 =	sshrl.u32 s28, $0xB  }
0x24: {  	[tilespmem:s16+$0xC30 ss:$0x41] =	vst.msk $0xffff, v52;
	s15 =	smul.u32 $0x4E200, s15  }
0x25: {  	s29 =	sshrl.u32 s12, $0x3;
	[tilespmem:s16+$0x1040 ss:$0x41] =	vst.msk $0xffff, v53  }
0x26: {  	s31 =	sand.u32 $0x7, s12;
	s30 =	sand.u32 $0xF, s29;
	[tilespmem:s16+$0x1450 ss:$0x41] =	vst.msk $0xffff, v54;
	s13 =	ssub.s32 s13, s15  }
0x27: {  	s12 =	sshll.u32 s31, $0x12;
	[tilespmem:s16+$0x1860 ss:$0x41] =	vst.msk $0xffff, v55;
	s15 =	sadd.s32 s6, s30;
	s13 =	sshll.u32 s13, $0x4  }
0x28: {  	s12 =	sor.u32 $0x40, s12;
	[tilespmem:s16+$0x1C70 ss:$0x41] =	vst.msk $0xffff, v56;
	s13 =	sadd.s32 s13, s15  }
0x29: {  	[hbm4b:s13+s12] =	stream.strided.scatter [tilespmem:s14], [sflag:$0x2], $0x4000, s8, s12, $0x18;
	[tilespmem:$0x10200] =	vst v63  }
.LBB1_5:
0x2a: {  	s14 =	sadd.s32 $0x2000, s9  }
0x2b: {  	s12 =	sadd.s32 $0x40, s10;
	s16 =	smov.u32 s10;
	p2 =	sgt.s32 s14, $0x4E1FF  }
0x2c: {  	s16 =	smov.u32 @p2 s12  }
0x2d: {  	s14 =	smov.u32 @p2 s2;
	p2 =	sgt.s32 s16, $0x3F  }
0x2e: {  	s16 =	simm.s32 @p2 $0x0;
	p2 =	sne.s32 s11, s7  }
.Ltmp1:
0x2f: {  	p1 =	slt.u32 s11, $0x2;
	(pc) =	sbr.rel @!p2 .LBB1_6-.Ltmp1, $4  }
0x30: {  	s15 =	simm.s32 @!p1 $0x2  }
0x31: {  	s13 =	smov.u32 s9;
	p0 =	por !p0, !p0;
	_ =	swait.ge @!p1 [sflag:s15], $0x4000  }
0x32: {  	s12 =	smov.u32 s10;
	[sflag:s15] =	ssyncset.done @!p1 $0x0;
	s9 =	smov.u32 s14  }
0x33: {  	s11 =	sadd.s32 $0x1, s11;
	[sflag:s15] =	ssyncadd.s32 @!p1 $0xFFFFC000;
	s10 =	smov.u32 s16  }
.LBB1_1:
0x34: {  	p1 =	sge.u32 s11, s5  }
0x35: {  	s14 =	sshrl.u32 @!p1 s10, $0x3  }
0x36: {  	s15 =	sshll.u32 @!p1 s9, $0x3;
	s14 =	smul.u32 @!p1 $0x271000, s14  }
0x37: {  	s16 =	sshll.u32 @!p1 s10, $0x7;
	s15 =	sand.u32 @!p1 $0xFFFFFC00, s15  }
0x38: {  	s14 =	sadd.s32 @!p1 s14, s15;
	s15 =	sand.u32 @!p1 $0x380, s16  }
0x39: {  	s16 =	sand.u32 @!p1 $0x7F, s9;
	s14 =	sor.u32 @!p1 s15, s14  }
0x3a: {  	s15 =	sor.u32 @!p1 s16, s14  }
0x3b: {  	s16 =	smulhi.u32 @!p1 $0xD1B71759, s15;
	_ =	sdelay $0x1  }
0x3c: {  	s14 =	smulhi.u32 @!p1 $0xD1B71759, s14;
	s16 =	sshrl.u32 @!p1 s16, $0x12  }
0x3d: {  	s16 =	smul.u32 @!p1 $0x4E200, s16  }
0x3e: {  	s31 =	sadd.s32 $0xFFFFFFFF, s11;
	s17 =	sxor.u32 @!p1 $0xFFFFFFFF, s11;
	s14 =	sshrl.u32 @!p1 s14, $0x12  }
0x3f: {  	s17 =	sshll.u32 @!p1 s17, $0xE;
	s14 =	sand.u32 @!p1 $0x3F, s14;
	s15 =	ssub.s32 @!p1 s15, s16  }
0x40: {  	s14 =	smul.u32 @!p1 $0x9C40, s14;
	s16 =	sshrl.u32 @!p1 s15, $0x3;
	s15 =	sand.u32 @!p1 $0x7, s15  }
0x41: {  	s17 =	sand.u32 @!p1 $0x4000, s17;
	s16 =	sadd.s32 @!p1 s3, s16;
	s15 =	sshll.u32 @!p1 s15, $0x12  }
0x42: {  	s14 =	sadd.s32 @!p1 s14, s16;
	s15 =	sor.u32 @!p1 $0x800, s15;
	s16 =	simm.s32 @!p1 $0x271000  }
0x43: {  	[tilespmem:s17], [sflag:$0x1] =	stream.strided.gather @!p1 [hbm4b:s14+s15], $0x4000, s16, s15, $0x38;
	[tilespmem:$0x10200] =	vst v63  }
0x44: {  	p1 =	sge.u32 s31, s5  }
.Ltmp2:
0x45: {  	_ = 	snop;
	(pc) =	sbr.rel @p1 .LBB1_5-.Ltmp2, $1  }
0x46: {  	_ =	sdelay $0x3  }
0x47: {  	s17 =	simm.s32 $0x0  }
0x48: {  	s16 =	sand.u32 $0x3800, s17;
	s18 =	sand.u32 $0x380, s17  }
0x49: {  	s14 =	sand.u32 $0x1, s11;
	s16 =	sor.u32 s18, s16  }
0x4a: {  	_ =	swait.ge [sflag:s4], $0x4000;
	s15 =	sshll.u32 s14, $0xE;
	s18 =	sand.u32 $0x3B00, s16  }
0x4b: {  	[sflag:s4] =	ssyncset.done $0x0;
	s17 =	sand.u32 $0x80, s17;
	s18 =	sadd.s32 s18, s15  }
0x4c: {  	[sflag:s4] =	ssyncadd.s32 $0xFFFFC000;
	s20 =	sadd.s32 s17, s18  }
0x4d: {  	v4 =	vld [tilespmem:s20+$0x400]  }
0x4e: {  	s19 =	simm.s32 $0x1;
	v5 =	vld [tilespmem:s20+$0x0]  }
0x4f: {  	s19 =	simm.s32 @!p0 $0x0;
	v6 =	vld [tilespmem:s20+$0x10]  }
0x50: {  	v0 =	vmov s15;
	s31 =	smul.u32 $0x10400, s19;
	v7 =	vld [tilespmem:s20+$0x20]  }
0x51: {  	v9 =	vld [tilespmem:s20+$0x30]  }
0x52: {  	s17 =	sshrl.u32 s31, $0x2;
	v10 =	vld [tilespmem:s20+$0x40]  }
0x53: {  	s17 =	sor.u32 $0x8000, s17;
	v11 =	vld [tilespmem:s20+$0x50]  }
0x54: {  	v8 =	vld [tilespmem:s20+$0x60];
	s18 =	sadd.s32 $0x0, s17  }
0x55: {  	v1 =	vld.idx.msk [tilespmem:v0+s16+$0x410 ss:$0x1], $0xffff;
	[tilespmem:s18+$0x2080 ss:$0x41] =	vst.msk $0xffff, v4  }
0x56: {  	v2 =	vld.idx.msk [tilespmem:v0+s16+$0x420 ss:$0x1], $0xffff;
	[tilespmem:s18+$0x0 ss:$0x41] =	vst.msk $0xffff, v5  }
0x57: {  	v3 =	vld.idx.msk [tilespmem:v0+s16+$0x430 ss:$0x1], $0xffff;
	[tilespmem:s18+$0x410 ss:$0x41] =	vst.msk $0xffff, v6  }
0x58: {  	s14 =	smul.u32 $0x10400, s14;
	[tilespmem:s18+$0x820 ss:$0x41] =	vst.msk $0xffff, v7;
	v7 =	vld [tilespmem:s20+$0x70]  }
0x59: {  	s21 =	simm.s32 $0x100;
	s22 =	simm.s32 $0x8;
	[tilespmem:s18+$0xC30 ss:$0x41] =	vst.msk $0xffff, v9;
	v4 =	vld.idx.msk [tilespmem:v0+s16+$0x440 ss:$0x1], $0xffff  }
0x5a: {  	s23 =	sand.u32 $0x3800, s21;
	s14 =	sshrl.u32 s14, $0x2;
	[tilespmem:s18+$0x1040 ss:$0x41] =	vst.msk $0xffff, v10;
	v5 =	vld.idx.msk [tilespmem:v0+s16+$0x450 ss:$0x1], $0xffff;
	s20 =	simm.s32 $0x80  }
0x5b: {  	s19 =	simm.s32 $0x4;
	s14 =	sor.u32 $0x8000, s14;
	[tilespmem:s18+$0x1450 ss:$0x41] =	vst.msk $0xffff, v11;
	v6 =	vld.idx.msk [tilespmem:v0+s16+$0x460 ss:$0x1], $0xffff;
	s24 =	sand.u32 $0x380, s20  }
.LBB1_3:
0x5c: {  	p1 =	sne.s32 s22, $0xFC;
	[tilespmem:s18+$0x1860 ss:$0x41] =	vst.msk $0xffff, v8;
	v8 =	vld.idx.msk [tilespmem:v0+s16+$0x470 ss:$0x1], $0xffff;
	s16 =	sor.u32 s24, s23  }
0x5d: {  	s23 =	sand.u32 $0x3B00, s16;
	v9 =	vld.idx.msk [tilespmem:v0+s16+$0x410 ss:$0x1], $0xffff;
	[tilespmem:s18+$0x1C70 ss:$0x41] =	vst.msk $0xffff, v7  }
0x5e: {  	s24 =	sand.u32 $0x80, s20;
	s23 =	sadd.s32 s23, s15;
	v7 =	vld.idx.msk [tilespmem:v0+s16+$0x420 ss:$0x1], $0xffff;
	[tilespmem:s18+$0x2490 ss:$0x41] =	vst.msk $0xffff, v1  }
0x5f: {  	s23 =	sadd.s32 s24, s23;
	v10 =	vld.idx.msk [tilespmem:v0+s16+$0x430 ss:$0x1], $0xffff;
	[tilespmem:s18+$0x28A0 ss:$0x41] =	vst.msk $0xffff, v2  }
0x60: {  	v11 =	vld [tilespmem:s23+$0x400];
	[tilespmem:s18+$0x2CB0 ss:$0x41] =	vst.msk $0xffff, v3  }
0x61: {  	v12 =	vld [tilespmem:s23+$0x0];
	[tilespmem:s18+$0x30C0 ss:$0x41] =	vst.msk $0xffff, v4  }
0x62: {  	v4 =	vld [tilespmem:s23+$0x10];
	[tilespmem:s18+$0x34D0 ss:$0x41] =	vst.msk $0xffff, v5  }
0x63: {  	s24 =	sshra.s32 s19, $0x2;
	s19 =	smov.u32 s22;
	v1 =	vmov v9;
	v5 =	vld [tilespmem:s23+$0x20];
	[tilespmem:s18+$0x38E0 ss:$0x41] =	vst.msk $0xffff, v6  }
0x64: {  	v2 =	vmov v7;
	v6 =	vld [tilespmem:s23+$0x30];
	[tilespmem:s18+$0x3CF0 ss:$0x41] =	vst.msk $0xffff, v8;
	s18 =	sadd.s32 s24, s17  }
0x65: {  	v3 =	vmov v10;
	v9 =	vld [tilespmem:s23+$0x40];
	[tilespmem:s18+$0x2080 ss:$0x41] =	vst.msk $0xffff, v11  }
0x66: {  	[tilespmem:s18+$0x0 ss:$0x41] =	vst.msk $0xffff, v12;
	v10 =	vld [tilespmem:s23+$0x50]  }
.Ltmp3:
0x67: {  	[tilespmem:s18+$0x410 ss:$0x41] =	vst.msk $0xffff, v4;
	v8 =	vld [tilespmem:s23+$0x60];
	(pc) =	sbr.rel @p1 .LBB1_3-.Ltmp3, $4  }
0x68: {  	[tilespmem:s18+$0x820 ss:$0x41] =	vst.msk $0xffff, v5;
	v7 =	vld [tilespmem:s23+$0x70]  }
0x69: {  	[tilespmem:s18+$0xC30 ss:$0x41] =	vst.msk $0xffff, v6;
	v4 =	vld.idx.msk [tilespmem:v0+s16+$0x440 ss:$0x1], $0xffff  }
0x6a: {  	s20 =	sadd.s32 $0x80, s20;
	s21 =	sadd.s32 $0x100, s21;
	[tilespmem:s18+$0x1040 ss:$0x41] =	vst.msk $0xffff, v9;
	v5 =	vld.idx.msk [tilespmem:v0+s16+$0x450 ss:$0x1], $0xffff  }
0x6b: {  	s22 =	sadd.s32 $0x4, s22;
	s24 =	sand.u32 $0x380, s20;
	s23 =	sand.u32 $0x3800, s21;
	[tilespmem:s18+$0x1450 ss:$0x41] =	vst.msk $0xffff, v10;
	v6 =	vld.idx.msk [tilespmem:v0+s16+$0x460 ss:$0x1], $0xffff  }
.Ltmp4:
0x6c: {  	_ = 	snop;
	(pc) =	sbr.rel .LBB1_4-.Ltmp4, $1  }
0x6d: {  	_ =	sdelay $0x3  }
.LBB1_6:
0x6e: {  	_ =	sfence.sel $0x180000  }
0x6f: {  	s2 =	simm.s32 $0x1;
	[bflag:$0x0] =	sbarrier.arrive $0xFFFF  }
0x70: {  	s31 =	simm.s32 $0x2;
	[sflag:s2] =	ssyncpa.u1 $0x1  }
0x71: {  	[sflag:s31] =	ssyncpa.u1 $0x1  }
0x72: {  	p0 =	sne.s32 s0, $0x0;
	_ =	strace $0x90000053  }
0x73: {  	s0 =	sadd.s32 @!p0 $0x100000, s1;
	[bflag:$0x2] =	sbarrier.arrive $0xFFFF  }
0x74: {  	[sflag:s0] =	ssyncadd.tile.s32 @!p0 $0x1;
	_ =	shalt  }
.Lfunc_end1:
_tile_overlayer_lowered:
.L_overlay_start_2:
0x75: {  	(tag) =	ssettag $0x2  }
0x76: {  	s0 =	rddreg [dreg:$0x0];
	s2 =	stileid.u32  }
0x77: {  	s1 =	rddreg [dreg:$0x1];
	p0 =	sne.s32 s2, $0x0  }
0x78: {  	s3 =	rddreg [dreg:$0x2];
	[bflag:$0x3] =	sbarrier.arrive $0xFFFF;
	s2 =	simm.s32 @!p0 $0x1C01  }
0x79: {  	[timem:s3], [sflag:s2] =	dma.local @!p0 [hbm:s0], s1  }
0x7a: {  	s0 =	simm.s32 @!p0 $0x1  }
0x7b: {  	_ =	swait.ge @!p0 [sflag:s0], s1  }
0x7c: {  	s1 =	ssub.s32 @!p0 $0x0, s1;
	[sflag:s0] =	ssyncset.done @!p0 $0x0  }
0x7d: {  	[sflag:s0] =	ssyncadd.s32 @!p0 s1  }
0x7e: {  	[bflag:$0x3] =	sbarrier.arrive $0xFFFF  }
0x7f: {  	_ =	shalt  }

</sc_bundles>
